<compile_context>
chip_gen: v7x
topology: tpu7x:2x2x1
jax: 0.10.2.dev20260603
libtpu: 0.0.44.dev20260713+nightly
codegen_flags: <defaults>
</compile_context>

<pallas_src>
import functools

import jax
import jax.numpy as jnp
from jax import lax
from jax.experimental import pallas as pl
from jax.experimental.pallas import tpu as pltpu
from jax.experimental.pallas import tpu_sc as plsc

_B = 16384
_D = 32
_NSRC = 10000
_L = 16

_FR = 4
_NF = _D // _FR
_NH = 2
_BQ = _B // _NH


@functools.partial(
    pl.kernel,
    out_type=(
        jax.ShapeDtypeStruct((_D, _B), jnp.int32),
        jax.ShapeDtypeStruct((_D, _B), jnp.float32),
    ),
    mesh=plsc.VectorSubcoreMesh(core_axis_name="c", subcore_axis_name="s"),
    scratch_types=[
        pltpu.VMEM((_BQ,), jnp.int32),
    ],
    compiler_params=pltpu.CompilerParams(use_tc_tiling_on_sc=True,
                                         needs_layout_passes=False),
)
def _gather2(idx_hbm, tgtT_hbm, wT_hbm, out_t, out_w, idx_v):
    w = lax.axis_index("s") * 2 + lax.axis_index("c")
    t = w // 16
    f = (w // _NH) % _NF
    h = w % _NH

    def run(table_hbm, out_hbm, dtype):
        def scoped(slab_v, res_v, sem):
            c_idx = pltpu.async_copy(
                idx_hbm.at[pl.ds(h * _BQ, _BQ)], idx_v, sem)
            c_slab = pltpu.async_copy(table_hbm.at[pl.ds(_FR * f, _FR)],
                                      slab_v, sem)
            c_idx.wait()
            c_slab.wait()

            ck = _BQ // 2
            outs = []
            for c in range(2):
                @plsc.parallel_loop(c * (ck // _L), (c + 1) * (ck // _L),
                                    unroll=16)
                def _gather_loop(i):
                    iv = idx_v[pl.ds(i * _L, _L)]
                    for j in range(_FR):
                        jv = jnp.full((_L,), j, jnp.int32)
                        res_v[j, pl.ds(i * _L, _L)] = plsc.load_gather(
                            slab_v, [jv, iv])

                outs.append(pltpu.async_copy(
                    res_v.at[:, pl.ds(c * ck, ck)],
                    out_hbm.at[pl.ds(_FR * f, _FR),
                               pl.ds(h * _BQ + c * ck, ck)],
                    sem))
            for o in outs:
                o.wait()

        pl.run_scoped(scoped,
                      pltpu.VMEM((_FR, _NSRC), dtype),
                      pltpu.VMEM((_FR, _BQ), dtype),
                      pltpu.SemaphoreType.DMA)

    @pl.when(t == 0)
    def _table_t():
        run(tgtT_hbm, out_t, jnp.int32)

    @pl.when(t == 1)
    def _table_w():
        run(wT_hbm, out_w, jnp.float32)


def kernel(src_neurons, cached_targets, weights):
    outTt, outTw = _gather2(src_neurons.astype(jnp.int32),
                            cached_targets.T, weights.T)
    return outTt.T, outTw.T

# --- scband reference (transcript-rebuilt; emitter-appended) ---
"""Pipeline reference for scband-procedural-connectivity-78778290143905 (READ-ONLY COPY).

The authoritative reference and input builder live on the scoring server;
editing this copy changes nothing except your own understanding.
"""

import jax, jax.numpy as jnp
import numpy as np

NUM_SRC = 10000
NUM_DST = 100000
FAN_OUT = 32
SEED = 42
BATCH = 16384


def _hash_neuron(src_neuron: int, connection_idx: int) -> int:
    x = src_neuron * 2654435761 + connection_idx * 2246822519 + SEED
    x = (x >> 16 ^ x) * 73244475
    x = (x >> 16 ^ x) * 73244475
    x = x >> 16 ^ x
    return x % NUM_DST


def _generate_targets_for_neuron(src_neuron: int):
    targets = []
    seen = set()
    connection_idx = 0
    while len(targets) < FAN_OUT:
        t = _hash_neuron(src_neuron, connection_idx)
        if t not in seen:
            targets.append(t)
            seen.add(t)
        connection_idx += 1
        if connection_idx > FAN_OUT * 10:
            for t in range(NUM_DST):
                if t not in seen and len(targets) < FAN_OUT:
                    targets.append(t)
            break
    return targets


def _precompute_targets() -> np.ndarray:
    rows = [_generate_targets_for_neuron(s) for s in range(NUM_SRC)]
    return np.asarray(rows, dtype=np.int64)


def setup_inputs(seed: int = 0) -> dict:
    key = jax.random.key(seed)
    k_w, k_idx = jax.random.split(key)
    weights = jax.random.normal(k_w, (NUM_SRC, FAN_OUT), dtype=jnp.float32) * 0.5
    src_neurons = jax.random.randint(k_idx, (BATCH,), 0, NUM_SRC, dtype=jnp.int64)
    cached_targets = jnp.asarray(_precompute_targets())
    return {"src_neurons": src_neurons, "cached_targets": cached_targets, "weights": weights}


def reference(src_neurons, cached_targets, weights):
    # forward: gather precomputed target indices and learned weights
    targets = jnp.take(cached_targets, src_neurons, axis=0)
    w = jnp.take(weights, src_neurons, axis=0)
    return (targets, w)

if __name__ == "__main__":
    import jax
    _d = setup_inputs()
    print(jax.jit(kernel)(*tuple(_d.values())))

</pallas_src>

<mosaic_0001>
#map = affine_map<(d0, d1) -> (0)>
#map1 = affine_map<(d0, d1) -> (0, 0)>
module attributes {stable_mosaic.version = 14 : i64} {
  func.func @_gather2(%arg0: i32, %arg1: i32, %arg2: memref<16384xi32, #tpu.memory_space<hbm>>, %arg3: memref<32x10000xi32, #tpu.memory_space<hbm>>, %arg4: memref<32x10000xf32, #tpu.memory_space<hbm>>, %arg5: memref<32x16384xi32, #tpu.memory_space<hbm>>, %arg6: memref<32x16384xf32, #tpu.memory_space<hbm>>, %arg7: memref<8192xi32, #tpu.memory_space<vmem>>) attributes {dimension_semantics = [#tpu.dimension_semantics<core_parallel>, #tpu.dimension_semantics<subcore_parallel>], iteration_bounds = array<i64: 2, 16>, scalar_prefetch = 0 : i64, scratch_operands = 1 : i64, tpu.core_type = #tpu.core_type<sc_vector_subcore>, window_params = [{transform_indices = #map}, {transform_indices = #map1}, {transform_indices = #map1}, {transform_indices = #map1}, {transform_indices = #map1}]} {
    %mul3A = arith.constant 2 : i32
    %mul3A_0 = arith.muli %arg1, %mul3A : i32
    %add3A = arith.addi %mul3A_0, %arg0 : i32
    %jit3A = arith.constant 16 : i32
    %div3A = arith.divsi %add3A, %jit3A : i32
    %sign3A = arith.constant 0 : i32
    %sign3A_1 = arith.cmpi sgt, %add3A, %sign3A : i32
    %sign3A_2 = arith.extui %sign3A_1 : i1 to i32
    %sign3A_3 = arith.constant 0 : i32
    %sign3A_4 = arith.cmpi slt, %add3A, %sign3A_3 : i32
    %sign3A_5 = arith.extui %sign3A_4 : i1 to i32
    %sign3A_6 = arith.subi %sign3A_2, %sign3A_5 : i32
    %sign3A_7 = arith.constant 0 : i32
    %sign3A_8 = arith.cmpi sgt, %jit3A, %sign3A_7 : i32
    %sign3A_9 = arith.extui %sign3A_8 : i1 to i32
    %sign3A_10 = arith.constant 0 : i32
    %sign3A_11 = arith.cmpi slt, %jit3A, %sign3A_10 : i32
    %sign3A_12 = arith.extui %sign3A_11 : i1 to i32
    %sign3A_13 = arith.subi %sign3A_9, %sign3A_12 : i32
    %ne3A = arith.cmpi ne, %sign3A_6, %sign3A_13 : i32
    %rem3A = arith.remsi %add3A, %jit3A : i32
    %ne3A_14 = arith.constant 0 : i32
    %ne3A_15 = arith.cmpi ne, %rem3A, %ne3A_14 : i32
    %and3A = arith.andi %ne3A, %ne3A_15 : i1
    %sub3A = arith.constant 1 : i32
    %sub3A_16 = arith.subi %div3A, %sub3A : i32
    %select_n3A = arith.select %and3A, %sub3A_16, %div3A : i32
    %jit3A_17 = arith.constant 2 : i32
    %div3A_18 = arith.divsi %add3A, %jit3A_17 : i32
    %sign3A_19 = arith.constant 0 : i32
    %sign3A_20 = arith.cmpi sgt, %add3A, %sign3A_19 : i32
    %sign3A_21 = arith.extui %sign3A_20 : i1 to i32
    %sign3A_22 = arith.constant 0 : i32
    %sign3A_23 = arith.cmpi slt, %add3A, %sign3A_22 : i32
    %sign3A_24 = arith.extui %sign3A_23 : i1 to i32
    %sign3A_25 = arith.subi %sign3A_21, %sign3A_24 : i32
    %sign3A_26 = arith.constant 0 : i32
    %sign3A_27 = arith.cmpi sgt, %jit3A_17, %sign3A_26 : i32
    %sign3A_28 = arith.extui %sign3A_27 : i1 to i32
    %sign3A_29 = arith.constant 0 : i32
    %sign3A_30 = arith.cmpi slt, %jit3A_17, %sign3A_29 : i32
    %sign3A_31 = arith.extui %sign3A_30 : i1 to i32
    %sign3A_32 = arith.subi %sign3A_28, %sign3A_31 : i32
    %ne3A_33 = arith.cmpi ne, %sign3A_25, %sign3A_32 : i32
    %rem3A_34 = arith.remsi %add3A, %jit3A_17 : i32
    %ne3A_35 = arith.constant 0 : i32
    %ne3A_36 = arith.cmpi ne, %rem3A_34, %ne3A_35 : i32
    %and3A_37 = arith.andi %ne3A_33, %ne3A_36 : i1
    %sub3A_38 = arith.constant 1 : i32
    %sub3A_39 = arith.subi %div3A_18, %sub3A_38 : i32
    %select_n3A_40 = arith.select %and3A_37, %sub3A_39, %div3A_18 : i32
    %jit3A_41 = arith.constant 8 : i32
    %eq3A = arith.constant 0 : i32
    %eq3A_42 = arith.cmpi eq, %jit3A_41, %eq3A : i32
    %jit3A_43 = arith.constant 1 : i32
    %select_n3A_44 = arith.select %eq3A_42, %jit3A_43, %jit3A_41 : i32
    %rem3A_45 = arith.remsi %select_n3A_40, %select_n3A_44 : i32
    %ne3A_46 = arith.constant 0 : i32
    %ne3A_47 = arith.cmpi ne, %rem3A_45, %ne3A_46 : i32
    %lt3A = arith.constant 0 : i32
    %lt3A_48 = arith.cmpi slt, %rem3A_45, %lt3A : i32
    %lt3A_49 = arith.constant 0 : i32
    %lt3A_50 = arith.cmpi slt, %select_n3A_44, %lt3A_49 : i32
    %ne3A_51 = arith.xori %lt3A_48, %lt3A_50 : i1
    %and3A_52 = arith.andi %ne3A_51, %ne3A_47 : i1
    %add3A_53 = arith.addi %rem3A_45, %select_n3A_44 : i32
    %select_n3A_54 = arith.select %and3A_52, %add3A_53, %rem3A_45 : i32
    %jit3A_55 = arith.constant 2 : i32
    %eq3A_56 = arith.constant 0 : i32
    %eq3A_57 = arith.cmpi eq, %jit3A_55, %eq3A_56 : i32
    %jit3A_58 = arith.constant 1 : i32
    %select_n3A_59 = arith.select %eq3A_57, %jit3A_58, %jit3A_55 : i32
    %rem3A_60 = arith.remsi %add3A, %select_n3A_59 : i32
    %ne3A_61 = arith.constant 0 : i32
    %ne3A_62 = arith.cmpi ne, %rem3A_60, %ne3A_61 : i32
    %lt3A_63 = arith.constant 0 : i32
    %lt3A_64 = arith.cmpi slt, %rem3A_60, %lt3A_63 : i32
    %lt3A_65 = arith.constant 0 : i32
    %lt3A_66 = arith.cmpi slt, %select_n3A_59, %lt3A_65 : i32
    %ne3A_67 = arith.xori %lt3A_64, %lt3A_66 : i1
    %and3A_68 = arith.andi %ne3A_67, %ne3A_62 : i1
    %add3A_69 = arith.addi %rem3A_60, %select_n3A_59 : i32
    %select_n3A_70 = arith.select %and3A_68, %add3A_69, %rem3A_60 : i32
    %eq3A_71 = arith.constant 0 : i32
    %eq3A_72 = arith.cmpi eq, %select_n3A, %eq3A_71 : i32
    %convert_element_type3A = arith.extui %eq3A_72 : i1 to i32
    %cond3A = arith.constant 0 : i32
    %cond3A_73 = arith.cmpi ne, %convert_element_type3A, %cond3A : i32
    scf.if %cond3A_73 {
      "tpu.region"() ({
        %run_scoped3A = memref.alloca() : memref<4x10000xi32, #tpu.memory_space<vmem>>
        %run_scoped3A_79 = memref.alloca() : memref<4x8192xi32, #tpu.memory_space<vmem>>
        %run_scoped3A_80 = tpu.sem_alloc : memref<!tpu.dma_semaphore, #tpu.memory_space<semaphore_mem>>
        %mul3A_81 = arith.constant 8192 : i32
        %mul3A_82 = arith.muli %select_n3A_70, %mul3A_81 : i32
        %dma_start3A = tpu.memref_slice %arg2[%mul3A_82] : memref<16384xi32, #tpu.memory_space<hbm>> -> memref<8192xi32, #tpu.memory_space<hbm>>
        %dma_start3A_83 = tpu.memref_slice %arg2[%mul3A_82] : memref<16384xi32, #tpu.memory_space<hbm>> -> memref<8192xi32, #tpu.memory_space<hbm>>
        tpu.enqueue_dma source(%dma_start3A_83 : memref<8192xi32, #tpu.memory_space<hbm>>) target(%arg7 : memref<8192xi32, #tpu.memory_space<vmem>>) target_semaphore(%run_scoped3A_80 : memref<!tpu.dma_semaphore, #tpu.memory_space<semaphore_mem>>)
        %mul3A_84 = arith.constant 4 : i32
        %mul3A_85 = arith.muli %mul3A_84, %select_n3A_54 : i32
        %dma_start3A_86 = arith.constant 0 : i32
        %dma_start3A_87 = tpu.memref_slice %arg3[%mul3A_85, %dma_start3A_86] : memref<32x10000xi32, #tpu.memory_space<hbm>> -> memref<4x10000xi32, #tpu.memory_space<hbm>>
        %dma_start3A_88 = arith.constant 0 : i32
        %dma_start3A_89 = tpu.memref_slice %arg3[%mul3A_85, %dma_start3A_88] : memref<32x10000xi32, #tpu.memory_space<hbm>> -> memref<4x10000xi32, #tpu.memory_space<hbm>>
        tpu.enqueue_dma source(%dma_start3A_89 : memref<4x10000xi32, #tpu.memory_space<hbm>>) target(%run_scoped3A : memref<4x10000xi32, #tpu.memory_space<vmem>>) target_semaphore(%run_scoped3A_80 : memref<!tpu.dma_semaphore, #tpu.memory_space<semaphore_mem>>)
        %dma_wait3A = tpu.memref_slice %arg2[%mul3A_82] : memref<16384xi32, #tpu.memory_space<hbm>> -> memref<8192xi32, #tpu.memory_space<hbm>>
        %dma_wait3A_90 = tpu.memref_slice %arg2[%mul3A_82] : memref<16384xi32, #tpu.memory_space<hbm>> -> memref<8192xi32, #tpu.memory_space<hbm>>
        tpu.wait_dma2 semaphore(%run_scoped3A_80 : memref<!tpu.dma_semaphore, #tpu.memory_space<semaphore_mem>>) src(%dma_wait3A_90 : memref<8192xi32, #tpu.memory_space<hbm>>) dst(%arg7 : memref<8192xi32, #tpu.memory_space<vmem>>)
        %dma_wait3A_91 = arith.constant 0 : i32
        %dma_wait3A_92 = tpu.memref_slice %arg3[%mul3A_85, %dma_wait3A_91] : memref<32x10000xi32, #tpu.memory_space<hbm>> -> memref<4x10000xi32, #tpu.memory_space<hbm>>
        %dma_wait3A_93 = arith.constant 0 : i32
        %dma_wait3A_94 = tpu.memref_slice %arg3[%mul3A_85, %dma_wait3A_93] : memref<32x10000xi32, #tpu.memory_space<hbm>> -> memref<4x10000xi32, #tpu.memory_space<hbm>>
        tpu.wait_dma2 semaphore(%run_scoped3A_80 : memref<!tpu.dma_semaphore, #tpu.memory_space<semaphore_mem>>) src(%dma_wait3A_94 : memref<4x10000xi32, #tpu.memory_space<hbm>>) dst(%run_scoped3A : memref<4x10000xi32, #tpu.memory_space<vmem>>)
        %parallel_loop3A = arith.constant 0 : i32
        %parallel_loop3A_95 = arith.constant 256 : i32
        %parallel_loop3A_96 = arith.constant 1 : i32
        scf.for %parallel_loop3A_144 = %parallel_loop3A to %parallel_loop3A_95 step %parallel_loop3A_96  : i32 {
          %parallel_loop3A_145 = arith.constant 16 : i32
          %parallel_loop3A_146 = arith.muli %parallel_loop3A_144, %parallel_loop3A_145 : i32
          %parallel_loop3A_147 = arith.index_cast %parallel_loop3A_146 : i32 to index
          %parallel_loop3A_148 = tpu.vector_load %arg7[%parallel_loop3A_147] {strides = array<i32>} : memref<8192xi32, #tpu.memory_space<vmem>>, vector<16xi32>,
          %parallel_loop3A_149 = arith.constant 0 : i32
          %parallel_loop3A_150 = vector.broadcast %parallel_loop3A_149 : i32 to vector<16xi32>
          %parallel_loop3A_151 = tpu.vector_load_idx %run_scoped3A[%parallel_loop3A_150, %parallel_loop3A_148] : memref<4x10000xi32, #tpu.memory_space<vmem>>[vector<16xi32>, vector<16xi32>], vector<16xi32>,
          %parallel_loop3A_152 = arith.constant 16 : i32
          %parallel_loop3A_153 = arith.muli %parallel_loop3A_144, %parallel_loop3A_152 : i32
          %parallel_loop3A_154 = arith.constant 0 : i32
          %parallel_loop3A_155 = arith.index_cast %parallel_loop3A_154 : i32 to index
          %parallel_loop3A_156 = arith.index_cast %parallel_loop3A_153 : i32 to index
          %parallel_loop3A_157 = tpu.vector_load %run_scoped3A_79[%parallel_loop3A_155, %parallel_loop3A_156] {strides = array<i32>} : memref<4x8192xi32, #tpu.memory_space<vmem>>, vector<16xi32>,
          tpu.vector_store %run_scoped3A_79[%parallel_loop3A_155, %parallel_loop3A_156], %parallel_loop3A_151 {strides = array<i32>} : memref<4x8192xi32, #tpu.memory_space<vmem>>, vector<16xi32>,
          %parallel_loop3A_158 = arith.constant 1 : i32
          %parallel_loop3A_159 = vector.broadcast %parallel_loop3A_158 : i32 to vector<16xi32>
          %parallel_loop3A_160 = tpu.vector_load_idx %run_scoped3A[%parallel_loop3A_159, %parallel_loop3A_148] : memref<4x10000xi32, #tpu.memory_space<vmem>>[vector<16xi32>, vector<16xi32>], vector<16xi32>,
          %parallel_loop3A_161 = arith.constant 16 : i32
          %parallel_loop3A_162 = arith.muli %parallel_loop3A_144, %parallel_loop3A_161 : i32
          %parallel_loop3A_163 = arith.constant 1 : i32
          %parallel_loop3A_164 = arith.index_cast %parallel_loop3A_163 : i32 to index
          %parallel_loop3A_165 = arith.index_cast %parallel_loop3A_162 : i32 to index
          %parallel_loop3A_166 = tpu.vector_load %run_scoped3A_79[%parallel_loop3A_164, %parallel_loop3A_165] {strides = array<i32>} : memref<4x8192xi32, #tpu.memory_space<vmem>>, vector<16xi32>,
          tpu.vector_store %run_scoped3A_79[%parallel_loop3A_164, %parallel_loop3A_165], %parallel_loop3A_160 {strides = array<i32>} : memref<4x8192xi32, #tpu.memory_space<vmem>>, vector<16xi32>,
          %parallel_loop3A_167 = arith.constant 2 : i32
          %parallel_loop3A_168 = vector.broadcast %parallel_loop3A_167 : i32 to vector<16xi32>
          %parallel_loop3A_169 = tpu.vector_load_idx %run_scoped3A[%parallel_loop3A_168, %parallel_loop3A_148] : memref<4x10000xi32, #tpu.memory_space<vmem>>[vector<16xi32>, vector<16xi32>], vector<16xi32>,
          %parallel_loop3A_170 = arith.constant 16 : i32
          %parallel_loop3A_171 = arith.muli %parallel_loop3A_144, %parallel_loop3A_170 : i32
          %parallel_loop3A_172 = arith.constant 2 : i32
          %parallel_loop3A_173 = arith.index_cast %parallel_loop3A_172 : i32 to index
          %parallel_loop3A_174 = arith.index_cast %parallel_loop3A_171 : i32 to index
          %parallel_loop3A_175 = tpu.vector_load %run_scoped3A_79[%parallel_loop3A_173, %parallel_loop3A_174] {strides = array<i32>} : memref<4x8192xi32, #tpu.memory_space<vmem>>, vector<16xi32>,
          tpu.vector_store %run_scoped3A_79[%parallel_loop3A_173, %parallel_loop3A_174], %parallel_loop3A_169 {strides = array<i32>} : memref<4x8192xi32, #tpu.memory_space<vmem>>, vector<16xi32>,
          %parallel_loop3A_176 = arith.constant 3 : i32
          %parallel_loop3A_177 = vector.broadcast %parallel_loop3A_176 : i32 to vector<16xi32>
          %parallel_loop3A_178 = tpu.vector_load_idx %run_scoped3A[%parallel_loop3A_177, %parallel_loop3A_148] : memref<4x10000xi32, #tpu.memory_space<vmem>>[vector<16xi32>, vector<16xi32>], vector<16xi32>,
          %parallel_loop3A_179 = arith.constant 16 : i32
          %parallel_loop3A_180 = arith.muli %parallel_loop3A_144, %parallel_loop3A_179 : i32
          %parallel_loop3A_181 = arith.constant 3 : i32
          %parallel_loop3A_182 = arith.index_cast %parallel_loop3A_181 : i32 to index
          %parallel_loop3A_183 = arith.index_cast %parallel_loop3A_180 : i32 to index
          %parallel_loop3A_184 = tpu.vector_load %run_scoped3A_79[%parallel_loop3A_182, %parallel_loop3A_183] {strides = array<i32>} : memref<4x8192xi32, #tpu.memory_space<vmem>>, vector<16xi32>,
          tpu.vector_store %run_scoped3A_79[%parallel_loop3A_182, %parallel_loop3A_183], %parallel_loop3A_178 {strides = array<i32>} : memref<4x8192xi32, #tpu.memory_space<vmem>>, vector<16xi32>,
        } {sc.loop_unroll_factor = 16 : i64, sc.parallel_access}
        %mul3A_97 = arith.constant 4 : i32
        %mul3A_98 = arith.muli %mul3A_97, %select_n3A_54 : i32
        %mul3A_99 = arith.constant 8192 : i32
        %mul3A_100 = arith.muli %select_n3A_70, %mul3A_99 : i32
        %add3A_101 = arith.constant 0 : i32
        %add3A_102 = arith.addi %mul3A_100, %add3A_101 : i32
        %dma_start3A_103 = arith.constant 0 : i32
        %dma_start3A_104 = arith.constant 0 : i32
        %dma_start3A_105 = tpu.memref_slice %run_scoped3A_79[%dma_start3A_103, %dma_start3A_104] : memref<4x8192xi32, #tpu.memory_space<vmem>> -> memref<4x4096xi32, #tpu.memory_space<vmem>>
        %dma_start3A_106 = tpu.memref_slice %arg5[%mul3A_98, %add3A_102] : memref<32x16384xi32, #tpu.memory_space<hbm>> -> memref<4x4096xi32, #tpu.memory_space<hbm>>
        %dma_start3A_107 = tpu.memref_slice %arg5[%mul3A_98, %add3A_102] : memref<32x16384xi32, #tpu.memory_space<hbm>> -> memref<4x4096xi32, #tpu.memory_space<hbm>>
        %dma_start3A_108 = arith.constant 0 : i32
        %dma_start3A_109 = arith.constant 0 : i32
        %dma_start3A_110 = tpu.memref_slice %run_scoped3A_79[%dma_start3A_108, %dma_start3A_109] : memref<4x8192xi32, #tpu.memory_space<vmem>> -> memref<4x4096xi32, #tpu.memory_space<vmem>>
        tpu.enqueue_dma source(%dma_start3A_110 : memref<4x4096xi32, #tpu.memory_space<vmem>>) target(%dma_start3A_107 : memref<4x4096xi32, #tpu.memory_space<hbm>>) target_semaphore(%run_scoped3A_80 : memref<!tpu.dma_semaphore, #tpu.memory_space<semaphore_mem>>)
        %parallel_loop3A_111 = arith.constant 256 : i32
        %parallel_loop3A_112 = arith.constant 512 : i32
        %parallel_loop3A_113 = arith.constant 1 : i32
        scf.for %parallel_loop3A_144 = %parallel_loop3A_111 to %parallel_loop3A_112 step %parallel_loop3A_113  : i32 {
          %parallel_loop3A_145 = arith.constant 16 : i32
          %parallel_loop3A_146 = arith.muli %parallel_loop3A_144, %parallel_loop3A_145 : i32
          %parallel_loop3A_147 = arith.index_cast %parallel_loop3A_146 : i32 to index
          %parallel_loop3A_148 = tpu.vector_load %arg7[%parallel_loop3A_147] {strides = array<i32>} : memref<8192xi32, #tpu.memory_space<vmem>>, vector<16xi32>,
          %parallel_loop3A_149 = arith.constant 0 : i32
          %parallel_loop3A_150 = vector.broadcast %parallel_loop3A_149 : i32 to vector<16xi32>
          %parallel_loop3A_151 = tpu.vector_load_idx %run_scoped3A[%parallel_loop3A_150, %parallel_loop3A_148] : memref<4x10000xi32, #tpu.memory_space<vmem>>[vector<16xi32>, vector<16xi32>], vector<16xi32>,
          %parallel_loop3A_152 = arith.constant 16 : i32
          %parallel_loop3A_153 = arith.muli %parallel_loop3A_144, %parallel_loop3A_152 : i32
          %parallel_loop3A_154 = arith.constant 0 : i32
          %parallel_loop3A_155 = arith.index_cast %parallel_loop3A_154 : i32 to index
          %parallel_loop3A_156 = arith.index_cast %parallel_loop3A_153 : i32 to index
          %parallel_loop3A_157 = tpu.vector_load %run_scoped3A_79[%parallel_loop3A_155, %parallel_loop3A_156] {strides = array<i32>} : memref<4x8192xi32, #tpu.memory_space<vmem>>, vector<16xi32>,
          tpu.vector_store %run_scoped3A_79[%parallel_loop3A_155, %parallel_loop3A_156], %parallel_loop3A_151 {strides = array<i32>} : memref<4x8192xi32, #tpu.memory_space<vmem>>, vector<16xi32>,
          %parallel_loop3A_158 = arith.constant 1 : i32
          %parallel_loop3A_159 = vector.broadcast %parallel_loop3A_158 : i32 to vector<16xi32>
          %parallel_loop3A_160 = tpu.vector_load_idx %run_scoped3A[%parallel_loop3A_159, %parallel_loop3A_148] : memref<4x10000xi32, #tpu.memory_space<vmem>>[vector<16xi32>, vector<16xi32>], vector<16xi32>,
          %parallel_loop3A_161 = arith.constant 16 : i32
          %parallel_loop3A_162 = arith.muli %parallel_loop3A_144, %parallel_loop3A_161 : i32
          %parallel_loop3A_163 = arith.constant 1 : i32
          %parallel_loop3A_164 = arith.index_cast %parallel_loop3A_163 : i32 to index
          %parallel_loop3A_165 = arith.index_cast %parallel_loop3A_162 : i32 to index
          %parallel_loop3A_166 = tpu.vector_load %run_scoped3A_79[%parallel_loop3A_164, %parallel_loop3A_165] {strides = array<i32>} : memref<4x8192xi32, #tpu.memory_space<vmem>>, vector<16xi32>,
          tpu.vector_store %run_scoped3A_79[%parallel_loop3A_164, %parallel_loop3A_165], %parallel_loop3A_160 {strides = array<i32>} : memref<4x8192xi32, #tpu.memory_space<vmem>>, vector<16xi32>,
          %parallel_loop3A_167 = arith.constant 2 : i32
          %parallel_loop3A_168 = vector.broadcast %parallel_loop3A_167 : i32 to vector<16xi32>
          %parallel_loop3A_169 = tpu.vector_load_idx %run_scoped3A[%parallel_loop3A_168, %parallel_loop3A_148] : memref<4x10000xi32, #tpu.memory_space<vmem>>[vector<16xi32>, vector<16xi32>], vector<16xi32>,
          %parallel_loop3A_170 = arith.constant 16 : i32
          %parallel_loop3A_171 = arith.muli %parallel_loop3A_144, %parallel_loop3A_170 : i32
          %parallel_loop3A_172 = arith.constant 2 : i32
          %parallel_loop3A_173 = arith.index_cast %parallel_loop3A_172 : i32 to index
          %parallel_loop3A_174 = arith.index_cast %parallel_loop3A_171 : i32 to index
          %parallel_loop3A_175 = tpu.vector_load %run_scoped3A_79[%parallel_loop3A_173, %parallel_loop3A_174] {strides = array<i32>} : memref<4x8192xi32, #tpu.memory_space<vmem>>, vector<16xi32>,
          tpu.vector_store %run_scoped3A_79[%parallel_loop3A_173, %parallel_loop3A_174], %parallel_loop3A_169 {strides = array<i32>} : memref<4x8192xi32, #tpu.memory_space<vmem>>, vector<16xi32>,
          %parallel_loop3A_176 = arith.constant 3 : i32
          %parallel_loop3A_177 = vector.broadcast %parallel_loop3A_176 : i32 to vector<16xi32>
          %parallel_loop3A_178 = tpu.vector_load_idx %run_scoped3A[%parallel_loop3A_177, %parallel_loop3A_148] : memref<4x10000xi32, #tpu.memory_space<vmem>>[vector<16xi32>, vector<16xi32>], vector<16xi32>,
          %parallel_loop3A_179 = arith.constant 16 : i32
          %parallel_loop3A_180 = arith.muli %parallel_loop3A_144, %parallel_loop3A_179 : i32
          %parallel_loop3A_181 = arith.constant 3 : i32
          %parallel_loop3A_182 = arith.index_cast %parallel_loop3A_181 : i32 to index
          %parallel_loop3A_183 = arith.index_cast %parallel_loop3A_180 : i32 to index
          %parallel_loop3A_184 = tpu.vector_load %run_scoped3A_79[%parallel_loop3A_182, %parallel_loop3A_183] {strides = array<i32>} : memref<4x8192xi32, #tpu.memory_space<vmem>>, vector<16xi32>,
          tpu.vector_store %run_scoped3A_79[%parallel_loop3A_182, %parallel_loop3A_183], %parallel_loop3A_178 {strides = array<i32>} : memref<4x8192xi32, #tpu.memory_space<vmem>>, vector<16xi32>,
        } {sc.loop_unroll_factor = 16 : i64, sc.parallel_access}
        %mul3A_114 = arith.constant 4 : i32
        %mul3A_115 = arith.muli %mul3A_114, %select_n3A_54 : i32
        %mul3A_116 = arith.constant 8192 : i32
        %mul3A_117 = arith.muli %select_n3A_70, %mul3A_116 : i32
        %add3A_118 = arith.constant 4096 : i32
        %add3A_119 = arith.addi %mul3A_117, %add3A_118 : i32
        %dma_start3A_120 = arith.constant 0 : i32
        %dma_start3A_121 = arith.constant 4096 : i32
        %dma_start3A_122 = tpu.memref_slice %run_scoped3A_79[%dma_start3A_120, %dma_start3A_121] : memref<4x8192xi32, #tpu.memory_space<vmem>> -> memref<4x4096xi32, #tpu.memory_space<vmem>>
        %dma_start3A_123 = tpu.memref_slice %arg5[%mul3A_115, %add3A_119] : memref<32x16384xi32, #tpu.memory_space<hbm>> -> memref<4x4096xi32, #tpu.memory_space<hbm>>
        %dma_start3A_124 = tpu.memref_slice %arg5[%mul3A_115, %add3A_119] : memref<32x16384xi32, #tpu.memory_space<hbm>> -> memref<4x4096xi32, #tpu.memory_space<hbm>>
        %dma_start3A_125 = arith.constant 0 : i32
        %dma_start3A_126 = arith.constant 4096 : i32
        %dma_start3A_127 = tpu.memref_slice %run_scoped3A_79[%dma_start3A_125, %dma_start3A_126] : memref<4x8192xi32, #tpu.memory_space<vmem>> -> memref<4x4096xi32, #tpu.memory_space<vmem>>
        tpu.enqueue_dma source(%dma_start3A_127 : memref<4x4096xi32, #tpu.memory_space<vmem>>) target(%dma_start3A_124 : memref<4x4096xi32, #tpu.memory_space<hbm>>) target_semaphore(%run_scoped3A_80 : memref<!tpu.dma_semaphore, #tpu.memory_space<semaphore_mem>>)
        %dma_wait3A_128 = arith.constant 0 : i32
        %dma_wait3A_129 = arith.constant 0 : i32
        %dma_wait3A_130 = tpu.memref_slice %run_scoped3A_79[%dma_wait3A_128, %dma_wait3A_129] : memref<4x8192xi32, #tpu.memory_space<vmem>> -> memref<4x4096xi32, #tpu.memory_space<vmem>>
        %dma_wait3A_131 = tpu.memref_slice %arg5[%mul3A_98, %add3A_102] : memref<32x16384xi32, #tpu.memory_space<hbm>> -> memref<4x4096xi32, #tpu.memory_space<hbm>>
        %dma_wait3A_132 = tpu.memref_slice %arg5[%mul3A_98, %add3A_102] : memref<32x16384xi32, #tpu.memory_space<hbm>> -> memref<4x4096xi32, #tpu.memory_space<hbm>>
        %dma_wait3A_133 = arith.constant 0 : i32
        %dma_wait3A_134 = arith.constant 0 : i32
        %dma_wait3A_135 = tpu.memref_slice %run_scoped3A_79[%dma_wait3A_133, %dma_wait3A_134] : memref<4x8192xi32, #tpu.memory_space<vmem>> -> memref<4x4096xi32, #tpu.memory_space<vmem>>
        tpu.wait_dma2 semaphore(%run_scoped3A_80 : memref<!tpu.dma_semaphore, #tpu.memory_space<semaphore_mem>>) src(%dma_wait3A_135 : memref<4x4096xi32, #tpu.memory_space<vmem>>) dst(%dma_wait3A_132 : memref<4x4096xi32, #tpu.memory_space<hbm>>)
        %dma_wait3A_136 = arith.constant 0 : i32
        %dma_wait3A_137 = arith.constant 4096 : i32
        %dma_wait3A_138 = tpu.memref_slice %run_scoped3A_79[%dma_wait3A_136, %dma_wait3A_137] : memref<4x8192xi32, #tpu.memory_space<vmem>> -> memref<4x4096xi32, #tpu.memory_space<vmem>>
        %dma_wait3A_139 = tpu.memref_slice %arg5[%mul3A_115, %add3A_119] : memref<32x16384xi32, #tpu.memory_space<hbm>> -> memref<4x4096xi32, #tpu.memory_space<hbm>>
        %dma_wait3A_140 = tpu.memref_slice %arg5[%mul3A_115, %add3A_119] : memref<32x16384xi32, #tpu.memory_space<hbm>> -> memref<4x4096xi32, #tpu.memory_space<hbm>>
        %dma_wait3A_141 = arith.constant 0 : i32
        %dma_wait3A_142 = arith.constant 4096 : i32
        %dma_wait3A_143 = tpu.memref_slice %run_scoped3A_79[%dma_wait3A_141, %dma_wait3A_142] : memref<4x8192xi32, #tpu.memory_space<vmem>> -> memref<4x4096xi32, #tpu.memory_space<vmem>>
        tpu.wait_dma2 semaphore(%run_scoped3A_80 : memref<!tpu.dma_semaphore, #tpu.memory_space<semaphore_mem>>) src(%dma_wait3A_143 : memref<4x4096xi32, #tpu.memory_space<vmem>>) dst(%dma_wait3A_140 : memref<4x4096xi32, #tpu.memory_space<hbm>>)
        tpu.yield
      }) : () -> ()
    } else {
    }
    %eq3A_74 = arith.constant 1 : i32
    %eq3A_75 = arith.cmpi eq, %select_n3A, %eq3A_74 : i32
    %convert_element_type3A_76 = arith.extui %eq3A_75 : i1 to i32
    %cond3A_77 = arith.constant 0 : i32
    %cond3A_78 = arith.cmpi ne, %convert_element_type3A_76, %cond3A_77 : i32
    scf.if %cond3A_78 {
      "tpu.region"() ({
        %run_scoped3A = memref.alloca() : memref<4x10000xf32, #tpu.memory_space<vmem>>
        %run_scoped3A_79 = memref.alloca() : memref<4x8192xf32, #tpu.memory_space<vmem>>
        %run_scoped3A_80 = tpu.sem_alloc : memref<!tpu.dma_semaphore, #tpu.memory_space<semaphore_mem>>
        %mul3A_81 = arith.constant 8192 : i32
        %mul3A_82 = arith.muli %select_n3A_70, %mul3A_81 : i32
        %dma_start3A = tpu.memref_slice %arg2[%mul3A_82] : memref<16384xi32, #tpu.memory_space<hbm>> -> memref<8192xi32, #tpu.memory_space<hbm>>
        %dma_start3A_83 = tpu.memref_slice %arg2[%mul3A_82] : memref<16384xi32, #tpu.memory_space<hbm>> -> memref<8192xi32, #tpu.memory_space<hbm>>
        tpu.enqueue_dma source(%dma_start3A_83 : memref<8192xi32, #tpu.memory_space<hbm>>) target(%arg7 : memref<8192xi32, #tpu.memory_space<vmem>>) target_semaphore(%run_scoped3A_80 : memref<!tpu.dma_semaphore, #tpu.memory_space<semaphore_mem>>)
        %mul3A_84 = arith.constant 4 : i32
        %mul3A_85 = arith.muli %mul3A_84, %select_n3A_54 : i32
        %dma_start3A_86 = arith.constant 0 : i32
        %dma_start3A_87 = tpu.memref_slice %arg4[%mul3A_85, %dma_start3A_86] : memref<32x10000xf32, #tpu.memory_space<hbm>> -> memref<4x10000xf32, #tpu.memory_space<hbm>>
        %dma_start3A_88 = arith.constant 0 : i32
        %dma_start3A_89 = tpu.memref_slice %arg4[%mul3A_85, %dma_start3A_88] : memref<32x10000xf32, #tpu.memory_space<hbm>> -> memref<4x10000xf32, #tpu.memory_space<hbm>>
        tpu.enqueue_dma source(%dma_start3A_89 : memref<4x10000xf32, #tpu.memory_space<hbm>>) target(%run_scoped3A : memref<4x10000xf32, #tpu.memory_space<vmem>>) target_semaphore(%run_scoped3A_80 : memref<!tpu.dma_semaphore, #tpu.memory_space<semaphore_mem>>)
        %dma_wait3A = tpu.memref_slice %arg2[%mul3A_82] : memref<16384xi32, #tpu.memory_space<hbm>> -> memref<8192xi32, #tpu.memory_space<hbm>>
        %dma_wait3A_90 = tpu.memref_slice %arg2[%mul3A_82] : memref<16384xi32, #tpu.memory_space<hbm>> -> memref<8192xi32, #tpu.memory_space<hbm>>
        tpu.wait_dma2 semaphore(%run_scoped3A_80 : memref<!tpu.dma_semaphore, #tpu.memory_space<semaphore_mem>>) src(%dma_wait3A_90 : memref<8192xi32, #tpu.memory_space<hbm>>) dst(%arg7 : memref<8192xi32, #tpu.memory_space<vmem>>)
        %dma_wait3A_91 = arith.constant 0 : i32
        %dma_wait3A_92 = tpu.memref_slice %arg4[%mul3A_85, %dma_wait3A_91] : memref<32x10000xf32, #tpu.memory_space<hbm>> -> memref<4x10000xf32, #tpu.memory_space<hbm>>
        %dma_wait3A_93 = arith.constant 0 : i32
        %dma_wait3A_94 = tpu.memref_slice %arg4[%mul3A_85, %dma_wait3A_93] : memref<32x10000xf32, #tpu.memory_space<hbm>> -> memref<4x10000xf32, #tpu.memory_space<hbm>>
        tpu.wait_dma2 semaphore(%run_scoped3A_80 : memref<!tpu.dma_semaphore, #tpu.memory_space<semaphore_mem>>) src(%dma_wait3A_94 : memref<4x10000xf32, #tpu.memory_space<hbm>>) dst(%run_scoped3A : memref<4x10000xf32, #tpu.memory_space<vmem>>)
        %parallel_loop3A = arith.constant 0 : i32
        %parallel_loop3A_95 = arith.constant 256 : i32
        %parallel_loop3A_96 = arith.constant 1 : i32
        scf.for %parallel_loop3A_144 = %parallel_loop3A to %parallel_loop3A_95 step %parallel_loop3A_96  : i32 {
          %parallel_loop3A_145 = arith.constant 16 : i32
          %parallel_loop3A_146 = arith.muli %parallel_loop3A_144, %parallel_loop3A_145 : i32
          %parallel_loop3A_147 = arith.index_cast %parallel_loop3A_146 : i32 to index
          %parallel_loop3A_148 = tpu.vector_load %arg7[%parallel_loop3A_147] {strides = array<i32>} : memref<8192xi32, #tpu.memory_space<vmem>>, vector<16xi32>,
          %parallel_loop3A_149 = arith.constant 0 : i32
          %parallel_loop3A_150 = vector.broadcast %parallel_loop3A_149 : i32 to vector<16xi32>
          %parallel_loop3A_151 = tpu.vector_load_idx %run_scoped3A[%parallel_loop3A_150, %parallel_loop3A_148] : memref<4x10000xf32, #tpu.memory_space<vmem>>[vector<16xi32>, vector<16xi32>], vector<16xf32>,
          %parallel_loop3A_152 = arith.constant 16 : i32
          %parallel_loop3A_153 = arith.muli %parallel_loop3A_144, %parallel_loop3A_152 : i32
          %parallel_loop3A_154 = arith.constant 0 : i32
          %parallel_loop3A_155 = arith.index_cast %parallel_loop3A_154 : i32 to index
          %parallel_loop3A_156 = arith.index_cast %parallel_loop3A_153 : i32 to index
          %parallel_loop3A_157 = tpu.vector_load %run_scoped3A_79[%parallel_loop3A_155, %parallel_loop3A_156] {strides = array<i32>} : memref<4x8192xf32, #tpu.memory_space<vmem>>, vector<16xf32>,
          tpu.vector_store %run_scoped3A_79[%parallel_loop3A_155, %parallel_loop3A_156], %parallel_loop3A_151 {strides = array<i32>} : memref<4x8192xf32, #tpu.memory_space<vmem>>, vector<16xf32>,
          %parallel_loop3A_158 = arith.constant 1 : i32
          %parallel_loop3A_159 = vector.broadcast %parallel_loop3A_158 : i32 to vector<16xi32>
          %parallel_loop3A_160 = tpu.vector_load_idx %run_scoped3A[%parallel_loop3A_159, %parallel_loop3A_148] : memref<4x10000xf32, #tpu.memory_space<vmem>>[vector<16xi32>, vector<16xi32>], vector<16xf32>,
          %parallel_loop3A_161 = arith.constant 16 : i32
          %parallel_loop3A_162 = arith.muli %parallel_loop3A_144, %parallel_loop3A_161 : i32
          %parallel_loop3A_163 = arith.constant 1 : i32
          %parallel_loop3A_164 = arith.index_cast %parallel_loop3A_163 : i32 to index
          %parallel_loop3A_165 = arith.index_cast %parallel_loop3A_162 : i32 to index
          %parallel_loop3A_166 = tpu.vector_load %run_scoped3A_79[%parallel_loop3A_164, %parallel_loop3A_165] {strides = array<i32>} : memref<4x8192xf32, #tpu.memory_space<vmem>>, vector<16xf32>,
          tpu.vector_store %run_scoped3A_79[%parallel_loop3A_164, %parallel_loop3A_165], %parallel_loop3A_160 {strides = array<i32>} : memref<4x8192xf32, #tpu.memory_space<vmem>>, vector<16xf32>,
          %parallel_loop3A_167 = arith.constant 2 : i32
          %parallel_loop3A_168 = vector.broadcast %parallel_loop3A_167 : i32 to vector<16xi32>
          %parallel_loop3A_169 = tpu.vector_load_idx %run_scoped3A[%parallel_loop3A_168, %parallel_loop3A_148] : memref<4x10000xf32, #tpu.memory_space<vmem>>[vector<16xi32>, vector<16xi32>], vector<16xf32>,
          %parallel_loop3A_170 = arith.constant 16 : i32
          %parallel_loop3A_171 = arith.muli %parallel_loop3A_144, %parallel_loop3A_170 : i32
          %parallel_loop3A_172 = arith.constant 2 : i32
          %parallel_loop3A_173 = arith.index_cast %parallel_loop3A_172 : i32 to index
          %parallel_loop3A_174 = arith.index_cast %parallel_loop3A_171 : i32 to index
          %parallel_loop3A_175 = tpu.vector_load %run_scoped3A_79[%parallel_loop3A_173, %parallel_loop3A_174] {strides = array<i32>} : memref<4x8192xf32, #tpu.memory_space<vmem>>, vector<16xf32>,
          tpu.vector_store %run_scoped3A_79[%parallel_loop3A_173, %parallel_loop3A_174], %parallel_loop3A_169 {strides = array<i32>} : memref<4x8192xf32, #tpu.memory_space<vmem>>, vector<16xf32>,
          %parallel_loop3A_176 = arith.constant 3 : i32
          %parallel_loop3A_177 = vector.broadcast %parallel_loop3A_176 : i32 to vector<16xi32>
          %parallel_loop3A_178 = tpu.vector_load_idx %run_scoped3A[%parallel_loop3A_177, %parallel_loop3A_148] : memref<4x10000xf32, #tpu.memory_space<vmem>>[vector<16xi32>, vector<16xi32>], vector<16xf32>,
          %parallel_loop3A_179 = arith.constant 16 : i32
          %parallel_loop3A_180 = arith.muli %parallel_loop3A_144, %parallel_loop3A_179 : i32
          %parallel_loop3A_181 = arith.constant 3 : i32
          %parallel_loop3A_182 = arith.index_cast %parallel_loop3A_181 : i32 to index
          %parallel_loop3A_183 = arith.index_cast %parallel_loop3A_180 : i32 to index
          %parallel_loop3A_184 = tpu.vector_load %run_scoped3A_79[%parallel_loop3A_182, %parallel_loop3A_183] {strides = array<i32>} : memref<4x8192xf32, #tpu.memory_space<vmem>>, vector<16xf32>,
          tpu.vector_store %run_scoped3A_79[%parallel_loop3A_182, %parallel_loop3A_183], %parallel_loop3A_178 {strides = array<i32>} : memref<4x8192xf32, #tpu.memory_space<vmem>>, vector<16xf32>,
        } {sc.loop_unroll_factor = 16 : i64, sc.parallel_access}
        %mul3A_97 = arith.constant 4 : i32
        %mul3A_98 = arith.muli %mul3A_97, %select_n3A_54 : i32
        %mul3A_99 = arith.constant 8192 : i32
        %mul3A_100 = arith.muli %select_n3A_70, %mul3A_99 : i32
        %add3A_101 = arith.constant 0 : i32
        %add3A_102 = arith.addi %mul3A_100, %add3A_101 : i32
        %dma_start3A_103 = arith.constant 0 : i32
        %dma_start3A_104 = arith.constant 0 : i32
        %dma_start3A_105 = tpu.memref_slice %run_scoped3A_79[%dma_start3A_103, %dma_start3A_104] : memref<4x8192xf32, #tpu.memory_space<vmem>> -> memref<4x4096xf32, #tpu.memory_space<vmem>>
        %dma_start3A_106 = tpu.memref_slice %arg6[%mul3A_98, %add3A_102] : memref<32x16384xf32, #tpu.memory_space<hbm>> -> memref<4x4096xf32, #tpu.memory_space<hbm>>
        %dma_start3A_107 = tpu.memref_slice %arg6[%mul3A_98, %add3A_102] : memref<32x16384xf32, #tpu.memory_space<hbm>> -> memref<4x4096xf32, #tpu.memory_space<hbm>>
        %dma_start3A_108 = arith.constant 0 : i32
        %dma_start3A_109 = arith.constant 0 : i32
        %dma_start3A_110 = tpu.memref_slice %run_scoped3A_79[%dma_start3A_108, %dma_start3A_109] : memref<4x8192xf32, #tpu.memory_space<vmem>> -> memref<4x4096xf32, #tpu.memory_space<vmem>>
        tpu.enqueue_dma source(%dma_start3A_110 : memref<4x4096xf32, #tpu.memory_space<vmem>>) target(%dma_start3A_107 : memref<4x4096xf32, #tpu.memory_space<hbm>>) target_semaphore(%run_scoped3A_80 : memref<!tpu.dma_semaphore, #tpu.memory_space<semaphore_mem>>)
        %parallel_loop3A_111 = arith.constant 256 : i32
        %parallel_loop3A_112 = arith.constant 512 : i32
        %parallel_loop3A_113 = arith.constant 1 : i32
        scf.for %parallel_loop3A_144 = %parallel_loop3A_111 to %parallel_loop3A_112 step %parallel_loop3A_113  : i32 {
          %parallel_loop3A_145 = arith.constant 16 : i32
          %parallel_loop3A_146 = arith.muli %parallel_loop3A_144, %parallel_loop3A_145 : i32
          %parallel_loop3A_147 = arith.index_cast %parallel_loop3A_146 : i32 to index
          %parallel_loop3A_148 = tpu.vector_load %arg7[%parallel_loop3A_147] {strides = array<i32>} : memref<8192xi32, #tpu.memory_space<vmem>>, vector<16xi32>,
          %parallel_loop3A_149 = arith.constant 0 : i32
          %parallel_loop3A_150 = vector.broadcast %parallel_loop3A_149 : i32 to vector<16xi32>
          %parallel_loop3A_151 = tpu.vector_load_idx %run_scoped3A[%parallel_loop3A_150, %parallel_loop3A_148] : memref<4x10000xf32, #tpu.memory_space<vmem>>[vector<16xi32>, vector<16xi32>], vector<16xf32>,
          %parallel_loop3A_152 = arith.constant 16 : i32
          %parallel_loop3A_153 = arith.muli %parallel_loop3A_144, %parallel_loop3A_152 : i32
          %parallel_loop3A_154 = arith.constant 0 : i32
          %parallel_loop3A_155 = arith.index_cast %parallel_loop3A_154 : i32 to index
          %parallel_loop3A_156 = arith.index_cast %parallel_loop3A_153 : i32 to index
          %parallel_loop3A_157 = tpu.vector_load %run_scoped3A_79[%parallel_loop3A_155, %parallel_loop3A_156] {strides = array<i32>} : memref<4x8192xf32, #tpu.memory_space<vmem>>, vector<16xf32>,
          tpu.vector_store %run_scoped3A_79[%parallel_loop3A_155, %parallel_loop3A_156], %parallel_loop3A_151 {strides = array<i32>} : memref<4x8192xf32, #tpu.memory_space<vmem>>, vector<16xf32>,
          %parallel_loop3A_158 = arith.constant 1 : i32
          %parallel_loop3A_159 = vector.broadcast %parallel_loop3A_158 : i32 to vector<16xi32>
          %parallel_loop3A_160 = tpu.vector_load_idx %run_scoped3A[%parallel_loop3A_159, %parallel_loop3A_148] : memref<4x10000xf32, #tpu.memory_space<vmem>>[vector<16xi32>, vector<16xi32>], vector<16xf32>,
          %parallel_loop3A_161 = arith.constant 16 : i32
          %parallel_loop3A_162 = arith.muli %parallel_loop3A_144, %parallel_loop3A_161 : i32
          %parallel_loop3A_163 = arith.constant 1 : i32
          %parallel_loop3A_164 = arith.index_cast %parallel_loop3A_163 : i32 to index
          %parallel_loop3A_165 = arith.index_cast %parallel_loop3A_162 : i32 to index
          %parallel_loop3A_166 = tpu.vector_load %run_scoped3A_79[%parallel_loop3A_164, %parallel_loop3A_165] {strides = array<i32>} : memref<4x8192xf32, #tpu.memory_space<vmem>>, vector<16xf32>,
          tpu.vector_store %run_scoped3A_79[%parallel_loop3A_164, %parallel_loop3A_165], %parallel_loop3A_160 {strides = array<i32>} : memref<4x8192xf32, #tpu.memory_space<vmem>>, vector<16xf32>,
          %parallel_loop3A_167 = arith.constant 2 : i32
          %parallel_loop3A_168 = vector.broadcast %parallel_loop3A_167 : i32 to vector<16xi32>
          %parallel_loop3A_169 = tpu.vector_load_idx %run_scoped3A[%parallel_loop3A_168, %parallel_loop3A_148] : memref<4x10000xf32, #tpu.memory_space<vmem>>[vector<16xi32>, vector<16xi32>], vector<16xf32>,
          %parallel_loop3A_170 = arith.constant 16 : i32
          %parallel_loop3A_171 = arith.muli %parallel_loop3A_144, %parallel_loop3A_170 : i32
          %parallel_loop3A_172 = arith.constant 2 : i32
          %parallel_loop3A_173 = arith.index_cast %parallel_loop3A_172 : i32 to index
          %parallel_loop3A_174 = arith.index_cast %parallel_loop3A_171 : i32 to index
          %parallel_loop3A_175 = tpu.vector_load %run_scoped3A_79[%parallel_loop3A_173, %parallel_loop3A_174] {strides = array<i32>} : memref<4x8192xf32, #tpu.memory_space<vmem>>, vector<16xf32>,
          tpu.vector_store %run_scoped3A_79[%parallel_loop3A_173, %parallel_loop3A_174], %parallel_loop3A_169 {strides = array<i32>} : memref<4x8192xf32, #tpu.memory_space<vmem>>, vector<16xf32>,
          %parallel_loop3A_176 = arith.constant 3 : i32
          %parallel_loop3A_177 = vector.broadcast %parallel_loop3A_176 : i32 to vector<16xi32>
          %parallel_loop3A_178 = tpu.vector_load_idx %run_scoped3A[%parallel_loop3A_177, %parallel_loop3A_148] : memref<4x10000xf32, #tpu.memory_space<vmem>>[vector<16xi32>, vector<16xi32>], vector<16xf32>,
          %parallel_loop3A_179 = arith.constant 16 : i32
          %parallel_loop3A_180 = arith.muli %parallel_loop3A_144, %parallel_loop3A_179 : i32
          %parallel_loop3A_181 = arith.constant 3 : i32
          %parallel_loop3A_182 = arith.index_cast %parallel_loop3A_181 : i32 to index
          %parallel_loop3A_183 = arith.index_cast %parallel_loop3A_180 : i32 to index
          %parallel_loop3A_184 = tpu.vector_load %run_scoped3A_79[%parallel_loop3A_182, %parallel_loop3A_183] {strides = array<i32>} : memref<4x8192xf32, #tpu.memory_space<vmem>>, vector<16xf32>,
          tpu.vector_store %run_scoped3A_79[%parallel_loop3A_182, %parallel_loop3A_183], %parallel_loop3A_178 {strides = array<i32>} : memref<4x8192xf32, #tpu.memory_space<vmem>>, vector<16xf32>,
        } {sc.loop_unroll_factor = 16 : i64, sc.parallel_access}
        %mul3A_114 = arith.constant 4 : i32
        %mul3A_115 = arith.muli %mul3A_114, %select_n3A_54 : i32
        %mul3A_116 = arith.constant 8192 : i32
        %mul3A_117 = arith.muli %select_n3A_70, %mul3A_116 : i32
        %add3A_118 = arith.constant 4096 : i32
        %add3A_119 = arith.addi %mul3A_117, %add3A_118 : i32
        %dma_start3A_120 = arith.constant 0 : i32
        %dma_start3A_121 = arith.constant 4096 : i32
        %dma_start3A_122 = tpu.memref_slice %run_scoped3A_79[%dma_start3A_120, %dma_start3A_121] : memref<4x8192xf32, #tpu.memory_space<vmem>> -> memref<4x4096xf32, #tpu.memory_space<vmem>>
        %dma_start3A_123 = tpu.memref_slice %arg6[%mul3A_115, %add3A_119] : memref<32x16384xf32, #tpu.memory_space<hbm>> -> memref<4x4096xf32, #tpu.memory_space<hbm>>
        %dma_start3A_124 = tpu.memref_slice %arg6[%mul3A_115, %add3A_119] : memref<32x16384xf32, #tpu.memory_space<hbm>> -> memref<4x4096xf32, #tpu.memory_space<hbm>>
        %dma_start3A_125 = arith.constant 0 : i32
        %dma_start3A_126 = arith.constant 4096 : i32
        %dma_start3A_127 = tpu.memref_slice %run_scoped3A_79[%dma_start3A_125, %dma_start3A_126] : memref<4x8192xf32, #tpu.memory_space<vmem>> -> memref<4x4096xf32, #tpu.memory_space<vmem>>
        tpu.enqueue_dma source(%dma_start3A_127 : memref<4x4096xf32, #tpu.memory_space<vmem>>) target(%dma_start3A_124 : memref<4x4096xf32, #tpu.memory_space<hbm>>) target_semaphore(%run_scoped3A_80 : memref<!tpu.dma_semaphore, #tpu.memory_space<semaphore_mem>>)
        %dma_wait3A_128 = arith.constant 0 : i32
        %dma_wait3A_129 = arith.constant 0 : i32
        %dma_wait3A_130 = tpu.memref_slice %run_scoped3A_79[%dma_wait3A_128, %dma_wait3A_129] : memref<4x8192xf32, #tpu.memory_space<vmem>> -> memref<4x4096xf32, #tpu.memory_space<vmem>>
        %dma_wait3A_131 = tpu.memref_slice %arg6[%mul3A_98, %add3A_102] : memref<32x16384xf32, #tpu.memory_space<hbm>> -> memref<4x4096xf32, #tpu.memory_space<hbm>>
        %dma_wait3A_132 = tpu.memref_slice %arg6[%mul3A_98, %add3A_102] : memref<32x16384xf32, #tpu.memory_space<hbm>> -> memref<4x4096xf32, #tpu.memory_space<hbm>>
        %dma_wait3A_133 = arith.constant 0 : i32
        %dma_wait3A_134 = arith.constant 0 : i32
        %dma_wait3A_135 = tpu.memref_slice %run_scoped3A_79[%dma_wait3A_133, %dma_wait3A_134] : memref<4x8192xf32, #tpu.memory_space<vmem>> -> memref<4x4096xf32, #tpu.memory_space<vmem>>
        tpu.wait_dma2 semaphore(%run_scoped3A_80 : memref<!tpu.dma_semaphore, #tpu.memory_space<semaphore_mem>>) src(%dma_wait3A_135 : memref<4x4096xf32, #tpu.memory_space<vmem>>) dst(%dma_wait3A_132 : memref<4x4096xf32, #tpu.memory_space<hbm>>)
        %dma_wait3A_136 = arith.constant 0 : i32
        %dma_wait3A_137 = arith.constant 4096 : i32
        %dma_wait3A_138 = tpu.memref_slice %run_scoped3A_79[%dma_wait3A_136, %dma_wait3A_137] : memref<4x8192xf32, #tpu.memory_space<vmem>> -> memref<4x4096xf32, #tpu.memory_space<vmem>>
        %dma_wait3A_139 = tpu.memref_slice %arg6[%mul3A_115, %add3A_119] : memref<32x16384xf32, #tpu.memory_space<hbm>> -> memref<4x4096xf32, #tpu.memory_space<hbm>>
        %dma_wait3A_140 = tpu.memref_slice %arg6[%mul3A_115, %add3A_119] : memref<32x16384xf32, #tpu.memory_space<hbm>> -> memref<4x4096xf32, #tpu.memory_space<hbm>>
        %dma_wait3A_141 = arith.constant 0 : i32
        %dma_wait3A_142 = arith.constant 4096 : i32
        %dma_wait3A_143 = tpu.memref_slice %run_scoped3A_79[%dma_wait3A_141, %dma_wait3A_142] : memref<4x8192xf32, #tpu.memory_space<vmem>> -> memref<4x4096xf32, #tpu.memory_space<vmem>>
        tpu.wait_dma2 semaphore(%run_scoped3A_80 : memref<!tpu.dma_semaphore, #tpu.memory_space<semaphore_mem>>) src(%dma_wait3A_143 : memref<4x4096xf32, #tpu.memory_space<vmem>>) dst(%dma_wait3A_140 : memref<4x4096xf32, #tpu.memory_space<hbm>>)
        tpu.yield
      }) : () -> ()
    } else {
    }
    return
  }
}

</mosaic_0001>

<sc_bundles>
// kernel: kernel.3.cloned.1.call-start
scs
__scs_entry_jumppad:
0x0: {  	(pc) =	sbr.rel $0x88, $3  }
0x1: {  	(tag) =	ssettag $0x0;
	lr =	simm.s32 $0x1  }
0x2: {  	[smem:$0x3F9E] =	sst lr;
	_ =	strace $0xD0000000  }
0x3: {  	_ = 	snop  }
0x4: {  	_ = 	snop  }
0x5: {  	_ = 	snop  }
0x6: {  	_ = 	snop  }
0x7: {  	_ = 	snop  }
__scs_overlays_trampoline_lowered:
0x8: {  	[smem:$0x3FAD] =	sst s0  }
0x9: {  	[smem:$0x3FAE] =	sst s1  }
0xa: {  	[smem:$0x3FAF] =	sst s2  }
0xb: {  	[smem:$0x3FB0] =	sst s3  }
0xc: {  	[smem:$0x3FB1] =	sst s4  }
0xd: {  	[smem:$0x3FB2] =	sst s5  }
0xe: {  	[smem:$0x3FB3] =	sst s6  }
0xf: {  	[smem:$0x3FB4] =	sst s7  }
0x10: {  	[smem:$0x3FB5] =	sst s8  }
0x11: {  	[smem:$0x3FB6] =	sst s9;
	s0 =	simm.s32 @!p0 $0x0  }
0x12: {  	s1 =	sld [smem:$0x3F9C];
	s0 =	simm.s32 @p0 $0x1  }
0x13: {  	[smem:$0x3FB7] =	sst s0;
	s0 =	simm.s32 @!p1 $0x0  }
0x14: {  	s2 =	sld [smem:$0x3F9B];
	s0 =	simm.s32 @p1 $0x1  }
0x15: {  	[smem:$0x3FB8] =	sst s0;
	s0 =	simm.s32 @!p2 $0x0  }
0x16: {  	s3 =	sld [smem:$0x3FDB];
	s0 =	simm.s32 @p2 $0x1  }
0x17: {  	s4 =	simm.s32 $0x1BF5;
	[smem:$0x3FBA] =	sst s0  }
0x18: {  	s0 =	sld [smem:$0x3F9D];
	_ =	swait.ge [sflag:s4], $0x0  }
0x19: {  	s7 =	sld [smem:$0x3F9E]  }
0x1a: {  	s8 =	sadd.s32 $0xFFFFE003, lr  }
0x1b: {  	s9 =	sadd.s32 $0xFFFFFEF7, lr;
	s5 =	simm.s32 $0xFFFFFFFF;
	p2 =	slt.u32 s8, $0xFFFFF086  }
0x1c: {  	p1 =	slt.u32 s9, $0xF7A;
	s5 =	simm.s32 @!p2 $0x0  }
0x1d: {  	s5 =	simm.s32 @p1 $0x1;
	p0 =	seq.s32 s7, s2  }
0x1e: {  	s7 =	smul.u32 @!p0 $0xF7A, s2;
	p2 =	seq.s32 @!p0 s5, $0x0  }
0x1f: {  	s9 =	smul.u32 $0xF7A, s1;
	s8 =	simm.s32 @!p0 $0x1BF5;
	p2 =	por !p2, p0  }
0x20: {  	[sflag:s8] =	ssyncset.s32 @!p0 $0xFFFFF086;
	s6 =	sadd.s32 @!p0 s3, s7;
	s7 =	simm.s32 @!p0 $0x108  }
0x21: {  	s3 =	sadd.s32 s3, s9;
	s6 =	sadd.s32 @!p0 $0x88, s6;
	s7 =	simm.s32 @p2 $0x1082  }
0x22: {  	[simem:s7], [sflag:s8] =	dma.local @!p0 [hbm:s6], $0xF7A  }
0x23: {  	s9 =	sor.u32 $0xD0000000, s2;
	s6 =	simm.s32 $0x108;
	_ =	swait.ge @!p0 [sflag:s8], $0x0  }
0x24: {  	s3 =	sadd.s32 $0x88, s3;
	s6 =	simm.s32 @!p1 $0x1082;
	[sflag:s4] =	ssyncset.s32 $0xFFFFF086  }
0x25: {  	[simem:s6], [sflag:s4] =	dma.local [hbm:s3], $0xF7A  }
0x26: {  	[smem:$0x3F9E] =	sst s1;
	(tag) =	ssettag s2;
	_ =	strace s9  }
0x27: {  	s1 =	sld [smem:$0x3FAE]  }
0x28: {  	s2 =	sld [smem:$0x3FAF]  }
0x29: {  	s4 =	sld [smem:$0x3FB1]  }
0x2a: {  	p0 =	seq.s32 s5, $0x0;
	s5 =	sld [smem:$0x3FB2]  }
0x2b: {  	s6 =	sld [smem:$0x3FB3]  }
0x2c: {  	s7 =	sld [smem:$0x3FB4]  }
0x2d: {  	s3 =	simm.s32 $0x108;
	s8 =	sld [smem:$0x3FB5]  }
0x2e: {  	s3 =	simm.s32 @!p0 $0x1082;
	s9 =	sld [smem:$0x3FB6]  }
0x2f: {  	lr =	sadd.s32 s0, s3;
	s0 =	sld [smem:$0x3FAD]  }
0x30: {  	s3 =	sld [smem:$0x3FB0]  }
0x31: {  	[smem:$0x3FB9] =	sst s10  }
0x32: {  	s10 =	sld [smem:$0x3FB7];
	_ =	sdelay $0x3  }
0x33: {  	p0 =	seq.s32 s10, $0x1;
	s10 =	sld [smem:$0x3FB9];
	_ =	sdelay $0x3  }
0x34: {  	[smem:$0x3FB9] =	sst s10  }
0x35: {  	s10 =	sld [smem:$0x3FB8];
	_ =	sdelay $0x3  }
0x36: {  	p1 =	seq.s32 s10, $0x1;
	s10 =	sld [smem:$0x3FB9];
	_ =	sdelay $0x3  }
0x37: {  	[smem:$0x3FB9] =	sst s10  }
0x38: {  	s10 =	sld [smem:$0x3FBA]  }
0x39: {  	_ = 	snop;
	(pc) =	sbr.ind lr, $3  }
0x3a: {  	_ = 	snop  }
0x3b: {  	_ = 	snop  }
0x3c: {  	p2 =	seq.s32 s10, $0x1;
	s10 =	sld [smem:$0x3FB9]  }
0x3d: {  	_ =	shalt  }
0x3e: {  	_ =	shalt  }
0x3f: {  	_ =	shalt  }
0x40: {  	_ =	shalt  }
0x41: {  	_ =	shalt  }
0x42: {  	_ =	shalt  }
0x43: {  	_ =	shalt  }
0x44: {  	_ =	shalt  }
0x45: {  	_ =	shalt  }
0x46: {  	_ =	shalt  }
0x47: {  	_ =	shalt  }
0x48: {  	_ =	shalt  }
0x49: {  	_ =	shalt  }
0x4a: {  	_ =	shalt  }
0x4b: {  	_ =	shalt  }
0x4c: {  	_ =	shalt  }
0x4d: {  	_ =	shalt  }
0x4e: {  	_ =	shalt  }
0x4f: {  	_ =	shalt  }
0x50: {  	_ =	shalt  }
0x51: {  	_ =	shalt  }
0x52: {  	_ =	shalt  }
0x53: {  	_ =	shalt  }
0x54: {  	_ =	shalt  }
0x55: {  	_ =	shalt  }
0x56: {  	_ =	shalt  }
0x57: {  	_ =	shalt  }
0x58: {  	_ =	shalt  }
0x59: {  	_ =	shalt  }
0x5a: {  	_ =	shalt  }
0x5b: {  	_ =	shalt  }
0x5c: {  	_ =	shalt  }
0x5d: {  	_ =	shalt  }
0x5e: {  	_ =	shalt  }
0x5f: {  	_ =	shalt  }
0x60: {  	_ =	shalt  }
0x61: {  	_ =	shalt  }
0x62: {  	_ =	shalt  }
0x63: {  	_ =	shalt  }
0x64: {  	_ =	shalt  }
0x65: {  	_ =	shalt  }
0x66: {  	_ =	shalt  }
0x67: {  	_ =	shalt  }
0x68: {  	_ =	shalt  }
0x69: {  	_ =	shalt  }
0x6a: {  	_ =	shalt  }
0x6b: {  	_ =	shalt  }
0x6c: {  	_ =	shalt  }
0x6d: {  	_ =	shalt  }
0x6e: {  	_ =	shalt  }
0x6f: {  	_ =	shalt  }
0x70: {  	_ =	shalt  }
0x71: {  	_ =	shalt  }
0x72: {  	_ =	shalt  }
0x73: {  	_ =	shalt  }
0x74: {  	_ =	shalt  }
0x75: {  	_ =	shalt  }
0x76: {  	_ =	shalt  }
0x77: {  	_ =	shalt  }
0x78: {  	_ =	shalt  }
0x79: {  	_ =	shalt  }
0x7a: {  	_ =	shalt  }
0x7b: {  	_ =	shalt  }
0x7c: {  	_ =	shalt  }
0x7d: {  	_ =	shalt  }
0x7e: {  	_ =	shalt  }
0x7f: {  	_ =	shalt  }
0x80: {  	_ =	shalt  }
0x81: {  	_ =	shalt  }
0x82: {  	_ =	shalt  }
0x83: {  	_ =	shalt  }
0x84: {  	_ =	shalt  }
0x85: {  	_ =	shalt  }
0x86: {  	_ =	shalt  }
0x87: {  	_ =	shalt  }
.Lfunc_end0:
.L_simem_size_0:
called_computation_lowered:
.L_overlay_start_0:
0x88: {  	s2 =	sld [smem:$0x3FD9]  }
0x89: {  	s3 =	sld [smem:$0x3FFE];
	_ =	sdelay $0x1  }
0x8a: {  	s1 =	srdreg.scid  }
0x8b: {  	s0 =	sand.u32 $0x1, s1  }
0x8c: {  	s15 =	sshll.u32 s0, $0xA;
	s2 =	sadd.s32 s3, s2  }
0x8d: {  	s2 =	sadd.s32 s2, s15  }
0x8e: {  	[smem:$0x3FC5] =	sst s2  }
0x8f: {  	_ = 	snop  }
0x90: {  	s2 =	sld [smem:$0x3FD0]  }
0x91: {  	s16 =	sld [smem:$0x3FC9]  }
0x92: {  	s4 =	sld [smem:$0x3FC8]  }
0x93: {  	s6 =	simm.s32 $0xA;
	s7 =	simm.s32 $0x10;
	s5 =	sld [smem:$0x3FC7]  }
0x94: {  	[smem:s7], [sflag:s6] =	dma.local [hbm:s2], $0x1  }
0x95: {  	_ =	swait.eq [sflag:s6], $0x1  }
0x96: {  	[sflag:s6] =	ssyncset.done $0x0  }
0x97: {  	s17 =	sld [smem:$0x10];
	[sflag:s6] =	ssyncadd.s32 $0xFFFFFFFF  }
0x98: {  	s18 =	sld [smem:$0x11];
	(tm) =	ssettm $0x1  }
0x99: {  	s19 =	sld [smem:$0x3FFB];
	_ =	sdelay $0x3  }
0x9a: {  	_ =	strace s19  }
0x9b: {  	s7 =	sld [smem:$0x3FFC];
	_ =	sdelay $0x3  }
0x9c: {  	_ =	strace s7  }
0x9d: {  	s7 =	sld [smem:$0x3FFD];
	_ =	sdelay $0x3  }
0x9e: {  	_ =	strace s7  }
0x9f: {  	_ =	strace $0x8FFFFFFF  }
0xa0: {  	s20 =	sld [smem:$0x3FDB];
	_ =	sdelay $0x1  }
0xa1: {  	s8 =	simm.s32 $_scs_section_size  }
0xa2: {  	s9 =	simm.s32 $_size__tile_overlayer_lowered;
	s10 =	simm.s32 $_tile_overlayer_lowered  }
0xa3: {  	s23 =	simm.s32 $0x1BFF;
	s22 =	sshll.u32 s10, $0x1;
	s7 =	sadd.s32 s8, s20  }
0xa4: {  	s11 =	simm.s32 $0x0;
	s21 =	sshll.u32 s9, $0x1;
	s9 =	sadd.s32 s22, s7  }
0xa5: {  	[timem:s11], [sflag:s23] =	dma.local [hbm:s9], s21  }
0xa6: {  	_ =	swait.ge [sflag:s23], s21  }
0xa7: {  	s8 =	ssub.s32 $0x0, s21;
	[sflag:s23] =	ssyncset.done $0x0  }
0xa8: {  	[sflag:s23] =	ssyncadd.s32 s8;
	_ =	sdelay $0x1  }
0xa9: {  	s24 =	simm.s32 $0x1B8B  }
0xaa: {  	_ =	swait.ge [sflag:s24], $0x1  }
0xab: {  	[sflag:s24] =	ssyncset.done $0x0  }
0xac: {  	s25 =	simm.s32 $0x1B8E;
	[sflag:s24] =	ssyncadd.s32 $0xFFFFFFFF  }
0xad: {  	s26 =	simm.s32 $execute0_lowered;
	[smem:$0x3FD2] =	sst s25  }
0xae: {  	s8 =	sshll.u32 s26, $0x1;
	_ =	strace $0x80000046;
	[dreg:$0x1] =	wrdreg $0xFFFFFFFF  }
0xaf: {  	s28 =	simm.s32 $_size_execute0_lowered;
	s7 =	sadd.s32 s7, s8;
	[dreg:$0x0] =	wrdreg $0x0  }
0xb0: {  	s8 =	sshll.u32 s28, $0x1;
	[dreg:$0x2] =	wrdreg s7  }
0xb1: {  	[dreg:$0x3] =	wrdreg s8  }
0xb2: {  	[dreg:$0x4] =	wrdreg $0xC0  }
0xb3: {  	_ =	task [dreg:s11], $0x5FFFF  }
0xb4: {  	[dreg:$0x1] =	wrdreg $0xFFFFFFFF  }
0xb5: {  	[dreg:$0x0] =	wrdreg $0x60  }
0xb6: {  	[dreg:$0x2] =	wrdreg s16  }
0xb7: {  	[dreg:$0x3] =	wrdreg s4  }
0xb8: {  	[dreg:$0x4] =	wrdreg s5  }
0xb9: {  	[dreg:$0x5] =	wrdreg s17  }
0xba: {  	[dreg:$0x6] =	wrdreg s18  }
0xbb: {  	[dreg:$0x7] =	wrdreg $0x9  }
0xbc: {  	_ =	task.clear_ibuf [dreg:s11], $0x8FFFF;
	_ =	strace $0x90000046  }
0xbd: {  	s29 =	simm.s32 $0x9;
	_ =	strace $0x80000048  }
0xbe: {  	_ =	swait.ge [sflag:s29], $0x1  }
0xbf: {  	[sflag:s29] =	ssyncadd.s32 $0xFFFFFFFF  }
0xc0: {  	_ =	strace $0x90000048  }
0xc1: {  	_ =	sfence  }
0xc2: {  	s30 =	sld [smem:$0x0];
	_ =	sdelay $0x2  }
0xc3: {  	s31 =	sshll.u32 s1, $0xD;
	s1 =	sshrl.u32 s1, $0x2  }
0xc4: {  	s3 =	sand.u32 $0x4000, s31;
	s1 =	sadd.s32 s1, s30  }
0xc5: {  	s0 =	sor.u32 s3, s0;
	s1 =	sshll.u32 s1, $0x11  }
0xc6: {  	s0 =	sor.u32 s1, s0  }
0xc7: {  	s0 =	sadd.s32 $0x8F2B, s0  }
0xc8: {  	[sflag:s0] =	ssyncadd.remote.s32 $0x1  }
0xc9: {  	_ =	sfence.sel $0xFFFF  }
0xca: {  	[dreg:$0x0] =	wrdreg $0xFFFFFFFF;
	(pc) =	sbr.abs _section_cstart, $3  }
0xcb: {  	[dreg:$0x1] =	wrdreg $0xFFFFFFFF  }
0xcc: {  	_ =	task.clear_ibuf [dreg:s11], $0x2FFFF;
	_ =	strace $0x9FFFFFFF  }
0xcd: {  	(tm) =	ssettm $0x7FFFFFFF  }
tec
execute0_lowered:
.L_overlay_start_1:
0x0: {  	(tag) =	ssettag $0x1  }
0x1: {  	s7 =	rddreg [dreg:$0x0]  }
0x2: {  	s10 =	rddreg [dreg:$0x1]  }
0x3: {  	s1 =	srdreg.scid;
	s8 =	rddreg [dreg:$0x2]  }
0x4: {  	s0 =	stileid.u32;
	s2 =	rddreg [dreg:$0x3];
	s5 =	simm.s32 $0x1  }
0x5: {  	s3 =	rddreg [dreg:$0x4];
	s4 =	simm.s32 $0x0;
	s6 =	sand.u32 $0x1, s1  }
0x6: {  	s15 =	simm.s32 $0x2000;
	s16 =	simm.s32 $0xBE00;
	s1 =	sor.u32 s6, s0  }
0x7: {  	s17 =	simm.s32 $0xFE00;
	p1 =	seq.s32 s6, $0x1;
	p0 =	seq.s32 s1, $0x0  }
0x8: {  	s18 =	simm.s32 $0x0;
	[smem:$0x7FF] =	sst s4;
	p0 =	por !p0, !p1  }
0x9: {  	s9 =	ssub.s32 $0x2, s6;
	s13 =	sshll.u32 s6, $0x10;
	p0 =	por !p0, !p0  }
0xa: {  	s6 =	sshll.u32 s6, $0xA;
	s1 =	rddreg [dreg:$0x5];
	s5 =	simm.s32 @!p0 $0x0  }
0xb: {  	_ =	strace $0x80000047;
	s12 =	sshrl.u32 s9, $0x1;
	s5 =	ssub.s32 s0, s5  }
0xc: {  	s6 =	sadd.s32 s7, s6;
	s12 =	ssub.s32 s9, s12;
	s11 =	sand.u32 $0x6, s5  }
0xd: {  	s12 =	smax.u32 s12, $0x1;
	p0 =	sgt.u32 s0, $0x7;
	s11 =	sshrl.u32 s11, $0x1  }
0xe: {  	s5 =	sshll.u32 s5, $0x9;
	s29 =	smul.u32 $0x13C00, s11;
	s11 =	sshll.u32 s11, $0x11  }
.Ltmp0:
0xf: {  	s14 =	sand.u32 $0x200, s5;
	s11 =	sor.u32 s13, s11;
	(pc) =	sbr.rel .LBB2_1-.Ltmp0, $4  }
0x10: {  	s5 =	simm.s32 $0x1;
	s9 =	sor.u32 s14, s29;
	s31 =	sor.u32 s14, s11  }
0x11: {  	s13 =	simm.s32 $0x200;
	s30 =	sshrl.u32 s9, $0x3;
	s11 =	sshrl.u32 s31, $0x3  }
0x12: {  	s14 =	simm.s32 $0x400;
	s7 =	sadd.s32 s8, s30;
	s8 =	sadd.s32 s3, s11  }
0x13: {  	s9 =	sor.u32 $0x1000, s11;
	s10 =	sadd.s32 s10, s30;
	s11 =	sadd.s32 s2, s11  }
.LBB2_11:
0x14: {  	[tilespmem:s20+$0xFFFFFEF0] =	vst v15  }
0x15: {  	[tilespmem:s20+$0xFFFFFF70] =	vst v16  }
0x16: {  	[tilespmem:s20+$0xFFFFFFF0] =	vst v17  }
0x17: {  	[tilespmem:s20+$0xFFFFFF00] =	vst v18  }
0x18: {  	[tilespmem:s20+$0xFFFFFF80] =	vst v19  }
0x19: {  	[tilespmem:s20+$0xFFFFFC60] =	vst v13;
	v4 =	vld.idx.msk [tilespmem:v4+s15+$0x0], $0xffff  }
0x1a: {  	[tilespmem:s19+$0xFFFFFE50] =	vst v0;
	v56 =	vld.idx.msk [tilespmem:v5+s15+$0x0], $0xffff  }
0x1b: {  	[tilespmem:s19+$0xFFFFFE60] =	vst v1;
	v57 =	vld.idx.msk [tilespmem:v6+s15+$0x0], $0xffff  }
0x1c: {  	[tilespmem:s19+$0xFFFFFE70] =	vst v3;
	v58 =	vld.idx.msk [tilespmem:v7+s15+$0x0], $0xffff  }
0x1d: {  	[tilespmem:s20+$0xFFFFFE80] =	vst v2;
	v59 =	vld.idx.msk [tilespmem:v8+s15+$0x0], $0xffff  }
0x1e: {  	v60 =	vld.idx.msk [tilespmem:v9+s15+$0x0], $0xffff;
	[tilespmem:s20+$0xFFFFFC70] =	vst v4  }
0x1f: {  	v61 =	vld.idx.msk [tilespmem:v10+s15+$0x0], $0xffff;
	[tilespmem:s20+$0xFFFFFC80] =	vst v56  }
0x20: {  	v62 =	vld.idx.msk [tilespmem:v11+s15+$0x0], $0xffff;
	[tilespmem:s20+$0xFFFFFE10] =	vst v57  }
0x21: {  	v63 =	vld.idx.msk [tilespmem:v12+s15+$0x0], $0xffff;
	[tilespmem:s20+$0xFFFFFE20] =	vst v58  }
0x22: {  	[tilespmem:s20+$0xFFFFFE30] =	vst v59  }
0x23: {  	[tilespmem:s20+$0xFFFFFE40] =	vst v60  }
0x24: {  	[tilespmem:s20+$0xFFFFFE50] =	vst v61  }
0x25: {  	[tilespmem:s20+$0xFFFFFE60] =	vst v62  }
0x26: {  	s19 =	smov.u32 s3;
	[tilespmem:s20+$0xFFFFFE70] =	vst v63  }
.LBB2_12:
0x27: {  	s19 =	sadd.s32 s19, s9;
	s18 =	sadd.s32 $0x1, s18  }
0x28: {  	[hbm4b:s19+s13] =	stream.strided.scatter [tilespmem:s17], [sflag:$0x1], $0x4000, s14, s13, $0x38;
	[tilespmem:$0x13E00] =	vst v63  }
0x29: {  	p1 =	sne.s32 s18, s12;
	_ =	swait.ge [sflag:s5], $0x4000  }
.Ltmp1:
0x2a: {  	[sflag:s5] =	ssyncset.done $0x0;
	(pc) =	sbr.rel @!p1 .LBB2_13-.Ltmp1, $4  }
0x2b: {  	[sflag:s5] =	ssyncadd.s32 $0xFFFFC000  }
0x2c: {  	_ =	swait.ge [sflag:s5], $0x4000  }
0x2d: {  	[sflag:s5] =	ssyncset.done $0x0  }
0x2e: {  	[sflag:s5] =	ssyncadd.s32 $0xFFFFC000  }
.LBB2_1:
.Ltmp2:
0x2f: {  	(pc) =	sbr.rel @p0 .LBB2_7-.Ltmp2, $2  }
0x30: {  	_ =	sdelay $0x2  }
0x31: {  	[tilespmem:s4], [sflag:$0x1] =	stream.linear.gather [hbm4b:s6+s4], $0x2000, $0x38;
	[tilespmem:$0x13E00] =	vst v63  }
0x32: {  	[tilespmem:s15], [sflag:$0x1] =	stream.strided.gather [hbm4b:s10+s13], $0x9E00, s14, s13, $0x38;
	[tilespmem:$0x13E00] =	vst v63  }
0x33: {  	_ =	swait.ge [sflag:s5], $0x2000  }
0x34: {  	[sflag:s5] =	ssyncset.done $0x0  }
0x35: {  	[sflag:s5] =	ssyncadd.s32 $0xFFFFE000  }
0x36: {  	_ =	swait.ge [sflag:s5], $0x9E00  }
0x37: {  	[sflag:s5] =	ssyncset.done $0x0  }
0x38: {  	s19 =	simm.s32 $0x80;
	[sflag:s5] =	ssyncadd.s32 $0xFFFF6200  }
0x39: {  	v0 =	vld [tilespmem:s19+$0x70]  }
0x3a: {  	v1 =	vld [tilespmem:s19+$0xFFFFFF90]  }
0x3b: {  	v2 =	vld [tilespmem:s19+$0xFFFFFFA0]  }
0x3c: {  	v3 =	vld [tilespmem:s19+$0xFFFFFFB0]  }
0x3d: {  	v4 =	vld [tilespmem:s19+$0xFFFFFFC0]  }
0x3e: {  	v5 =	vld [tilespmem:s19+$0xFFFFFFD0]  }
0x3f: {  	v10 =	vld [tilespmem:s19+$0xFFFFFFE0]  }
0x40: {  	v7 =	vld [tilespmem:s19+$0xFFFFFF80];
	v6 =	vshll.u32 v0, $0x2  }
0x41: {  	v11 =	vld [tilespmem:s19+$0xFFFFFFF0];
	v0 =	vand.u32 $0x7F, v0;
	v12 =	vshll.u32 v2, $0x2;
	v15 =	vshll.u32 v3, $0x2  }
0x42: {  	v13 =	vld [tilespmem:s19+$0x10];
	v2 =	vand.u32 $0x7F, v2;
	v3 =	vand.u32 $0x7F, v3;
	v12 =	vand.u32 $0xFFFFFE00, v12  }
0x43: {  	v14 =	vld [tilespmem:s19+$0x20];
	v6 =	vand.u32 $0xFFFFFE00, v6;
	v15 =	vand.u32 $0xFFFFFE00, v15;
	v12 =	vor.u32 v2, v12  }
0x44: {  	v16 =	vld [tilespmem:s19+$0x30];
	v9 =	vshll.u32 v1, $0x2;
	v0 =	vor.u32 v0, v6;
	v3 =	vor.u32 v3, v15  }
0x45: {  	v18 =	vld [tilespmem:s19+$0x40];
	v1 =	vand.u32 $0x7F, v1;
	v9 =	vand.u32 $0xFFFFFE00, v9;
	v8 =	vor.u32 $0x180, v0  }
0x46: {  	v6 =	vld [tilespmem:s19+$0x0];
	v1 =	vor.u32 v1, v9  }
0x47: {  	v9 =	vld [tilespmem:s19+$0x50];
	v25 =	vor.u32 $0x100, v1  }
0x48: {  	v27 =	vor.u32 $0x80, v12;
	v22 =	vld.idx.msk [tilespmem:v12+s15+$0x0], $0xffff  }
0x49: {  	v17 =	vshll.u32 v7, $0x2;
	v28 =	vor.u32 $0x100, v12;
	v24 =	vld.idx.msk [tilespmem:v3+s15+$0x0], $0xffff  }
0x4a: {  	v7 =	vand.u32 $0x7F, v7;
	v17 =	vand.u32 $0xFFFFFE00, v17;
	v30 =	vor.u32 $0x100, v3;
	v19 =	vld.idx.msk [tilespmem:v8+s15+$0x0], $0xffff  }
0x4b: {  	v8 =	vor.u32 v7, v17;
	v17 =	vld.idx.msk [tilespmem:v1+s15+$0x0], $0xffff  }
0x4c: {  	v25 =	vld.idx.msk [tilespmem:v25+s15+$0x0], $0xffff  }
0x4d: {  	v27 =	vld.idx.msk [tilespmem:v27+s15+$0x0], $0xffff  }
0x4e: {  	v28 =	vld.idx.msk [tilespmem:v28+s15+$0x0], $0xffff  }
0x4f: {  	s20 =	simm.s32 $0x180;
	v23 =	vor.u32 $0x80, v1;
	v63 =	vshll.u32 v9, $0x2;
	v1 =	vor.u32 $0x180, v1;
	v30 =	vld.idx.msk [tilespmem:v30+s15+$0x0], $0xffff  }
0x50: {  	v7 =	vshll.u32 v4, $0x2;
	v45 =	vand.u32 $0xFFFFFE00, v63;
	v63 =	vld [tilespmem:s20+$0xFFFFFFE0];
	v15 =	vor.u32 $0x80, v8  }
0x51: {  	v4 =	vand.u32 $0x7F, v4;
	v2 =	vand.u32 $0xFFFFFE00, v7;
	v7 =	vld [tilespmem:s19+$0x60];
	v20 =	vor.u32 $0x100, v8  }
0x52: {  	v4 =	vor.u32 v4, v2;
	v2 =	vld.idx.msk [tilespmem:v0+s15+$0x0], $0xffff  }
0x53: {  	v33 =	vor.u32 $0x100, v4;
	v21 =	vld.idx.msk [tilespmem:v8+s15+$0x0], $0xffff  }
0x54: {  	v8 =	vor.u32 $0x180, v8;
	v31 =	vld.idx.msk [tilespmem:v1+s15+$0x0], $0xffff  }
0x55: {  	v59 =	vshll.u32 v18, $0x2;
	s19 =	simm.s32 $0xC000;
	v15 =	vld.idx.msk [tilespmem:v15+s15+$0x0], $0xffff  }
0x56: {  	v18 =	vand.u32 $0x7F, v18;
	v53 =	vor.u32 $0x80, v3;
	[tilespmem:s19+$0xFFFFFE20] =	vst v22;
	v22 =	vand.u32 $0xFFFFFE00, v59;
	v20 =	vld.idx.msk [tilespmem:v20+s15+$0x0], $0xffff  }
0x57: {  	v1 =	vor.u32 $0x180, v3;
	v18 =	vor.u32 v18, v22;
	v26 =	vld.idx.msk [tilespmem:v4+s15+$0x0], $0xffff  }
0x58: {  	v44 =	vor.u32 $0x80, v18;
	v33 =	vld.idx.msk [tilespmem:v33+s15+$0x0], $0xffff  }
0x59: {  	v46 =	vor.u32 $0x100, v18;
	v29 =	vld.idx.msk [tilespmem:v8+s15+$0x0], $0xffff  }
0x5a: {  	v9 =	vand.u32 $0x7F, v9;
	v8 =	vor.u32 $0x180, v12;
	v12 =	vld.idx.msk [tilespmem:v23+s15+$0x0], $0xffff  }
0x5b: {  	[tilespmem:s19+$0xFFFFFEA0] =	vst v27;
	v27 =	vor.u32 v9, v45;
	v9 =	vor.u32 $0x180, v18;
	v23 =	vld.idx.msk [tilespmem:v53+s15+$0x0], $0xffff  }
0x5c: {  	v50 =	vor.u32 $0x100, v27;
	v36 =	vld.idx.msk [tilespmem:v1+s15+$0x0], $0xffff  }
0x5d: {  	v3 =	vshll.u32 v5, $0x2;
	v52 =	vld.idx.msk [tilespmem:v44+s15+$0x0], $0xffff  }
0x5e: {  	v32 =	vor.u32 $0x80, v4;
	v5 =	vand.u32 $0x7F, v5;
	v3 =	vand.u32 $0xFFFFFE00, v3;
	[tilespmem:s19+$0xFFFFFF90] =	vst v31;
	v31 =	vld.idx.msk [tilespmem:v46+s15+$0x0], $0xffff  }
0x5f: {  	v34 =	vld.idx.msk [tilespmem:v8+s15+$0x0], $0xffff;
	v8 =	vor.u32 v5, v3;
	v3 =	vor.u32 $0x180, v4  }
0x60: {  	v48 =	vor.u32 $0x80, v27;
	v53 =	vld.idx.msk [tilespmem:v9+s15+$0x0], $0xffff  }
0x61: {  	[tilespmem:s19+$0xFFFFFE30] =	vst v24;
	v24 =	vld.idx.msk [tilespmem:v50+s15+$0x0], $0xffff;
	v4 =	vshll.u32 v10, $0x2  }
0x62: {  	[tilespmem:s19+$0xFFFFFF40] =	vst v33;
	v33 =	vld [tilespmem:s20+$0xFFFFFF80];
	v10 =	vand.u32 $0x7F, v10;
	v5 =	vor.u32 $0x80, v8;
	v4 =	vand.u32 $0xFFFFFE00, v4  }
0x63: {  	v35 =	vor.u32 $0x100, v8;
	v1 =	vor.u32 v10, v4;
	v10 =	vld.idx.msk [tilespmem:v32+s15+$0x0], $0xffff  }
0x64: {  	v54 =	vshll.u32 v11, $0x2;
	v4 =	vor.u32 $0x180, v8;
	v39 =	vld.idx.msk [tilespmem:v3+s15+$0x0], $0xffff  }
0x65: {  	v32 =	vand.u32 $0xFFFFFE00, v54;
	v54 =	vor.u32 $0x80, v0;
	v0 =	vor.u32 $0x100, v0;
	[tilespmem:s19+$0xFFFFFFA0] =	vst v34;
	v34 =	vld.idx.msk [tilespmem:v48+s15+$0x0], $0xffff  }
0x66: {  	v11 =	vand.u32 $0x7F, v11;
	v37 =	vor.u32 $0x80, v1;
	v59 =	vld.idx.msk [tilespmem:v8+s15+$0x0], $0xffff  }
0x67: {  	v38 =	vor.u32 $0x100, v1;
	v3 =	vor.u32 v11, v32;
	v32 =	vld.idx.msk [tilespmem:v5+s15+$0x0], $0xffff  }
0x68: {  	v11 =	vor.u32 $0x180, v1;
	v35 =	vld.idx.msk [tilespmem:v35+s15+$0x0], $0xffff  }
0x69: {  	[tilespmem:s19+$0x1F0] =	vst v19;
	v42 =	vld.idx.msk [tilespmem:v4+s15+$0x0], $0xffff  }
0x6a: {  	[tilespmem:s19+$0xFFFFFE10] =	vst v17;
	v0 =	vld.idx.msk [tilespmem:v0+s15+$0x0], $0xffff  }
0x6b: {  	[tilespmem:s19+$0xFFFFFF10] =	vst v25;
	v37 =	vld.idx.msk [tilespmem:v37+s15+$0x0], $0xffff  }
0x6c: {  	[tilespmem:s19+$0xFFFFFF20] =	vst v28;
	v40 =	vor.u32 $0x80, v3;
	v38 =	vld.idx.msk [tilespmem:v38+s15+$0x0], $0xffff  }
0x6d: {  	[tilespmem:s19+$0xFFFFFF30] =	vst v30;
	v5 =	vshll.u32 v6, $0x2;
	v41 =	vor.u32 $0x100, v3;
	v11 =	vld.idx.msk [tilespmem:v11+s15+$0x0], $0xffff  }
0x6e: {  	v6 =	vand.u32 $0x7F, v6;
	v5 =	vand.u32 $0xFFFFFE00, v5;
	[tilespmem:s19+$0xFFFFFFC0] =	vst v39;
	v39 =	vld.idx.msk [tilespmem:v54+s15+$0x0], $0xffff  }
0x6f: {  	v4 =	vor.u32 v6, v5;
	v6 =	vor.u32 $0x180, v3;
	[tilespmem:s19+$0xD0] =	vst v34;
	v34 =	vld.idx.msk [tilespmem:v1+s15+$0x0], $0xffff  }
0x70: {  	[tilespmem:s19+$0xFFFFFFB0] =	vst v36;
	v36 =	vld.idx.msk [tilespmem:v3+s15+$0x0], $0xffff  }
0x71: {  	[tilespmem:s19+$0xFFFFFE00] =	vst v21;
	v5 =	vshll.u32 v13, $0x2;
	v19 =	vor.u32 $0x80, v4;
	v21 =	vld.idx.msk [tilespmem:v40+s15+$0x0], $0xffff  }
0x72: {  	[tilespmem:s19+$0x70] =	vst v2;
	v13 =	vand.u32 $0x7F, v13;
	v5 =	vand.u32 $0xFFFFFE00, v5;
	v17 =	vor.u32 $0x100, v4;
	v41 =	vld.idx.msk [tilespmem:v41+s15+$0x0], $0xffff  }
0x73: {  	v5 =	vor.u32 v13, v5;
	v13 =	vor.u32 $0x180, v4;
	[tilespmem:s19+$0x170] =	vst v0;
	v0 =	vld.idx.msk [tilespmem:v18+s15+$0x0], $0xffff  }
0x74: {  	[tilespmem:s19+$0xFFFFFE80] =	vst v15;
	v43 =	vld.idx.msk [tilespmem:v6+s15+$0x0], $0xffff  }
0x75: {  	[tilespmem:s19+$0xFFFFFF00] =	vst v20;
	v56 =	vor.u32 $0x80, v5;
	v4 =	vld.idx.msk [tilespmem:v4+s15+$0x0], $0xffff  }
0x76: {  	v55 =	vshll.u32 v14, $0x2;
	[tilespmem:s19+$0xFFFFFE40] =	vst v26;
	v57 =	vor.u32 $0x100, v5;
	v19 =	vld.idx.msk [tilespmem:v19+s15+$0x0], $0xffff  }
0x77: {  	v14 =	vand.u32 $0x7F, v14;
	[tilespmem:s19+$0xFFFFFF80] =	vst v29;
	v40 =	vand.u32 $0xFFFFFE00, v55;
	v58 =	vor.u32 $0x180, v5;
	v15 =	vld.idx.msk [tilespmem:v17+s15+$0x0], $0xffff  }
0x78: {  	[tilespmem:s19+$0xFFFFFE90] =	vst v12;
	v6 =	vor.u32 v14, v40;
	v13 =	vld.idx.msk [tilespmem:v13+s15+$0x0], $0xffff  }
0x79: {  	[tilespmem:s19+$0xFFFFFEB0] =	vst v23;
	v40 =	vor.u32 $0x80, v6;
	v5 =	vld.idx.msk [tilespmem:v5+s15+$0x0], $0xffff  }
0x7a: {  	[tilespmem:s19+$0xC0] =	vst v52;
	v17 =	vor.u32 $0x100, v6;
	v20 =	vld.idx.msk [tilespmem:v56+s15+$0x0], $0xffff  }
0x7b: {  	[tilespmem:s19+$0x140] =	vst v31;
	v14 =	vshll.u32 v16, $0x2;
	v12 =	vld.idx.msk [tilespmem:v57+s15+$0x0], $0xffff  }
0x7c: {  	[tilespmem:s19+$0x1C0] =	vst v53;
	v16 =	vand.u32 $0x7F, v16;
	v14 =	vand.u32 $0xFFFFFE00, v14;
	v25 =	vld.idx.msk [tilespmem:v58+s15+$0x0], $0xffff  }
0x7d: {  	[tilespmem:s19+$0x150] =	vst v24;
	v14 =	vor.u32 v16, v14;
	v16 =	vor.u32 $0x180, v6;
	v6 =	vld.idx.msk [tilespmem:v6+s15+$0x0], $0xffff  }
0x7e: {  	[tilespmem:s19+$0xFFFFFEC0] =	vst v10;
	v26 =	vld.idx.msk [tilespmem:v40+s15+$0x0], $0xffff  }
0x7f: {  	[tilespmem:s19+$0xFFFFFE50] =	vst v59;
	v60 =	vor.u32 $0x80, v14;
	v17 =	vld.idx.msk [tilespmem:v17+s15+$0x0], $0xffff  }
0x80: {  	v61 =	vor.u32 $0x100, v14;
	[tilespmem:s19+$0x80] =	vst v19;
	v19 =	vld [tilespmem:s20+$0xFFFFFF90]  }
0x81: {  	v62 =	vor.u32 $0x180, v14;
	[tilespmem:s19+$0x100] =	vst v15;
	v15 =	vld [tilespmem:s20+$0x0]  }
0x82: {  	[tilespmem:s19+$0xFFFFFED0] =	vst v32;
	v47 =	vld.idx.msk [tilespmem:v16+s15+$0x0], $0xffff  }
0x83: {  	[tilespmem:s19+$0xFFFFFF50] =	vst v35;
	v14 =	vld.idx.msk [tilespmem:v14+s15+$0x0], $0xffff  }
0x84: {  	[tilespmem:s19+$0xFFFFFFD0] =	vst v42;
	v29 =	vld.idx.msk [tilespmem:v60+s15+$0x0], $0xffff  }
0x85: {  	[tilespmem:s19+$0xFFFFFEE0] =	vst v37;
	v16 =	vshll.u32 v7, $0x2;
	v49 =	vld.idx.msk [tilespmem:v61+s15+$0x0], $0xffff  }
0x86: {  	[tilespmem:s19+$0xFFFFFF60] =	vst v38;
	v7 =	vand.u32 $0x7F, v7;
	v16 =	vand.u32 $0xFFFFFE00, v16;
	v22 =	vld.idx.msk [tilespmem:v62+s15+$0x0], $0xffff  }
0x87: {  	[tilespmem:s19+$0xFFFFFFE0] =	vst v11;
	v60 =	vld [tilespmem:s20+$0xFFFFFFA0];
	v51 =	vor.u32 v7, v16;
	v7 =	vor.u32 $0x180, v27  }
0x88: {  	[tilespmem:s19+$0xF0] =	vst v39;
	v61 =	vld [tilespmem:s20+$0xFFFFFFB0]  }
0x89: {  	[tilespmem:s19+$0x90] =	vst v20;
	v20 =	vld [tilespmem:s20+$0xFFFFFFC0];
	v16 =	vor.u32 $0x80, v51  }
0x8a: {  	[tilespmem:s19+$0xFFFFFE60] =	vst v34;
	v62 =	vld [tilespmem:s20+$0xFFFFFFD0];
	v10 =	vor.u32 $0x100, v51  }
0x8b: {  	[tilespmem:s19+$0x110] =	vst v12;
	v12 =	vld [tilespmem:s20+$0x60];
	v9 =	vor.u32 $0x180, v51  }
0x8c: {  	[tilespmem:s19+$0xFFFFFE70] =	vst v36;
	v55 =	vld.idx.msk [tilespmem:v7+s15+$0x0], $0xffff  }
0x8d: {  	[tilespmem:s19+$0xFFFFFEF0] =	vst v21;
	v7 =	vld [tilespmem:s20+$0x70]  }
0x8e: {  	[tilespmem:s19+$0xFFFFFF70] =	vst v41;
	v56 =	vld.idx.msk [tilespmem:v16+s15+$0x0], $0xffff  }
0x8f: {  	[tilespmem:s19+$0xFFFFFFF0] =	vst v43;
	v1 =	vshll.u32 v19, $0x2;
	v57 =	vld.idx.msk [tilespmem:v10+s15+$0x0], $0xffff  }
0x90: {  	v38 =	vshll.u32 v33, $0x2;
	[tilespmem:s19+$0x0] =	vst v4;
	v19 =	vand.u32 $0x7F, v19;
	v1 =	vand.u32 $0xFFFFFE00, v1;
	v58 =	vld.idx.msk [tilespmem:v9+s15+$0x0], $0xffff  }
0x91: {  	v28 =	vand.u32 $0xFFFFFE00, v38;
	[tilespmem:s19+$0x1B0] =	vst v22;
	v22 =	vand.u32 $0x7F, v33;
	v19 =	vor.u32 v19, v1;
	v16 =	vld [tilespmem:s20+$0xFFFFFFF0]  }
0x92: {  	[tilespmem:s19+$0x180] =	vst v13;
	v3 =	vshll.u32 v60, $0x2;
	v22 =	vor.u32 v22, v28;
	v9 =	vld [tilespmem:s20+$0x30]  }
0x93: {  	[tilespmem:s19+$0x10] =	vst v5;
	v1 =	vand.u32 $0x7F, v60;
	v3 =	vand.u32 $0xFFFFFE00, v3;
	v4 =	vor.u32 $0x80, v19;
	v10 =	vld [tilespmem:s20+$0x40]  }
0x94: {  	[tilespmem:s19+$0x190] =	vst v25;
	v5 =	vor.u32 $0x100, v19;
	v43 =	vor.u32 v1, v3;
	v1 =	vld.idx.msk [tilespmem:v27+s15+$0x0], $0xffff  }
0x95: {  	[tilespmem:s19+$0x20] =	vst v6;
	v6 =	vor.u32 $0x180, v19;
	v3 =	vld.idx.msk [tilespmem:v51+s15+$0x0], $0xffff;
	v8 =	vshll.u32 v7, $0x2  }
0x96: {  	[tilespmem:s19+$0xA0] =	vst v26;
	v44 =	vld.idx.msk [tilespmem:v19+s15+$0x0], $0xffff;
	v7 =	vand.u32 $0x7F, v7;
	v8 =	vand.u32 $0xFFFFFE00, v8  }
0x97: {  	[tilespmem:s19+$0x120] =	vst v17;
	v46 =	vld.idx.msk [tilespmem:v22+s15+$0x0], $0xffff;
	v13 =	vor.u32 v7, v8  }
0x98: {  	[tilespmem:s19+$0x1A0] =	vst v47;
	v4 =	vld.idx.msk [tilespmem:v4+s15+$0x0], $0xffff;
	v11 =	vor.u32 $0x180, v13  }
0x99: {  	[tilespmem:s19+$0x30] =	vst v14;
	v5 =	vld.idx.msk [tilespmem:v5+s15+$0x0], $0xffff  }
0x9a: {  	[tilespmem:s19+$0xB0] =	vst v29;
	v37 =	vshll.u32 v61, $0x2;
	v18 =	vshll.u32 v20, $0x2;
	v6 =	vld.idx.msk [tilespmem:v6+s15+$0x0], $0xffff  }
0x9b: {  	[tilespmem:s19+$0x130] =	vst v49;
	v41 =	vand.u32 $0x7F, v61;
	v26 =	vand.u32 $0xFFFFFE00, v37;
	v45 =	vor.u32 $0x100, v22;
	v47 =	vld.idx.msk [tilespmem:v43+s15+$0x0], $0xffff  }
0x9c: {  	v2 =	vand.u32 $0xFFFFFE00, v18;
	v18 =	vand.u32 $0x7F, v20;
	v20 =	vor.u32 v41, v26;
	[tilespmem:s19+$0x1D0] =	vst v55;
	v7 =	vld [tilespmem:s20+$0x10]  }
0x9d: {  	v51 =	vor.u32 $0x180, v43;
	[tilespmem:s19+$0xE0] =	vst v56;
	v17 =	vld.idx.msk [tilespmem:v11+s15+$0x0], $0xffff  }
0x9e: {  	v52 =	vor.u32 $0x80, v20;
	[tilespmem:s19+$0x160] =	vst v57;
	v8 =	vld [tilespmem:s20+$0x20]  }
0x9f: {  	v53 =	vor.u32 $0x100, v20;
	[tilespmem:s19+$0x1E0] =	vst v58;
	v11 =	vld [tilespmem:s20+$0x50];
	s20 =	simm.s32 $0xC400  }
0xa0: {  	v50 =	vor.u32 $0x100, v43;
	v19 =	vld.idx.msk [tilespmem:v45+s15+$0x0], $0xffff;
	[tilespmem:s20+$0xFFFFFE10] =	vst v44  }
0xa1: {  	v48 =	vld.idx.msk [tilespmem:v20+s15+$0x0], $0xffff;
	v20 =	vor.u32 $0x180, v20;
	[tilespmem:s20+$0xFFFFFE00] =	vst v46  }
0xa2: {  	v57 =	vld.idx.msk [tilespmem:v51+s15+$0x0], $0xffff;
	[tilespmem:s20+$0x1F0] =	vst v17;
	v17 =	vor.u32 v18, v2;
	v18 =	vor.u32 $0x80, v22  }
0xa3: {  	v58 =	vld.idx.msk [tilespmem:v52+s15+$0x0], $0xffff;
	[tilespmem:s20+$0xFFFFFE90] =	vst v4;
	v4 =	vshll.u32 v63, $0x2;
	v22 =	vor.u32 $0x180, v22  }
0xa4: {  	v60 =	vld.idx.msk [tilespmem:v53+s15+$0x0], $0xffff;
	[tilespmem:s20+$0xFFFFFF10] =	vst v5;
	v5 =	vand.u32 $0x7F, v63;
	v4 =	vand.u32 $0xFFFFFE00, v4  }
0xa5: {  	[tilespmem:s20+$0xFFFFFF00] =	vst v19;
	v19 =	vld.idx.msk [tilespmem:v50+s15+$0x0], $0xffff;
	v4 =	vor.u32 v5, v4;
	v5 =	vshll.u32 v16, $0x2;
	v56 =	vor.u32 $0x100, v17  }
0xa6: {  	[tilespmem:s20+$0xFFFFFF90] =	vst v6;
	v6 =	vld.idx.msk [tilespmem:v20+s15+$0x0], $0xffff;
	v16 =	vand.u32 $0x7F, v16;
	v5 =	vand.u32 $0xFFFFFE00, v5  }
0xa7: {  	[tilespmem:s20+$0xFFFFFE20] =	vst v47;
	v5 =	vor.u32 v16, v5;
	v16 =	vor.u32 $0x180, v4;
	v18 =	vld.idx.msk [tilespmem:v18+s15+$0x0], $0xffff  }
0xa8: {  	v14 =	vor.u32 $0x80, v43;
	[tilespmem:s20+$0xFFFFFE30] =	vst v48;
	v22 =	vld.idx.msk [tilespmem:v22+s15+$0x0], $0xffff  }
0xa9: {  	[tilespmem:s20+$0xFFFFFFA0] =	vst v57;
	v2 =	vld.idx.msk [tilespmem:v13+s15+$0x0], $0xffff;
	v32 =	vor.u32 $0x80, v5  }
0xaa: {  	v63 =	vor.u32 $0x100, v4;
	[tilespmem:s20+$0xFFFFFF20] =	vst v19;
	v19 =	vld.idx.msk [tilespmem:v56+s15+$0x0], $0xffff  }
0xab: {  	v31 =	vshll.u32 v15, $0x2;
	[tilespmem:s20+$0xFFFFFEB0] =	vst v58;
	v34 =	vor.u32 $0x100, v5;
	v49 =	vld.idx.msk [tilespmem:v17+s15+$0x0], $0xffff  }
0xac: {  	v15 =	vand.u32 $0x7F, v15;
	v54 =	vor.u32 $0x80, v17;
	v17 =	vor.u32 $0x180, v17;
	v16 =	vld.idx.msk [tilespmem:v16+s15+$0x0], $0xffff;
	[tilespmem:s20+$0xFFFFFE80] =	vst v18  }
0xad: {  	v55 =	vand.u32 $0x7F, v62;
	v18 =	vld.idx.msk [tilespmem:v14+s15+$0x0], $0xffff;
	v14 =	vshll.u32 v62, $0x2;
	[tilespmem:s20+$0xFFFFFF80] =	vst v22;
	v22 =	vand.u32 $0xFFFFFE00, v31  }
0xae: {  	[tilespmem:s20+$0xFFFFFFB0] =	vst v6;
	v38 =	vld.idx.msk [tilespmem:v32+s15+$0x0], $0xffff;
	v14 =	vand.u32 $0xFFFFFE00, v14;
	v6 =	vor.u32 v15, v22;
	v15 =	vor.u32 $0x180, v5  }
0xaf: {  	[tilespmem:s20+$0xFFFFFF40] =	vst v19;
	v19 =	vld.idx.msk [tilespmem:v63+s15+$0x0], $0xffff;
	v14 =	vor.u32 v55, v14;
	v37 =	vor.u32 $0x100, v6  }
0xb0: {  	v35 =	vshll.u32 v7, $0x2;
	[tilespmem:s20+$0xFFFFFF30] =	vst v60;
	v41 =	vld.idx.msk [tilespmem:v34+s15+$0x0], $0xffff;
	v59 =	vor.u32 $0x80, v14  }
0xb1: {  	v7 =	vand.u32 $0x7F, v7;
	[tilespmem:s20+$0xFFFFFE40] =	vst v49;
	v17 =	vld.idx.msk [tilespmem:v17+s15+$0x0], $0xffff;
	v22 =	vand.u32 $0xFFFFFE00, v35;
	v20 =	vor.u32 $0x180, v14  }
0xb2: {  	v43 =	vshll.u32 v9, $0x2;
	v7 =	vor.u32 v7, v22;
	v61 =	vor.u32 $0x100, v14;
	[tilespmem:s20+$0xFFFFFEA0] =	vst v18;
	v18 =	vld.idx.msk [tilespmem:v54+s15+$0x0], $0xffff  }
0xb3: {  	v9 =	vand.u32 $0x7F, v9;
	v39 =	vshll.u32 v8, $0x2;
	[tilespmem:s20+$0xFFFFFFE0] =	vst v16;
	v40 =	vor.u32 $0x80, v7;
	v15 =	vld.idx.msk [tilespmem:v15+s15+$0x0], $0xffff  }
0xb4: {  	v8 =	vand.u32 $0x7F, v8;
	v22 =	vand.u32 $0xFFFFFE00, v39;
	v42 =	vor.u32 $0x100, v7;
	[tilespmem:s20+$0xFFFFFF60] =	vst v19;
	v19 =	vld.idx.msk [tilespmem:v37+s15+$0x0], $0xffff  }
0xb5: {  	v62 =	vor.u32 $0x80, v4;
	[tilespmem:s20+$0xFFFFFEF0] =	vst v38;
	v8 =	vor.u32 v8, v22;
	v22 =	vand.u32 $0xFFFFFE00, v43;
	v30 =	vld.idx.msk [tilespmem:v59+s15+$0x0], $0xffff  }
0xb6: {  	v9 =	vor.u32 v9, v22;
	[tilespmem:s20+$0xFFFFFFC0] =	vst v17;
	v17 =	vor.u32 $0x180, v6;
	v20 =	vld.idx.msk [tilespmem:v20+s15+$0x0], $0xffff  }
0xb7: {  	v47 =	vshll.u32 v10, $0x2;
	[tilespmem:s20+$0xFFFFFF70] =	vst v41;
	v48 =	vor.u32 $0x80, v9;
	v33 =	vld.idx.msk [tilespmem:v61+s15+$0x0], $0xffff  }
0xb8: {  	v10 =	vand.u32 $0x7F, v10;
	v51 =	vshll.u32 v11, $0x2;
	v50 =	vor.u32 $0x100, v9;
	v46 =	vld.idx.msk [tilespmem:v40+s15+$0x0], $0xffff;
	[tilespmem:s20+$0xFFFFFEC0] =	vst v18  }
0xb9: {  	v11 =	vand.u32 $0x7F, v11;
	v45 =	vor.u32 $0x100, v8;
	v22 =	vand.u32 $0xFFFFFE00, v47;
	v49 =	vld.idx.msk [tilespmem:v42+s15+$0x0], $0xffff;
	[tilespmem:s20+$0xFFFFFFF0] =	vst v15  }
0xba: {  	v36 =	vor.u32 $0x80, v6;
	v10 =	vor.u32 v10, v22;
	v22 =	vand.u32 $0xFFFFFE00, v51;
	v18 =	vld.idx.msk [tilespmem:v62+s15+$0x0], $0xffff;
	[tilespmem:s20+$0x100] =	vst v19  }
0xbb: {  	v11 =	vor.u32 v11, v22;
	v16 =	vld.idx.msk [tilespmem:v17+s15+$0x0], $0xffff;
	[tilespmem:s20+$0xFFFFFFD0] =	vst v20;
	v20 =	vor.u32 $0x180, v7  }
0xbc: {  	v56 =	vor.u32 $0x80, v11;
	v54 =	vld.idx.msk [tilespmem:v48+s15+$0x0], $0xffff;
	[tilespmem:s20+$0xFFFFFED0] =	vst v30  }
0xbd: {  	v17 =	vor.u32 $0x180, v8;
	v57 =	vld.idx.msk [tilespmem:v50+s15+$0x0], $0xffff;
	[tilespmem:s20+$0xFFFFFF50] =	vst v33  }
0xbe: {  	v58 =	vor.u32 $0x100, v11;
	v19 =	vld.idx.msk [tilespmem:v45+s15+$0x0], $0xffff;
	[tilespmem:s20+$0x90] =	vst v46  }
0xbf: {  	v44 =	vor.u32 $0x80, v8;
	[tilespmem:s20+$0xFFFFFEE0] =	vst v18;
	v18 =	vld.idx.msk [tilespmem:v36+s15+$0x0], $0xffff  }
0xc0: {  	v55 =	vshll.u32 v12, $0x2;
	[tilespmem:s20+$0x110] =	vst v49;
	v15 =	vld.idx.msk [tilespmem:v20+s15+$0x0], $0xffff;
	v20 =	vor.u32 $0x180, v9  }
0xc1: {  	v12 =	vand.u32 $0x7F, v12;
	v53 =	vor.u32 $0x100, v10;
	v22 =	vand.u32 $0xFFFFFE00, v55;
	v61 =	vld.idx.msk [tilespmem:v56+s15+$0x0], $0xffff;
	[tilespmem:s20+$0x180] =	vst v16  }
0xc2: {  	v12 =	vor.u32 v12, v22;
	v16 =	vld.idx.msk [tilespmem:v17+s15+$0x0], $0xffff;
	v17 =	vor.u32 $0x180, v10;
	[tilespmem:s20+$0xB0] =	vst v54  }
0xc3: {  	v59 =	vor.u32 $0x100, v12;
	v63 =	vld.idx.msk [tilespmem:v58+s15+$0x0], $0xffff;
	[tilespmem:s20+$0x130] =	vst v57  }
0xc4: {  	v52 =	vor.u32 $0x80, v10;
	[tilespmem:s20+$0x80] =	vst v18;
	v18 =	vld.idx.msk [tilespmem:v44+s15+$0x0], $0xffff  }
0xc5: {  	[tilespmem:s20+$0x190] =	vst v15;
	v15 =	vld.idx.msk [tilespmem:v20+s15+$0x0], $0xffff;
	v20 =	vor.u32 $0x180, v11  }
0xc6: {  	v22 =	vor.u32 $0x80, v12;
	[tilespmem:s20+$0x120] =	vst v19;
	v19 =	vld.idx.msk [tilespmem:v53+s15+$0x0], $0xffff  }
0xc7: {  	v62 =	vor.u32 $0x80, v13;
	v13 =	vor.u32 $0x100, v13;
	[tilespmem:s20+$0xD0] =	vst v61;
	v17 =	vld.idx.msk [tilespmem:v17+s15+$0x0], $0xffff  }
0xc8: {  	v60 =	vor.u32 $0x180, v12;
	[tilespmem:s20+$0x1A0] =	vst v16;
	v16 =	vld.idx.msk [tilespmem:v59+s15+$0x0], $0xffff  }
0xc9: {  	[tilespmem:s20+$0xA0] =	vst v18;
	v18 =	vld.idx.msk [tilespmem:v52+s15+$0x0], $0xffff  }
0xca: {  	[tilespmem:s20+$0x150] =	vst v63;
	v20 =	vld.idx.msk [tilespmem:v20+s15+$0x0], $0xffff  }
0xcb: {  	[tilespmem:s20+$0x1B0] =	vst v15;
	v15 =	vld.idx.msk [tilespmem:v22+s15+$0x0], $0xffff  }
0xcc: {  	[tilespmem:s20+$0x140] =	vst v19;
	v19 =	vld.idx.msk [tilespmem:v13+s15+$0x0], $0xffff  }
0xcd: {  	[tilespmem:s20+$0x1C0] =	vst v17;
	v17 =	vld.idx.msk [tilespmem:v60+s15+$0x0], $0xffff  }
0xce: {  	[tilespmem:s20+$0xC0] =	vst v18;
	v18 =	vld.idx.msk [tilespmem:v62+s15+$0x0], $0xffff  }
0xcf: {  	s21 =	simm.s32 $0x10;
	s22 =	simm.s32 $0x280;
	v13 =	vld.idx.msk [tilespmem:v14+s15+$0x0], $0xffff;
	[tilespmem:s20+$0x1D0] =	vst v20  }
.LBB2_3:
0xd0: {  	v14 =	vld [tilespmem:s22+$0x70];
	s21 =	sadd.s32 $0x10, s21;
	[tilespmem:s20+$0xE0] =	vst v15  }
0xd1: {  	v15 =	vld [tilespmem:s22+$0xFFFFFF90];
	p1 =	slt.u32 s21, $0xF0;
	[tilespmem:s20+$0x160] =	vst v16  }
0xd2: {  	v16 =	vld [tilespmem:s22+$0xFFFFFFA0];
	[tilespmem:s20+$0x1E0] =	vst v17  }
0xd3: {  	v17 =	vld [tilespmem:s22+$0xFFFFFFB0];
	[tilespmem:s20+$0xF0] =	vst v18  }
0xd4: {  	v18 =	vld [tilespmem:s22+$0xFFFFFFC0];
	[tilespmem:s20+$0x170] =	vst v19  }
0xd5: {  	v19 =	vld [tilespmem:s22+$0xFFFFFFD0];
	v20 =	vshll.u32 v14, $0x2;
	[tilespmem:s20+$0xFFFFFE50] =	vst v13  }
0xd6: {  	v14 =	vand.u32 $0x7F, v14;
	v13 =	vshll.u32 v15, $0x2;
	v21 =	vld [tilespmem:s22+$0xFFFFFFE0];
	v20 =	vand.u32 $0xFFFFFE00, v20;
	[tilespmem:s19+$0x40] =	vst v0  }
0xd7: {  	v0 =	vand.u32 $0xFFFFFE00, v13;
	v13 =	vshll.u32 v16, $0x2;
	v22 =	vld [tilespmem:s22+$0xFFFFFFF0];
	v14 =	vor.u32 v14, v20;
	[tilespmem:s19+$0x50] =	vst v1  }
0xd8: {  	v1 =	vand.u32 $0xFFFFFE00, v13;
	v13 =	vshll.u32 v17, $0x2;
	v20 =	vld [tilespmem:s22+$0x0];
	v23 =	vor.u32 $0x180, v14;
	[tilespmem:s19+$0x60] =	vst v3;
	s19 =	smov.u32 s20  }
0xd9: {  	v3 =	vand.u32 $0x7F, v15;
	v13 =	vand.u32 $0xFFFFFE00, v13;
	v15 =	vshll.u32 v18, $0x2;
	v24 =	vld [tilespmem:s22+$0x10];
	[tilespmem:s20+$0x70] =	vst v2  }
0xda: {  	v2 =	vand.u32 $0x7F, v16;
	v15 =	vand.u32 $0xFFFFFE00, v15;
	v16 =	vshll.u32 v19, $0x2;
	v25 =	vld [tilespmem:s22+$0x20]  }
0xdb: {  	v17 =	vand.u32 $0x7F, v17;
	v16 =	vand.u32 $0xFFFFFE00, v16;
	v26 =	vshll.u32 v21, $0x2;
	v27 =	vld [tilespmem:s22+$0x30]  }
0xdc: {  	v18 =	vand.u32 $0x7F, v18;
	v26 =	vand.u32 $0xFFFFFE00, v26;
	v28 =	vshll.u32 v22, $0x2;
	v29 =	vld [tilespmem:s22+$0x40]  }
0xdd: {  	v19 =	vand.u32 $0x7F, v19;
	v28 =	vand.u32 $0xFFFFFE00, v28;
	v30 =	vshll.u32 v20, $0x2;
	v23 =	vld.idx.msk [tilespmem:v23+s15+$0x0], $0xffff  }
0xde: {  	v21 =	vand.u32 $0x7F, v21;
	v30 =	vand.u32 $0xFFFFFE00, v30;
	v31 =	vshll.u32 v24, $0x2;
	v32 =	vld [tilespmem:s22+$0x50]  }
0xdf: {  	v22 =	vand.u32 $0x7F, v22;
	v31 =	vand.u32 $0xFFFFFE00, v31;
	v33 =	vshll.u32 v25, $0x2;
	v34 =	vld [tilespmem:s22+$0x60]  }
0xe0: {  	v20 =	vand.u32 $0x7F, v20;
	v35 =	vld [tilespmem:s22+$0xFFFFFF80];
	v33 =	vand.u32 $0xFFFFFE00, v33;
	v36 =	vshll.u32 v27, $0x2  }
0xe1: {  	v24 =	vand.u32 $0x7F, v24;
	v36 =	vand.u32 $0xFFFFFE00, v36;
	v37 =	vshll.u32 v29, $0x2;
	v38 =	vld.idx.msk [tilespmem:v4+s15+$0x0], $0xffff  }
0xe2: {  	s20 =	sadd.s32 $0x400, s20;
	v25 =	vand.u32 $0x7F, v25;
	v27 =	vand.u32 $0x7F, v27;
	v37 =	vand.u32 $0xFFFFFE00, v37;
	v39 =	vld.idx.msk [tilespmem:v5+s15+$0x0], $0xffff  }
0xe3: {  	v29 =	vand.u32 $0x7F, v29;
	v40 =	vand.u32 $0x7F, v32;
	v4 =	vshll.u32 v32, $0x2;
	[tilespmem:s20+$0x1F0] =	vst v23;
	v23 =	vld.idx.msk [tilespmem:v6+s15+$0x0], $0xffff  }
0xe4: {  	v32 =	vand.u32 $0xFFFFFE00, v4;
	v41 =	vand.u32 $0x7F, v34;
	v4 =	vshll.u32 v34, $0x2;
	v34 =	vld.idx.msk [tilespmem:v7+s15+$0x0], $0xffff  }
0xe5: {  	v5 =	vand.u32 $0x7F, v35;
	v6 =	vshll.u32 v35, $0x2;
	v35 =	vand.u32 $0xFFFFFE00, v4;
	v42 =	vld.idx.msk [tilespmem:v8+s15+$0x0], $0xffff  }
0xe6: {  	v43 =	vor.u32 v3, v0;
	v44 =	vor.u32 v2, v1;
	v4 =	vand.u32 $0xFFFFFE00, v6;
	v45 =	vld.idx.msk [tilespmem:v9+s15+$0x0], $0xffff  }
0xe7: {  	v17 =	vor.u32 v17, v13;
	v15 =	vor.u32 v18, v15;
	v46 =	vor.u32 v5, v4;
	v0 =	vld.idx.msk [tilespmem:v10+s15+$0x0], $0xffff  }
0xe8: {  	v13 =	vor.u32 v19, v16;
	v4 =	vor.u32 v21, v26;
	v5 =	vor.u32 v22, v28;
	v1 =	vld.idx.msk [tilespmem:v11+s15+$0x0], $0xffff  }
0xe9: {  	v7 =	vor.u32 v24, v31;
	v8 =	vor.u32 v25, v33;
	v6 =	vor.u32 v20, v30;
	v3 =	vld.idx.msk [tilespmem:v12+s15+$0x0], $0xffff  }
0xea: {  	v9 =	vor.u32 v27, v36;
	v10 =	vor.u32 v29, v37;
	v11 =	vor.u32 v40, v32;
	v2 =	vld.idx.msk [tilespmem:v14+s15+$0x0], $0xffff  }
0xeb: {  	v16 =	vor.u32 $0x80, v46;
	v18 =	vor.u32 $0x100, v46;
	v12 =	vor.u32 v41, v35;
	v19 =	vld.idx.msk [tilespmem:v43+s15+$0x0], $0xffff;
	[tilespmem:s19+$0xFFFFFE60] =	vst v38  }
0xec: {  	v24 =	vor.u32 $0x100, v43;
	v22 =	vor.u32 $0x80, v43;
	v21 =	vor.u32 $0x180, v46;
	v20 =	vld.idx.msk [tilespmem:v46+s15+$0x0], $0xffff;
	[tilespmem:s19+$0xFFFFFE70] =	vst v39  }
0xed: {  	v25 =	vor.u32 $0x180, v43;
	v27 =	vor.u32 $0x80, v44;
	v28 =	vor.u32 $0x100, v44;
	v26 =	vld.idx.msk [tilespmem:v44+s15+$0x0], $0xffff;
	[tilespmem:s19+$0x0] =	vst v23  }
0xee: {  	v31 =	vor.u32 $0x100, v17;
	v30 =	vor.u32 $0x80, v17;
	v23 =	vor.u32 $0x180, v44;
	v29 =	vld.idx.msk [tilespmem:v17+s15+$0x0], $0xffff;
	[tilespmem:s19+$0x10] =	vst v34  }
0xef: {  	v33 =	vor.u32 $0x80, v15;
	v17 =	vor.u32 $0x180, v17;
	v34 =	vor.u32 $0x100, v15;
	v32 =	vld.idx.msk [tilespmem:v15+s15+$0x0], $0xffff;
	[tilespmem:s19+$0x20] =	vst v42  }
0xf0: {  	v36 =	vor.u32 $0x100, v13;
	v35 =	vor.u32 $0x80, v13;
	v15 =	vor.u32 $0x180, v15;
	v16 =	vld.idx.msk [tilespmem:v16+s15+$0x0], $0xffff;
	[tilespmem:s19+$0x30] =	vst v45  }
0xf1: {  	v37 =	vor.u32 $0x80, v4;
	v38 =	vor.u32 $0x100, v4;
	v18 =	vld.idx.msk [tilespmem:v18+s15+$0x0], $0xffff;
	[tilespmem:s20+$0xFFFFFE10] =	vst v19;
	v19 =	vor.u32 $0x180, v13  }
0xf2: {  	v40 =	vor.u32 $0x100, v5;
	v39 =	vor.u32 $0x80, v5;
	[tilespmem:s20+$0xFFFFFE00] =	vst v20;
	v20 =	vld.idx.msk [tilespmem:v21+s15+$0x0], $0xffff;
	v21 =	vor.u32 $0x180, v4  }
0xf3: {  	v41 =	vor.u32 $0x80, v6;
	v42 =	vor.u32 $0x100, v6;
	v22 =	vld.idx.msk [tilespmem:v22+s15+$0x0], $0xffff;
	[tilespmem:s20+$0xFFFFFE20] =	vst v26;
	v26 =	vor.u32 $0x180, v5  }
0xf4: {  	v43 =	vor.u32 $0x80, v7;
	v44 =	vor.u32 $0x100, v7;
	v24 =	vld.idx.msk [tilespmem:v24+s15+$0x0], $0xffff;
	[tilespmem:s20+$0xFFFFFE30] =	vst v29;
	v29 =	vor.u32 $0x180, v6  }
0xf5: {  	v46 =	vor.u32 $0x100, v8;
	v45 =	vor.u32 $0x80, v8;
	v25 =	vld.idx.msk [tilespmem:v25+s15+$0x0], $0xffff;
	[tilespmem:s20+$0xFFFFFE40] =	vst v32;
	v32 =	vor.u32 $0x180, v7  }
0xf6: {  	v47 =	vor.u32 $0x80, v9;
	v48 =	vor.u32 $0x100, v9;
	[tilespmem:s20+$0xFFFFFE80] =	vst v16;
	v16 =	vld.idx.msk [tilespmem:v27+s15+$0x0], $0xffff;
	v27 =	vor.u32 $0x180, v8  }
0xf7: {  	v49 =	vor.u32 $0x80, v10;
	v50 =	vor.u32 $0x100, v10;
	[tilespmem:s20+$0xFFFFFF00] =	vst v18;
	v18 =	vld.idx.msk [tilespmem:v28+s15+$0x0], $0xffff;
	v28 =	vor.u32 $0x180, v9  }
0xf8: {  	v51 =	vor.u32 $0x80, v11;
	v52 =	vor.u32 $0x100, v11;
	[tilespmem:s20+$0xFFFFFF80] =	vst v20;
	v20 =	vld.idx.msk [tilespmem:v23+s15+$0x0], $0xffff;
	v23 =	vor.u32 $0x180, v10  }
0xf9: {  	v53 =	vor.u32 $0x80, v12;
	v54 =	vor.u32 $0x100, v12;
	[tilespmem:s20+$0xFFFFFE90] =	vst v22;
	v22 =	vld.idx.msk [tilespmem:v30+s15+$0x0], $0xffff;
	v30 =	vor.u32 $0x180, v11  }
0xfa: {  	v55 =	vor.u32 $0x80, v14;
	v14 =	vor.u32 $0x100, v14;
	[tilespmem:s20+$0xFFFFFF10] =	vst v24;
	v24 =	vld.idx.msk [tilespmem:v31+s15+$0x0], $0xffff;
	v31 =	vor.u32 $0x180, v12  }
0xfb: {  	[tilespmem:s20+$0xFFFFFF90] =	vst v25;
	v17 =	vld.idx.msk [tilespmem:v17+s15+$0x0], $0xffff  }
0xfc: {  	[tilespmem:s20+$0xFFFFFEA0] =	vst v16;
	v16 =	vld.idx.msk [tilespmem:v33+s15+$0x0], $0xffff  }
0xfd: {  	[tilespmem:s20+$0xFFFFFF20] =	vst v18;
	v18 =	vld.idx.msk [tilespmem:v34+s15+$0x0], $0xffff  }
0xfe: {  	[tilespmem:s20+$0xFFFFFFA0] =	vst v20;
	v15 =	vld.idx.msk [tilespmem:v15+s15+$0x0], $0xffff  }
0xff: {  	[tilespmem:s20+$0xFFFFFEB0] =	vst v22;
	v20 =	vld.idx.msk [tilespmem:v35+s15+$0x0], $0xffff  }
0x100: {  	[tilespmem:s20+$0xFFFFFF30] =	vst v24;
	v22 =	vld.idx.msk [tilespmem:v36+s15+$0x0], $0xffff  }
0x101: {  	[tilespmem:s20+$0xFFFFFFB0] =	vst v17;
	v17 =	vld.idx.msk [tilespmem:v19+s15+$0x0], $0xffff  }
0x102: {  	[tilespmem:s20+$0xFFFFFEC0] =	vst v16;
	v16 =	vld.idx.msk [tilespmem:v37+s15+$0x0], $0xffff  }
0x103: {  	[tilespmem:s20+$0xFFFFFF40] =	vst v18;
	v18 =	vld.idx.msk [tilespmem:v38+s15+$0x0], $0xffff  }
0x104: {  	[tilespmem:s20+$0xFFFFFFC0] =	vst v15;
	v15 =	vld.idx.msk [tilespmem:v21+s15+$0x0], $0xffff  }
0x105: {  	[tilespmem:s20+$0xFFFFFED0] =	vst v20;
	v19 =	vld.idx.msk [tilespmem:v39+s15+$0x0], $0xffff  }
0x106: {  	[tilespmem:s20+$0xFFFFFF50] =	vst v22;
	v20 =	vld.idx.msk [tilespmem:v40+s15+$0x0], $0xffff  }
0x107: {  	[tilespmem:s20+$0xFFFFFFD0] =	vst v17;
	v17 =	vld.idx.msk [tilespmem:v26+s15+$0x0], $0xffff  }
0x108: {  	[tilespmem:s20+$0xFFFFFEE0] =	vst v16;
	v16 =	vld.idx.msk [tilespmem:v41+s15+$0x0], $0xffff  }
0x109: {  	[tilespmem:s20+$0xFFFFFF60] =	vst v18;
	v18 =	vld.idx.msk [tilespmem:v42+s15+$0x0], $0xffff  }
0x10a: {  	[tilespmem:s20+$0xFFFFFFE0] =	vst v15;
	v15 =	vld.idx.msk [tilespmem:v29+s15+$0x0], $0xffff  }
0x10b: {  	[tilespmem:s20+$0xFFFFFEF0] =	vst v19;
	v19 =	vld.idx.msk [tilespmem:v43+s15+$0x0], $0xffff  }
0x10c: {  	[tilespmem:s20+$0xFFFFFF70] =	vst v20;
	v20 =	vld.idx.msk [tilespmem:v44+s15+$0x0], $0xffff  }
0x10d: {  	[tilespmem:s20+$0xFFFFFFF0] =	vst v17;
	v17 =	vld.idx.msk [tilespmem:v32+s15+$0x0], $0xffff  }
0x10e: {  	[tilespmem:s20+$0x80] =	vst v16;
	v16 =	vld.idx.msk [tilespmem:v45+s15+$0x0], $0xffff  }
0x10f: {  	[tilespmem:s20+$0x100] =	vst v18;
	v18 =	vld.idx.msk [tilespmem:v46+s15+$0x0], $0xffff  }
0x110: {  	[tilespmem:s20+$0x180] =	vst v15;
	v15 =	vld.idx.msk [tilespmem:v27+s15+$0x0], $0xffff  }
0x111: {  	[tilespmem:s20+$0x90] =	vst v19;
	v19 =	vld.idx.msk [tilespmem:v47+s15+$0x0], $0xffff  }
0x112: {  	[tilespmem:s20+$0x110] =	vst v20;
	v20 =	vld.idx.msk [tilespmem:v48+s15+$0x0], $0xffff  }
0x113: {  	[tilespmem:s20+$0x190] =	vst v17;
	v17 =	vld.idx.msk [tilespmem:v28+s15+$0x0], $0xffff  }
0x114: {  	[tilespmem:s20+$0xA0] =	vst v16;
	v16 =	vld.idx.msk [tilespmem:v49+s15+$0x0], $0xffff  }
0x115: {  	[tilespmem:s20+$0x120] =	vst v18;
	v18 =	vld.idx.msk [tilespmem:v50+s15+$0x0], $0xffff  }
0x116: {  	[tilespmem:s20+$0x1A0] =	vst v15;
	v21 =	vld.idx.msk [tilespmem:v23+s15+$0x0], $0xffff  }
0x117: {  	[tilespmem:s20+$0xB0] =	vst v19;
	v19 =	vld.idx.msk [tilespmem:v51+s15+$0x0], $0xffff  }
0x118: {  	[tilespmem:s20+$0x130] =	vst v20;
	v20 =	vld.idx.msk [tilespmem:v52+s15+$0x0], $0xffff  }
0x119: {  	[tilespmem:s20+$0x1B0] =	vst v17;
	v22 =	vld.idx.msk [tilespmem:v30+s15+$0x0], $0xffff  }
0x11a: {  	[tilespmem:s20+$0xC0] =	vst v16;
	v15 =	vld.idx.msk [tilespmem:v53+s15+$0x0], $0xffff  }
.Ltmp3:
0x11b: {  	[tilespmem:s20+$0x140] =	vst v18;
	v16 =	vld.idx.msk [tilespmem:v54+s15+$0x0], $0xffff;
	(pc) =	sbr.rel @p1 .LBB2_3-.Ltmp3, $4  }
0x11c: {  	[tilespmem:s20+$0x1C0] =	vst v21;
	v17 =	vld.idx.msk [tilespmem:v31+s15+$0x0], $0xffff  }
0x11d: {  	[tilespmem:s20+$0xD0] =	vst v19;
	v18 =	vld.idx.msk [tilespmem:v55+s15+$0x0], $0xffff  }
0x11e: {  	[tilespmem:s20+$0x150] =	vst v20;
	v19 =	vld.idx.msk [tilespmem:v14+s15+$0x0], $0xffff  }
0x11f: {  	s22 =	sadd.s32 $0x100, s22;
	v13 =	vld.idx.msk [tilespmem:v13+s15+$0x0], $0xffff;
	[tilespmem:s20+$0x1D0] =	vst v22  }
0x120: {  	[tilespmem:s20+$0xE0] =	vst v15  }
0x121: {  	[tilespmem:s20+$0x160] =	vst v16  }
0x122: {  	[tilespmem:s19+$0x40] =	vst v0  }
0x123: {  	[tilespmem:s19+$0x50] =	vst v1  }
0x124: {  	[tilespmem:s19+$0x60] =	vst v3  }
0x125: {  	v4 =	vld.idx.msk [tilespmem:v4+s15+$0x0], $0xffff;
	[tilespmem:s20+$0x70] =	vst v2  }
0x126: {  	v0 =	vld.idx.msk [tilespmem:v5+s15+$0x0], $0xffff;
	[tilespmem:s20+$0x1E0] =	vst v17  }
0x127: {  	v1 =	vld.idx.msk [tilespmem:v6+s15+$0x0], $0xffff;
	[tilespmem:s20+$0xF0] =	vst v18  }
0x128: {  	v3 =	vld.idx.msk [tilespmem:v7+s15+$0x0], $0xffff;
	[tilespmem:s20+$0x170] =	vst v19  }
0x129: {  	v2 =	vld.idx.msk [tilespmem:v8+s15+$0x0], $0xffff;
	[tilespmem:s20+$0xFFFFFE50] =	vst v13  }
0x12a: {  	v5 =	vld.idx.msk [tilespmem:v9+s15+$0x0], $0xffff;
	[tilespmem:s20+$0xFFFFFE60] =	vst v4  }
0x12b: {  	v4 =	vld.idx.msk [tilespmem:v10+s15+$0x0], $0xffff;
	[tilespmem:s20+$0xFFFFFE70] =	vst v0  }
0x12c: {  	v0 =	vld.idx.msk [tilespmem:v11+s15+$0x0], $0xffff;
	[tilespmem:s20+$0x0] =	vst v1  }
0x12d: {  	v1 =	vld.idx.msk [tilespmem:v12+s15+$0x0], $0xffff;
	[tilespmem:s20+$0x10] =	vst v3  }
0x12e: {  	[tilespmem:s20+$0x20] =	vst v2  }
0x12f: {  	[tilespmem:s20+$0x30] =	vst v5  }
0x130: {  	[tilespmem:s20+$0x40] =	vst v4  }
0x131: {  	[tilespmem:s20+$0x50] =	vst v0  }
0x132: {  	s30 =	simm.s32 $0x10F0;
	[tilespmem:s20+$0x60] =	vst v1  }
0x133: {  	[hbm4b:s11+s13] =	stream.strided.scatter [tilespmem:s16], [sflag:$0x1], $0x4000, s14, s13, $0x38;
	[tilespmem:$0x13E00] =	vst v63  }
0x134: {  	v0 =	vld [tilespmem:s30+$0x0]  }
0x135: {  	v1 =	vld [tilespmem:s30+$0xFFFFFF20]  }
0x136: {  	v2 =	vld [tilespmem:s30+$0xFFFFFF30]  }
0x137: {  	v3 =	vld [tilespmem:s30+$0xFFFFFF40]  }
0x138: {  	v4 =	vld [tilespmem:s30+$0xFFFFFF50]  }
0x139: {  	v5 =	vld [tilespmem:s30+$0xFFFFFF60]  }
0x13a: {  	v10 =	vld [tilespmem:s30+$0xFFFFFF70]  }
0x13b: {  	v7 =	vld [tilespmem:s30+$0xFFFFFF10];
	v6 =	vshll.u32 v0, $0x2  }
0x13c: {  	v11 =	vld [tilespmem:s30+$0xFFFFFF80];
	v0 =	vand.u32 $0x7F, v0;
	v12 =	vshll.u32 v2, $0x2;
	v15 =	vshll.u32 v3, $0x2  }
0x13d: {  	v13 =	vld [tilespmem:s30+$0xFFFFFFA0];
	v2 =	vand.u32 $0x7F, v2;
	v3 =	vand.u32 $0x7F, v3;
	v12 =	vand.u32 $0xFFFFFE00, v12  }
0x13e: {  	v14 =	vld [tilespmem:s30+$0xFFFFFFB0];
	v6 =	vand.u32 $0xFFFFFE00, v6;
	v15 =	vand.u32 $0xFFFFFE00, v15;
	v12 =	vor.u32 v2, v12  }
0x13f: {  	v16 =	vld [tilespmem:s30+$0xFFFFFFC0];
	v9 =	vshll.u32 v1, $0x2;
	v0 =	vor.u32 v0, v6;
	v3 =	vor.u32 v3, v15  }
0x140: {  	v18 =	vld [tilespmem:s30+$0xFFFFFFD0];
	v1 =	vand.u32 $0x7F, v1;
	v9 =	vand.u32 $0xFFFFFE00, v9;
	v8 =	vor.u32 $0x180, v0  }
0x141: {  	v6 =	vld [tilespmem:s30+$0xFFFFFF90];
	v1 =	vor.u32 v1, v9  }
0x142: {  	v9 =	vld [tilespmem:s30+$0xFFFFFFE0];
	v25 =	vor.u32 $0x100, v1  }
0x143: {  	v27 =	vor.u32 $0x80, v12;
	v22 =	vld.idx.msk [tilespmem:v12+s15+$0x0], $0xffff  }
0x144: {  	v17 =	vshll.u32 v7, $0x2;
	v28 =	vor.u32 $0x100, v12;
	v24 =	vld.idx.msk [tilespmem:v3+s15+$0x0], $0xffff  }
0x145: {  	v7 =	vand.u32 $0x7F, v7;
	v17 =	vand.u32 $0xFFFFFE00, v17;
	v30 =	vor.u32 $0x100, v3;
	v19 =	vld.idx.msk [tilespmem:v8+s15+$0x0], $0xffff  }
0x146: {  	v8 =	vor.u32 v7, v17;
	v17 =	vld.idx.msk [tilespmem:v1+s15+$0x0], $0xffff  }
0x147: {  	v25 =	vld.idx.msk [tilespmem:v25+s15+$0x0], $0xffff  }
0x148: {  	v27 =	vld.idx.msk [tilespmem:v27+s15+$0x0], $0xffff  }
0x149: {  	v28 =	vld.idx.msk [tilespmem:v28+s15+$0x0], $0xffff  }
0x14a: {  	s31 =	simm.s32 $0x11F0;
	v23 =	vor.u32 $0x80, v1;
	v63 =	vshll.u32 v9, $0x2;
	v1 =	vor.u32 $0x180, v1;
	v30 =	vld.idx.msk [tilespmem:v30+s15+$0x0], $0xffff  }
0x14b: {  	v7 =	vshll.u32 v4, $0x2;
	v45 =	vand.u32 $0xFFFFFE00, v63;
	v63 =	vld [tilespmem:s31+$0xFFFFFF70];
	v15 =	vor.u32 $0x80, v8  }
0x14c: {  	v4 =	vand.u32 $0x7F, v4;
	v2 =	vand.u32 $0xFFFFFE00, v7;
	v7 =	vld [tilespmem:s30+$0xFFFFFFF0];
	v20 =	vor.u32 $0x100, v8  }
0x14d: {  	v4 =	vor.u32 v4, v2;
	v2 =	vld.idx.msk [tilespmem:v0+s15+$0x0], $0xffff  }
0x14e: {  	v33 =	vor.u32 $0x100, v4;
	v21 =	vld.idx.msk [tilespmem:v8+s15+$0x0], $0xffff  }
0x14f: {  	v8 =	vor.u32 $0x180, v8;
	v31 =	vld.idx.msk [tilespmem:v1+s15+$0x0], $0xffff  }
0x150: {  	s19 =	simm.s32 $0x101F0;
	v59 =	vshll.u32 v18, $0x2;
	v15 =	vld.idx.msk [tilespmem:v15+s15+$0x0], $0xffff  }
0x151: {  	v18 =	vand.u32 $0x7F, v18;
	v53 =	vor.u32 $0x80, v3;
	[tilespmem:s19+$0xFFFFFC30] =	vst v22;
	v22 =	vand.u32 $0xFFFFFE00, v59;
	v20 =	vld.idx.msk [tilespmem:v20+s15+$0x0], $0xffff  }
0x152: {  	v1 =	vor.u32 $0x180, v3;
	v18 =	vor.u32 v18, v22;
	v26 =	vld.idx.msk [tilespmem:v4+s15+$0x0], $0xffff  }
0x153: {  	v44 =	vor.u32 $0x80, v18;
	v33 =	vld.idx.msk [tilespmem:v33+s15+$0x0], $0xffff  }
0x154: {  	v46 =	vor.u32 $0x100, v18;
	v29 =	vld.idx.msk [tilespmem:v8+s15+$0x0], $0xffff  }
0x155: {  	v9 =	vand.u32 $0x7F, v9;
	v8 =	vor.u32 $0x180, v12;
	v12 =	vld.idx.msk [tilespmem:v23+s15+$0x0], $0xffff  }
0x156: {  	[tilespmem:s19+$0xFFFFFCB0] =	vst v27;
	v27 =	vor.u32 v9, v45;
	v9 =	vor.u32 $0x180, v18;
	v23 =	vld.idx.msk [tilespmem:v53+s15+$0x0], $0xffff  }
0x157: {  	v50 =	vor.u32 $0x100, v27;
	v36 =	vld.idx.msk [tilespmem:v1+s15+$0x0], $0xffff  }
0x158: {  	v3 =	vshll.u32 v5, $0x2;
	v52 =	vld.idx.msk [tilespmem:v44+s15+$0x0], $0xffff  }
0x159: {  	v32 =	vor.u32 $0x80, v4;
	v5 =	vand.u32 $0x7F, v5;
	v3 =	vand.u32 $0xFFFFFE00, v3;
	[tilespmem:s19+$0xFFFFFDA0] =	vst v31;
	v31 =	vld.idx.msk [tilespmem:v46+s15+$0x0], $0xffff  }
0x15a: {  	v34 =	vld.idx.msk [tilespmem:v8+s15+$0x0], $0xffff;
	v8 =	vor.u32 v5, v3;
	v3 =	vor.u32 $0x180, v4  }
0x15b: {  	v48 =	vor.u32 $0x80, v27;
	v53 =	vld.idx.msk [tilespmem:v9+s15+$0x0], $0xffff  }
0x15c: {  	[tilespmem:s19+$0xFFFFFC40] =	vst v24;
	v24 =	vld.idx.msk [tilespmem:v50+s15+$0x0], $0xffff;
	v4 =	vshll.u32 v10, $0x2  }
0x15d: {  	[tilespmem:s19+$0xFFFFFD50] =	vst v33;
	v33 =	vld [tilespmem:s31+$0xFFFFFF10];
	v10 =	vand.u32 $0x7F, v10;
	v5 =	vor.u32 $0x80, v8;
	v4 =	vand.u32 $0xFFFFFE00, v4  }
0x15e: {  	v35 =	vor.u32 $0x100, v8;
	v1 =	vor.u32 v10, v4;
	v10 =	vld.idx.msk [tilespmem:v32+s15+$0x0], $0xffff  }
0x15f: {  	v54 =	vshll.u32 v11, $0x2;
	v4 =	vor.u32 $0x180, v8;
	v39 =	vld.idx.msk [tilespmem:v3+s15+$0x0], $0xffff  }
0x160: {  	v32 =	vand.u32 $0xFFFFFE00, v54;
	v54 =	vor.u32 $0x80, v0;
	v0 =	vor.u32 $0x100, v0;
	[tilespmem:s19+$0xFFFFFDB0] =	vst v34;
	v34 =	vld.idx.msk [tilespmem:v48+s15+$0x0], $0xffff  }
0x161: {  	v11 =	vand.u32 $0x7F, v11;
	v37 =	vor.u32 $0x80, v1;
	v59 =	vld.idx.msk [tilespmem:v8+s15+$0x0], $0xffff  }
0x162: {  	v38 =	vor.u32 $0x100, v1;
	v3 =	vor.u32 v11, v32;
	v32 =	vld.idx.msk [tilespmem:v5+s15+$0x0], $0xffff  }
0x163: {  	v11 =	vor.u32 $0x180, v1;
	v35 =	vld.idx.msk [tilespmem:v35+s15+$0x0], $0xffff  }
0x164: {  	[tilespmem:s19+$0x0] =	vst v19;
	v42 =	vld.idx.msk [tilespmem:v4+s15+$0x0], $0xffff  }
0x165: {  	[tilespmem:s19+$0xFFFFFC20] =	vst v17;
	v0 =	vld.idx.msk [tilespmem:v0+s15+$0x0], $0xffff  }
0x166: {  	[tilespmem:s19+$0xFFFFFD20] =	vst v25;
	v37 =	vld.idx.msk [tilespmem:v37+s15+$0x0], $0xffff  }
0x167: {  	[tilespmem:s19+$0xFFFFFD30] =	vst v28;
	v40 =	vor.u32 $0x80, v3;
	v38 =	vld.idx.msk [tilespmem:v38+s15+$0x0], $0xffff  }
0x168: {  	[tilespmem:s19+$0xFFFFFD40] =	vst v30;
	v5 =	vshll.u32 v6, $0x2;
	v41 =	vor.u32 $0x100, v3;
	v11 =	vld.idx.msk [tilespmem:v11+s15+$0x0], $0xffff  }
0x169: {  	v6 =	vand.u32 $0x7F, v6;
	v5 =	vand.u32 $0xFFFFFE00, v5;
	[tilespmem:s19+$0xFFFFFDD0] =	vst v39;
	v39 =	vld.idx.msk [tilespmem:v54+s15+$0x0], $0xffff  }
0x16a: {  	v4 =	vor.u32 v6, v5;
	v6 =	vor.u32 $0x180, v3;
	[tilespmem:s19+$0xFFFFFEE0] =	vst v34;
	v34 =	vld.idx.msk [tilespmem:v1+s15+$0x0], $0xffff  }
0x16b: {  	[tilespmem:s19+$0xFFFFFDC0] =	vst v36;
	v36 =	vld.idx.msk [tilespmem:v3+s15+$0x0], $0xffff  }
0x16c: {  	[tilespmem:s19+$0xFFFFFC10] =	vst v21;
	v5 =	vshll.u32 v13, $0x2;
	v19 =	vor.u32 $0x80, v4;
	v21 =	vld.idx.msk [tilespmem:v40+s15+$0x0], $0xffff  }
0x16d: {  	[tilespmem:s19+$0xFFFFFE80] =	vst v2;
	v13 =	vand.u32 $0x7F, v13;
	v5 =	vand.u32 $0xFFFFFE00, v5;
	v17 =	vor.u32 $0x100, v4;
	v41 =	vld.idx.msk [tilespmem:v41+s15+$0x0], $0xffff  }
0x16e: {  	v5 =	vor.u32 v13, v5;
	v13 =	vor.u32 $0x180, v4;
	[tilespmem:s19+$0xFFFFFF80] =	vst v0;
	v0 =	vld.idx.msk [tilespmem:v18+s15+$0x0], $0xffff  }
0x16f: {  	[tilespmem:s19+$0xFFFFFC90] =	vst v15;
	v43 =	vld.idx.msk [tilespmem:v6+s15+$0x0], $0xffff  }
0x170: {  	[tilespmem:s19+$0xFFFFFD10] =	vst v20;
	v56 =	vor.u32 $0x80, v5;
	v4 =	vld.idx.msk [tilespmem:v4+s15+$0x0], $0xffff  }
0x171: {  	v55 =	vshll.u32 v14, $0x2;
	[tilespmem:s19+$0xFFFFFC50] =	vst v26;
	v57 =	vor.u32 $0x100, v5;
	v19 =	vld.idx.msk [tilespmem:v19+s15+$0x0], $0xffff  }
0x172: {  	v14 =	vand.u32 $0x7F, v14;
	[tilespmem:s19+$0xFFFFFD90] =	vst v29;
	v40 =	vand.u32 $0xFFFFFE00, v55;
	v58 =	vor.u32 $0x180, v5;
	v15 =	vld.idx.msk [tilespmem:v17+s15+$0x0], $0xffff  }
0x173: {  	[tilespmem:s19+$0xFFFFFCA0] =	vst v12;
	v6 =	vor.u32 v14, v40;
	v13 =	vld.idx.msk [tilespmem:v13+s15+$0x0], $0xffff  }
0x174: {  	[tilespmem:s19+$0xFFFFFCC0] =	vst v23;
	v40 =	vor.u32 $0x80, v6;
	v5 =	vld.idx.msk [tilespmem:v5+s15+$0x0], $0xffff  }
0x175: {  	[tilespmem:s19+$0xFFFFFED0] =	vst v52;
	v17 =	vor.u32 $0x100, v6;
	v20 =	vld.idx.msk [tilespmem:v56+s15+$0x0], $0xffff  }
0x176: {  	[tilespmem:s19+$0xFFFFFF50] =	vst v31;
	v14 =	vshll.u32 v16, $0x2;
	v12 =	vld.idx.msk [tilespmem:v57+s15+$0x0], $0xffff  }
0x177: {  	[tilespmem:s19+$0xFFFFFFD0] =	vst v53;
	v16 =	vand.u32 $0x7F, v16;
	v14 =	vand.u32 $0xFFFFFE00, v14;
	v25 =	vld.idx.msk [tilespmem:v58+s15+$0x0], $0xffff  }
0x178: {  	[tilespmem:s19+$0xFFFFFF60] =	vst v24;
	v14 =	vor.u32 v16, v14;
	v16 =	vor.u32 $0x180, v6;
	v6 =	vld.idx.msk [tilespmem:v6+s15+$0x0], $0xffff  }
0x179: {  	[tilespmem:s19+$0xFFFFFCD0] =	vst v10;
	v26 =	vld.idx.msk [tilespmem:v40+s15+$0x0], $0xffff  }
0x17a: {  	[tilespmem:s19+$0xFFFFFC60] =	vst v59;
	v60 =	vor.u32 $0x80, v14;
	v17 =	vld.idx.msk [tilespmem:v17+s15+$0x0], $0xffff  }
0x17b: {  	v61 =	vor.u32 $0x100, v14;
	[tilespmem:s19+$0xFFFFFE90] =	vst v19;
	v19 =	vld [tilespmem:s31+$0xFFFFFF20]  }
0x17c: {  	v62 =	vor.u32 $0x180, v14;
	[tilespmem:s19+$0xFFFFFF10] =	vst v15;
	v15 =	vld [tilespmem:s31+$0xFFFFFF90]  }
0x17d: {  	[tilespmem:s19+$0xFFFFFCE0] =	vst v32;
	v47 =	vld.idx.msk [tilespmem:v16+s15+$0x0], $0xffff  }
0x17e: {  	[tilespmem:s19+$0xFFFFFD60] =	vst v35;
	v14 =	vld.idx.msk [tilespmem:v14+s15+$0x0], $0xffff  }
0x17f: {  	[tilespmem:s19+$0xFFFFFDE0] =	vst v42;
	v29 =	vld.idx.msk [tilespmem:v60+s15+$0x0], $0xffff  }
0x180: {  	[tilespmem:s19+$0xFFFFFCF0] =	vst v37;
	v16 =	vshll.u32 v7, $0x2;
	v49 =	vld.idx.msk [tilespmem:v61+s15+$0x0], $0xffff  }
0x181: {  	[tilespmem:s19+$0xFFFFFD70] =	vst v38;
	v7 =	vand.u32 $0x7F, v7;
	v16 =	vand.u32 $0xFFFFFE00, v16;
	v22 =	vld.idx.msk [tilespmem:v62+s15+$0x0], $0xffff  }
0x182: {  	[tilespmem:s19+$0xFFFFFDF0] =	vst v11;
	v60 =	vld [tilespmem:s31+$0xFFFFFF30];
	v51 =	vor.u32 v7, v16;
	v7 =	vor.u32 $0x180, v27  }
0x183: {  	[tilespmem:s19+$0xFFFFFF00] =	vst v39;
	v61 =	vld [tilespmem:s31+$0xFFFFFF40]  }
0x184: {  	[tilespmem:s19+$0xFFFFFEA0] =	vst v20;
	v20 =	vld [tilespmem:s31+$0xFFFFFF50];
	v16 =	vor.u32 $0x80, v51  }
0x185: {  	[tilespmem:s19+$0xFFFFFC70] =	vst v34;
	v62 =	vld [tilespmem:s31+$0xFFFFFF60];
	v10 =	vor.u32 $0x100, v51  }
0x186: {  	[tilespmem:s19+$0xFFFFFF20] =	vst v12;
	v12 =	vld [tilespmem:s31+$0xFFFFFFF0];
	v9 =	vor.u32 $0x180, v51  }
0x187: {  	[tilespmem:s19+$0xFFFFFC80] =	vst v36;
	v55 =	vld.idx.msk [tilespmem:v7+s15+$0x0], $0xffff  }
0x188: {  	[tilespmem:s19+$0xFFFFFD00] =	vst v21;
	v7 =	vld [tilespmem:s31+$0x0]  }
0x189: {  	[tilespmem:s19+$0xFFFFFD80] =	vst v41;
	v56 =	vld.idx.msk [tilespmem:v16+s15+$0x0], $0xffff  }
0x18a: {  	v38 =	vshll.u32 v33, $0x2;
	[tilespmem:s19+$0xFFFFFE00] =	vst v43;
	v1 =	vshll.u32 v19, $0x2;
	v57 =	vld.idx.msk [tilespmem:v10+s15+$0x0], $0xffff  }
0x18b: {  	v28 =	vand.u32 $0xFFFFFE00, v38;
	[tilespmem:s19+$0xFFFFFE10] =	vst v4;
	v19 =	vand.u32 $0x7F, v19;
	v1 =	vand.u32 $0xFFFFFE00, v1;
	v58 =	vld.idx.msk [tilespmem:v9+s15+$0x0], $0xffff  }
0x18c: {  	[tilespmem:s19+$0xFFFFFFC0] =	vst v22;
	v3 =	vshll.u32 v60, $0x2;
	v22 =	vand.u32 $0x7F, v33;
	v19 =	vor.u32 v19, v1;
	v16 =	vld [tilespmem:s31+$0xFFFFFF80]  }
0x18d: {  	[tilespmem:s19+$0xFFFFFF90] =	vst v13;
	v37 =	vshll.u32 v61, $0x2;
	v1 =	vand.u32 $0x7F, v60;
	v22 =	vor.u32 v22, v28;
	v9 =	vld [tilespmem:s31+$0xFFFFFFC0]  }
0x18e: {  	[tilespmem:s19+$0xFFFFFE20] =	vst v5;
	v18 =	vshll.u32 v20, $0x2;
	v3 =	vand.u32 $0xFFFFFE00, v3;
	v4 =	vor.u32 $0x80, v19;
	v10 =	vld [tilespmem:s31+$0xFFFFFFD0]  }
0x18f: {  	[tilespmem:s19+$0xFFFFFE30] =	vst v6;
	v41 =	vand.u32 $0x7F, v61;
	v5 =	vor.u32 $0x100, v19;
	v43 =	vor.u32 v1, v3;
	v1 =	vld.idx.msk [tilespmem:v27+s15+$0x0], $0xffff  }
0x190: {  	[tilespmem:s19+$0xFFFFFEB0] =	vst v26;
	v26 =	vand.u32 $0xFFFFFE00, v37;
	v6 =	vor.u32 $0x180, v19;
	v3 =	vld.idx.msk [tilespmem:v51+s15+$0x0], $0xffff;
	v8 =	vshll.u32 v7, $0x2  }
0x191: {  	[tilespmem:s19+$0xFFFFFFA0] =	vst v25;
	v2 =	vand.u32 $0xFFFFFE00, v18;
	v44 =	vld.idx.msk [tilespmem:v19+s15+$0x0], $0xffff;
	v7 =	vand.u32 $0x7F, v7;
	v8 =	vand.u32 $0xFFFFFE00, v8  }
0x192: {  	[tilespmem:s19+$0xFFFFFF30] =	vst v17;
	v18 =	vand.u32 $0x7F, v20;
	v20 =	vor.u32 v41, v26;
	v46 =	vld.idx.msk [tilespmem:v22+s15+$0x0], $0xffff;
	v13 =	vor.u32 v7, v8  }
0x193: {  	[tilespmem:s19+$0xFFFFFFB0] =	vst v47;
	v4 =	vld.idx.msk [tilespmem:v4+s15+$0x0], $0xffff;
	v11 =	vor.u32 $0x180, v13  }
0x194: {  	[tilespmem:s19+$0xFFFFFE40] =	vst v14;
	v45 =	vor.u32 $0x100, v22;
	v5 =	vld.idx.msk [tilespmem:v5+s15+$0x0], $0xffff  }
0x195: {  	[tilespmem:s19+$0xFFFFFEC0] =	vst v29;
	v6 =	vld.idx.msk [tilespmem:v6+s15+$0x0], $0xffff  }
0x196: {  	[tilespmem:s19+$0xFFFFFF40] =	vst v49;
	v47 =	vld.idx.msk [tilespmem:v43+s15+$0x0], $0xffff  }
0x197: {  	v51 =	vor.u32 $0x180, v43;
	[tilespmem:s19+$0xFFFFFFE0] =	vst v55;
	v48 =	vld.idx.msk [tilespmem:v20+s15+$0x0], $0xffff  }
0x198: {  	v52 =	vor.u32 $0x80, v20;
	[tilespmem:s19+$0xFFFFFEF0] =	vst v56;
	v17 =	vld.idx.msk [tilespmem:v11+s15+$0x0], $0xffff  }
0x199: {  	v53 =	vor.u32 $0x100, v20;
	[tilespmem:s19+$0xFFFFFF70] =	vst v57;
	v19 =	vld.idx.msk [tilespmem:v45+s15+$0x0], $0xffff  }
0x19a: {  	s20 =	simm.s32 $0x105F0;
	v50 =	vor.u32 $0x100, v43;
	[tilespmem:s19+$0xFFFFFFF0] =	vst v58;
	v7 =	vld [tilespmem:s31+$0xFFFFFFA0]  }
0x19b: {  	v20 =	vor.u32 $0x180, v20;
	v8 =	vld [tilespmem:s31+$0xFFFFFFB0];
	[tilespmem:s20+$0xFFFFFC20] =	vst v44  }
0x19c: {  	v57 =	vld.idx.msk [tilespmem:v51+s15+$0x0], $0xffff;
	[tilespmem:s20+$0xFFFFFCA0] =	vst v4  }
0x19d: {  	v58 =	vld.idx.msk [tilespmem:v52+s15+$0x0], $0xffff;
	v4 =	vshll.u32 v63, $0x2;
	[tilespmem:s20+$0x0] =	vst v17;
	v17 =	vor.u32 v18, v2;
	v18 =	vor.u32 $0x80, v22  }
0x19e: {  	v60 =	vld.idx.msk [tilespmem:v53+s15+$0x0], $0xffff;
	[tilespmem:s20+$0xFFFFFD20] =	vst v5;
	v5 =	vand.u32 $0x7F, v63;
	v4 =	vand.u32 $0xFFFFFE00, v4;
	v22 =	vor.u32 $0x180, v22  }
0x19f: {  	[tilespmem:s20+$0xFFFFFD10] =	vst v19;
	v19 =	vld.idx.msk [tilespmem:v50+s15+$0x0], $0xffff;
	v4 =	vor.u32 v5, v4;
	v5 =	vshll.u32 v16, $0x2  }
0x1a0: {  	[tilespmem:s20+$0xFFFFFDA0] =	vst v6;
	v6 =	vld.idx.msk [tilespmem:v20+s15+$0x0], $0xffff;
	v16 =	vand.u32 $0x7F, v16;
	v5 =	vand.u32 $0xFFFFFE00, v5;
	v56 =	vor.u32 $0x100, v17  }
0x1a1: {  	[tilespmem:s20+$0xFFFFFC10] =	vst v46;
	v11 =	vld [tilespmem:s31+$0xFFFFFFE0];
	v5 =	vor.u32 v16, v5;
	v16 =	vor.u32 $0x180, v4  }
0x1a2: {  	[tilespmem:s20+$0xFFFFFC30] =	vst v47;
	v18 =	vld.idx.msk [tilespmem:v18+s15+$0x0], $0xffff  }
0x1a3: {  	v14 =	vor.u32 $0x80, v43;
	[tilespmem:s20+$0xFFFFFC40] =	vst v48;
	v22 =	vld.idx.msk [tilespmem:v22+s15+$0x0], $0xffff  }
0x1a4: {  	[tilespmem:s20+$0xFFFFFDB0] =	vst v57;
	v32 =	vor.u32 $0x80, v5;
	v2 =	vld.idx.msk [tilespmem:v13+s15+$0x0], $0xffff  }
0x1a5: {  	v63 =	vor.u32 $0x100, v4;
	[tilespmem:s20+$0xFFFFFD30] =	vst v19;
	v19 =	vld.idx.msk [tilespmem:v56+s15+$0x0], $0xffff  }
0x1a6: {  	v31 =	vshll.u32 v15, $0x2;
	[tilespmem:s20+$0xFFFFFCC0] =	vst v58;
	v34 =	vor.u32 $0x100, v5;
	v16 =	vld.idx.msk [tilespmem:v16+s15+$0x0], $0xffff  }
0x1a7: {  	v15 =	vand.u32 $0x7F, v15;
	v54 =	vor.u32 $0x80, v17;
	v49 =	vld.idx.msk [tilespmem:v17+s15+$0x0], $0xffff;
	v17 =	vor.u32 $0x180, v17;
	[tilespmem:s20+$0xFFFFFC90] =	vst v18  }
0x1a8: {  	v55 =	vand.u32 $0x7F, v62;
	v18 =	vld.idx.msk [tilespmem:v14+s15+$0x0], $0xffff;
	v14 =	vshll.u32 v62, $0x2;
	[tilespmem:s20+$0xFFFFFD90] =	vst v22;
	v22 =	vand.u32 $0xFFFFFE00, v31  }
0x1a9: {  	[tilespmem:s20+$0xFFFFFDC0] =	vst v6;
	v38 =	vld.idx.msk [tilespmem:v32+s15+$0x0], $0xffff;
	v14 =	vand.u32 $0xFFFFFE00, v14;
	v6 =	vor.u32 v15, v22;
	v15 =	vor.u32 $0x180, v5  }
0x1aa: {  	[tilespmem:s20+$0xFFFFFD50] =	vst v19;
	v19 =	vld.idx.msk [tilespmem:v63+s15+$0x0], $0xffff;
	v14 =	vor.u32 v55, v14;
	v37 =	vor.u32 $0x100, v6  }
0x1ab: {  	[tilespmem:s20+$0xFFFFFD40] =	vst v60;
	v35 =	vshll.u32 v7, $0x2;
	v41 =	vld.idx.msk [tilespmem:v34+s15+$0x0], $0xffff;
	v59 =	vor.u32 $0x80, v14  }
0x1ac: {  	v7 =	vand.u32 $0x7F, v7;
	[tilespmem:s20+$0xFFFFFDF0] =	vst v16;
	v17 =	vld.idx.msk [tilespmem:v17+s15+$0x0], $0xffff;
	v22 =	vand.u32 $0xFFFFFE00, v35;
	v20 =	vor.u32 $0x180, v14  }
0x1ad: {  	v43 =	vshll.u32 v9, $0x2;
	v7 =	vor.u32 v7, v22;
	v61 =	vor.u32 $0x100, v14;
	[tilespmem:s20+$0xFFFFFCB0] =	vst v18;
	v18 =	vld.idx.msk [tilespmem:v54+s15+$0x0], $0xffff  }
0x1ae: {  	v9 =	vand.u32 $0x7F, v9;
	v39 =	vshll.u32 v8, $0x2;
	[tilespmem:s20+$0xFFFFFD00] =	vst v38;
	v40 =	vor.u32 $0x80, v7;
	v15 =	vld.idx.msk [tilespmem:v15+s15+$0x0], $0xffff  }
0x1af: {  	v8 =	vand.u32 $0x7F, v8;
	v22 =	vand.u32 $0xFFFFFE00, v39;
	v42 =	vor.u32 $0x100, v7;
	[tilespmem:s20+$0xFFFFFD70] =	vst v19;
	v19 =	vld.idx.msk [tilespmem:v37+s15+$0x0], $0xffff  }
0x1b0: {  	[tilespmem:s20+$0xFFFFFD80] =	vst v41;
	v62 =	vor.u32 $0x80, v4;
	v8 =	vor.u32 v8, v22;
	v22 =	vand.u32 $0xFFFFFE00, v43;
	v30 =	vld.idx.msk [tilespmem:v59+s15+$0x0], $0xffff  }
0x1b1: {  	v9 =	vor.u32 v9, v22;
	[tilespmem:s20+$0xFFFFFDD0] =	vst v17;
	v17 =	vor.u32 $0x180, v6;
	v20 =	vld.idx.msk [tilespmem:v20+s15+$0x0], $0xffff  }
0x1b2: {  	v47 =	vshll.u32 v10, $0x2;
	[tilespmem:s20+$0xFFFFFC50] =	vst v49;
	v48 =	vor.u32 $0x80, v9;
	v33 =	vld.idx.msk [tilespmem:v61+s15+$0x0], $0xffff  }
0x1b3: {  	v10 =	vand.u32 $0x7F, v10;
	v51 =	vshll.u32 v11, $0x2;
	v50 =	vor.u32 $0x100, v9;
	v46 =	vld.idx.msk [tilespmem:v40+s15+$0x0], $0xffff;
	[tilespmem:s20+$0xFFFFFCD0] =	vst v18  }
0x1b4: {  	v11 =	vand.u32 $0x7F, v11;
	v45 =	vor.u32 $0x100, v8;
	v22 =	vand.u32 $0xFFFFFE00, v47;
	v49 =	vld.idx.msk [tilespmem:v42+s15+$0x0], $0xffff;
	[tilespmem:s20+$0xFFFFFE00] =	vst v15  }
0x1b5: {  	v36 =	vor.u32 $0x80, v6;
	v10 =	vor.u32 v10, v22;
	v22 =	vand.u32 $0xFFFFFE00, v51;
	v18 =	vld.idx.msk [tilespmem:v62+s15+$0x0], $0xffff;
	[tilespmem:s20+$0xFFFFFF10] =	vst v19  }
0x1b6: {  	v11 =	vor.u32 v11, v22;
	v16 =	vld.idx.msk [tilespmem:v17+s15+$0x0], $0xffff;
	[tilespmem:s20+$0xFFFFFDE0] =	vst v20;
	v20 =	vor.u32 $0x180, v7  }
0x1b7: {  	v56 =	vor.u32 $0x80, v11;
	v54 =	vld.idx.msk [tilespmem:v48+s15+$0x0], $0xffff;
	[tilespmem:s20+$0xFFFFFCE0] =	vst v30  }
0x1b8: {  	v17 =	vor.u32 $0x180, v8;
	v57 =	vld.idx.msk [tilespmem:v50+s15+$0x0], $0xffff;
	[tilespmem:s20+$0xFFFFFD60] =	vst v33  }
0x1b9: {  	v58 =	vor.u32 $0x100, v11;
	v19 =	vld.idx.msk [tilespmem:v45+s15+$0x0], $0xffff;
	[tilespmem:s20+$0xFFFFFEA0] =	vst v46  }
0x1ba: {  	v44 =	vor.u32 $0x80, v8;
	[tilespmem:s20+$0xFFFFFCF0] =	vst v18;
	v18 =	vld.idx.msk [tilespmem:v36+s15+$0x0], $0xffff  }
0x1bb: {  	v55 =	vshll.u32 v12, $0x2;
	[tilespmem:s20+$0xFFFFFF20] =	vst v49;
	v15 =	vld.idx.msk [tilespmem:v20+s15+$0x0], $0xffff;
	v20 =	vor.u32 $0x180, v9  }
0x1bc: {  	v12 =	vand.u32 $0x7F, v12;
	v53 =	vor.u32 $0x100, v10;
	v22 =	vand.u32 $0xFFFFFE00, v55;
	v61 =	vld.idx.msk [tilespmem:v56+s15+$0x0], $0xffff;
	[tilespmem:s20+$0xFFFFFF90] =	vst v16  }
0x1bd: {  	v12 =	vor.u32 v12, v22;
	v16 =	vld.idx.msk [tilespmem:v17+s15+$0x0], $0xffff;
	v17 =	vor.u32 $0x180, v10;
	[tilespmem:s20+$0xFFFFFEC0] =	vst v54  }
0x1be: {  	v59 =	vor.u32 $0x100, v12;
	v63 =	vld.idx.msk [tilespmem:v58+s15+$0x0], $0xffff;
	[tilespmem:s20+$0xFFFFFF40] =	vst v57  }
0x1bf: {  	v52 =	vor.u32 $0x80, v10;
	[tilespmem:s20+$0xFFFFFE90] =	vst v18;
	v18 =	vld.idx.msk [tilespmem:v44+s15+$0x0], $0xffff  }
0x1c0: {  	[tilespmem:s20+$0xFFFFFFA0] =	vst v15;
	v15 =	vld.idx.msk [tilespmem:v20+s15+$0x0], $0xffff;
	v20 =	vor.u32 $0x180, v11  }
0x1c1: {  	v22 =	vor.u32 $0x80, v12;
	[tilespmem:s20+$0xFFFFFF30] =	vst v19;
	v19 =	vld.idx.msk [tilespmem:v53+s15+$0x0], $0xffff  }
0x1c2: {  	v62 =	vor.u32 $0x80, v13;
	v13 =	vor.u32 $0x100, v13;
	[tilespmem:s20+$0xFFFFFEE0] =	vst v61;
	v17 =	vld.idx.msk [tilespmem:v17+s15+$0x0], $0xffff  }
0x1c3: {  	v60 =	vor.u32 $0x180, v12;
	[tilespmem:s20+$0xFFFFFFB0] =	vst v16;
	v16 =	vld.idx.msk [tilespmem:v59+s15+$0x0], $0xffff  }
0x1c4: {  	[tilespmem:s20+$0xFFFFFEB0] =	vst v18;
	v18 =	vld.idx.msk [tilespmem:v52+s15+$0x0], $0xffff  }
0x1c5: {  	[tilespmem:s20+$0xFFFFFF60] =	vst v63;
	v20 =	vld.idx.msk [tilespmem:v20+s15+$0x0], $0xffff  }
0x1c6: {  	[tilespmem:s20+$0xFFFFFFC0] =	vst v15;
	v15 =	vld.idx.msk [tilespmem:v22+s15+$0x0], $0xffff  }
0x1c7: {  	[tilespmem:s20+$0xFFFFFF50] =	vst v19;
	v19 =	vld.idx.msk [tilespmem:v13+s15+$0x0], $0xffff  }
0x1c8: {  	[tilespmem:s20+$0xFFFFFFD0] =	vst v17;
	v17 =	vld.idx.msk [tilespmem:v60+s15+$0x0], $0xffff  }
0x1c9: {  	[tilespmem:s20+$0xFFFFFED0] =	vst v18;
	v18 =	vld.idx.msk [tilespmem:v62+s15+$0x0], $0xffff  }
0x1ca: {  	s21 =	simm.s32 $0x110;
	s22 =	simm.s32 $0x12F0;
	v13 =	vld.idx.msk [tilespmem:v14+s15+$0x0], $0xffff;
	[tilespmem:s20+$0xFFFFFFE0] =	vst v20  }
.LBB2_5:
0x1cb: {  	v14 =	vld [tilespmem:s22+$0x0];
	s21 =	sadd.s32 $0x10, s21;
	[tilespmem:s20+$0xFFFFFEF0] =	vst v15  }
0x1cc: {  	v15 =	vld [tilespmem:s22+$0xFFFFFF20];
	p1 =	slt.u32 s21, $0x1F0;
	[tilespmem:s20+$0xFFFFFF70] =	vst v16  }
0x1cd: {  	v16 =	vld [tilespmem:s22+$0xFFFFFF30];
	[tilespmem:s20+$0xFFFFFFF0] =	vst v17  }
0x1ce: {  	v17 =	vld [tilespmem:s22+$0xFFFFFF40];
	[tilespmem:s20+$0xFFFFFF00] =	vst v18  }
0x1cf: {  	v18 =	vld [tilespmem:s22+$0xFFFFFF50];
	[tilespmem:s20+$0xFFFFFF80] =	vst v19  }
0x1d0: {  	v19 =	vld [tilespmem:s22+$0xFFFFFF60];
	v20 =	vshll.u32 v14, $0x2;
	[tilespmem:s20+$0xFFFFFC60] =	vst v13  }
0x1d1: {  	v14 =	vand.u32 $0x7F, v14;
	v13 =	vshll.u32 v15, $0x2;
	v21 =	vld [tilespmem:s22+$0xFFFFFF70];
	v20 =	vand.u32 $0xFFFFFE00, v20;
	[tilespmem:s19+$0xFFFFFE50] =	vst v0  }
0x1d2: {  	v0 =	vand.u32 $0xFFFFFE00, v13;
	v13 =	vshll.u32 v16, $0x2;
	v22 =	vld [tilespmem:s22+$0xFFFFFF80];
	v14 =	vor.u32 v14, v20;
	[tilespmem:s19+$0xFFFFFE60] =	vst v1  }
0x1d3: {  	v1 =	vand.u32 $0xFFFFFE00, v13;
	v13 =	vshll.u32 v17, $0x2;
	v20 =	vld [tilespmem:s22+$0xFFFFFF90];
	v23 =	vor.u32 $0x180, v14;
	[tilespmem:s19+$0xFFFFFE70] =	vst v3;
	s19 =	smov.u32 s20  }
0x1d4: {  	v3 =	vand.u32 $0x7F, v15;
	v13 =	vand.u32 $0xFFFFFE00, v13;
	v15 =	vshll.u32 v18, $0x2;
	v24 =	vld [tilespmem:s22+$0xFFFFFFA0];
	[tilespmem:s20+$0xFFFFFE80] =	vst v2  }
0x1d5: {  	v2 =	vand.u32 $0x7F, v16;
	v15 =	vand.u32 $0xFFFFFE00, v15;
	v16 =	vshll.u32 v19, $0x2;
	v25 =	vld [tilespmem:s22+$0xFFFFFFB0]  }
0x1d6: {  	v17 =	vand.u32 $0x7F, v17;
	v16 =	vand.u32 $0xFFFFFE00, v16;
	v26 =	vshll.u32 v21, $0x2;
	v27 =	vld [tilespmem:s22+$0xFFFFFFC0]  }
0x1d7: {  	v18 =	vand.u32 $0x7F, v18;
	v26 =	vand.u32 $0xFFFFFE00, v26;
	v28 =	vshll.u32 v22, $0x2;
	v29 =	vld [tilespmem:s22+$0xFFFFFFD0]  }
0x1d8: {  	v19 =	vand.u32 $0x7F, v19;
	v28 =	vand.u32 $0xFFFFFE00, v28;
	v30 =	vshll.u32 v20, $0x2;
	v23 =	vld.idx.msk [tilespmem:v23+s15+$0x0], $0xffff  }
0x1d9: {  	v21 =	vand.u32 $0x7F, v21;
	v30 =	vand.u32 $0xFFFFFE00, v30;
	v31 =	vshll.u32 v24, $0x2;
	v32 =	vld [tilespmem:s22+$0xFFFFFFE0]  }
0x1da: {  	v22 =	vand.u32 $0x7F, v22;
	v31 =	vand.u32 $0xFFFFFE00, v31;
	v33 =	vshll.u32 v25, $0x2;
	v34 =	vld [tilespmem:s22+$0xFFFFFFF0]  }
0x1db: {  	v20 =	vand.u32 $0x7F, v20;
	v35 =	vld [tilespmem:s22+$0xFFFFFF10];
	v33 =	vand.u32 $0xFFFFFE00, v33;
	v36 =	vshll.u32 v27, $0x2  }
0x1dc: {  	v24 =	vand.u32 $0x7F, v24;
	v36 =	vand.u32 $0xFFFFFE00, v36;
	v37 =	vshll.u32 v29, $0x2;
	v38 =	vld.idx.msk [tilespmem:v4+s15+$0x0], $0xffff  }
0x1dd: {  	s20 =	sadd.s32 $0x400, s20;
	v25 =	vand.u32 $0x7F, v25;
	v27 =	vand.u32 $0x7F, v27;
	v37 =	vand.u32 $0xFFFFFE00, v37;
	v39 =	vld.idx.msk [tilespmem:v5+s15+$0x0], $0xffff  }
0x1de: {  	v29 =	vand.u32 $0x7F, v29;
	v40 =	vand.u32 $0x7F, v32;
	v4 =	vshll.u32 v32, $0x2;
	[tilespmem:s20+$0x0] =	vst v23;
	v23 =	vld.idx.msk [tilespmem:v6+s15+$0x0], $0xffff  }
0x1df: {  	v32 =	vand.u32 $0xFFFFFE00, v4;
	v41 =	vand.u32 $0x7F, v34;
	v4 =	vshll.u32 v34, $0x2;
	v34 =	vld.idx.msk [tilespmem:v7+s15+$0x0], $0xffff  }
0x1e0: {  	v5 =	vand.u32 $0x7F, v35;
	v6 =	vshll.u32 v35, $0x2;
	v35 =	vand.u32 $0xFFFFFE00, v4;
	v42 =	vld.idx.msk [tilespmem:v8+s15+$0x0], $0xffff  }
0x1e1: {  	v43 =	vor.u32 v3, v0;
	v44 =	vor.u32 v2, v1;
	v4 =	vand.u32 $0xFFFFFE00, v6;
	v45 =	vld.idx.msk [tilespmem:v9+s15+$0x0], $0xffff  }
0x1e2: {  	v17 =	vor.u32 v17, v13;
	v15 =	vor.u32 v18, v15;
	v46 =	vor.u32 v5, v4;
	v0 =	vld.idx.msk [tilespmem:v10+s15+$0x0], $0xffff  }
0x1e3: {  	v13 =	vor.u32 v19, v16;
	v4 =	vor.u32 v21, v26;
	v5 =	vor.u32 v22, v28;
	v1 =	vld.idx.msk [tilespmem:v11+s15+$0x0], $0xffff  }
0x1e4: {  	v7 =	vor.u32 v24, v31;
	v8 =	vor.u32 v25, v33;
	v6 =	vor.u32 v20, v30;
	v3 =	vld.idx.msk [tilespmem:v12+s15+$0x0], $0xffff  }
0x1e5: {  	v9 =	vor.u32 v27, v36;
	v10 =	vor.u32 v29, v37;
	v11 =	vor.u32 v40, v32;
	v2 =	vld.idx.msk [tilespmem:v14+s15+$0x0], $0xffff  }
0x1e6: {  	v16 =	vor.u32 $0x80, v46;
	v18 =	vor.u32 $0x100, v46;
	v12 =	vor.u32 v41, v35;
	v19 =	vld.idx.msk [tilespmem:v43+s15+$0x0], $0xffff;
	[tilespmem:s19+$0xFFFFFC70] =	vst v38  }
0x1e7: {  	v24 =	vor.u32 $0x100, v43;
	v22 =	vor.u32 $0x80, v43;
	v21 =	vor.u32 $0x180, v46;
	v20 =	vld.idx.msk [tilespmem:v46+s15+$0x0], $0xffff;
	[tilespmem:s19+$0xFFFFFC80] =	vst v39  }
0x1e8: {  	v25 =	vor.u32 $0x180, v43;
	v27 =	vor.u32 $0x80, v44;
	v28 =	vor.u32 $0x100, v44;
	v26 =	vld.idx.msk [tilespmem:v44+s15+$0x0], $0xffff;
	[tilespmem:s19+$0xFFFFFE10] =	vst v23  }
0x1e9: {  	v31 =	vor.u32 $0x100, v17;
	v30 =	vor.u32 $0x80, v17;
	v23 =	vor.u32 $0x180, v44;
	v29 =	vld.idx.msk [tilespmem:v17+s15+$0x0], $0xffff;
	[tilespmem:s19+$0xFFFFFE20] =	vst v34  }
0x1ea: {  	v33 =	vor.u32 $0x80, v15;
	v17 =	vor.u32 $0x180, v17;
	v34 =	vor.u32 $0x100, v15;
	v32 =	vld.idx.msk [tilespmem:v15+s15+$0x0], $0xffff;
	[tilespmem:s19+$0xFFFFFE30] =	vst v42  }
0x1eb: {  	v36 =	vor.u32 $0x100, v13;
	v35 =	vor.u32 $0x80, v13;
	v15 =	vor.u32 $0x180, v15;
	v16 =	vld.idx.msk [tilespmem:v16+s15+$0x0], $0xffff;
	[tilespmem:s19+$0xFFFFFE40] =	vst v45  }
0x1ec: {  	v37 =	vor.u32 $0x80, v4;
	v38 =	vor.u32 $0x100, v4;
	v18 =	vld.idx.msk [tilespmem:v18+s15+$0x0], $0xffff;
	[tilespmem:s20+$0xFFFFFC20] =	vst v19;
	v19 =	vor.u32 $0x180, v13  }
0x1ed: {  	v40 =	vor.u32 $0x100, v5;
	v39 =	vor.u32 $0x80, v5;
	[tilespmem:s20+$0xFFFFFC10] =	vst v20;
	v20 =	vld.idx.msk [tilespmem:v21+s15+$0x0], $0xffff;
	v21 =	vor.u32 $0x180, v4  }
0x1ee: {  	v41 =	vor.u32 $0x80, v6;
	v42 =	vor.u32 $0x100, v6;
	v22 =	vld.idx.msk [tilespmem:v22+s15+$0x0], $0xffff;
	[tilespmem:s20+$0xFFFFFC30] =	vst v26;
	v26 =	vor.u32 $0x180, v5  }
0x1ef: {  	v43 =	vor.u32 $0x80, v7;
	v44 =	vor.u32 $0x100, v7;
	v24 =	vld.idx.msk [tilespmem:v24+s15+$0x0], $0xffff;
	[tilespmem:s20+$0xFFFFFC40] =	vst v29;
	v29 =	vor.u32 $0x180, v6  }
0x1f0: {  	v46 =	vor.u32 $0x100, v8;
	v45 =	vor.u32 $0x80, v8;
	v25 =	vld.idx.msk [tilespmem:v25+s15+$0x0], $0xffff;
	[tilespmem:s20+$0xFFFFFC50] =	vst v32;
	v32 =	vor.u32 $0x180, v7  }
0x1f1: {  	v47 =	vor.u32 $0x80, v9;
	v48 =	vor.u32 $0x100, v9;
	[tilespmem:s20+$0xFFFFFC90] =	vst v16;
	v16 =	vld.idx.msk [tilespmem:v27+s15+$0x0], $0xffff;
	v27 =	vor.u32 $0x180, v8  }
0x1f2: {  	v49 =	vor.u32 $0x80, v10;
	v50 =	vor.u32 $0x100, v10;
	[tilespmem:s20+$0xFFFFFD10] =	vst v18;
	v18 =	vld.idx.msk [tilespmem:v28+s15+$0x0], $0xffff;
	v28 =	vor.u32 $0x180, v9  }
0x1f3: {  	v51 =	vor.u32 $0x80, v11;
	v52 =	vor.u32 $0x100, v11;
	[tilespmem:s20+$0xFFFFFD90] =	vst v20;
	v20 =	vld.idx.msk [tilespmem:v23+s15+$0x0], $0xffff;
	v23 =	vor.u32 $0x180, v10  }
0x1f4: {  	v53 =	vor.u32 $0x80, v12;
	v54 =	vor.u32 $0x100, v12;
	[tilespmem:s20+$0xFFFFFCA0] =	vst v22;
	v22 =	vld.idx.msk [tilespmem:v30+s15+$0x0], $0xffff;
	v30 =	vor.u32 $0x180, v11  }
0x1f5: {  	v55 =	vor.u32 $0x80, v14;
	v14 =	vor.u32 $0x100, v14;
	[tilespmem:s20+$0xFFFFFD20] =	vst v24;
	v24 =	vld.idx.msk [tilespmem:v31+s15+$0x0], $0xffff;
	v31 =	vor.u32 $0x180, v12  }
0x1f6: {  	[tilespmem:s20+$0xFFFFFDA0] =	vst v25;
	v17 =	vld.idx.msk [tilespmem:v17+s15+$0x0], $0xffff  }
0x1f7: {  	[tilespmem:s20+$0xFFFFFCB0] =	vst v16;
	v16 =	vld.idx.msk [tilespmem:v33+s15+$0x0], $0xffff  }
0x1f8: {  	[tilespmem:s20+$0xFFFFFD30] =	vst v18;
	v18 =	vld.idx.msk [tilespmem:v34+s15+$0x0], $0xffff  }
0x1f9: {  	[tilespmem:s20+$0xFFFFFDB0] =	vst v20;
	v15 =	vld.idx.msk [tilespmem:v15+s15+$0x0], $0xffff  }
0x1fa: {  	[tilespmem:s20+$0xFFFFFCC0] =	vst v22;
	v20 =	vld.idx.msk [tilespmem:v35+s15+$0x0], $0xffff  }
0x1fb: {  	[tilespmem:s20+$0xFFFFFD40] =	vst v24;
	v22 =	vld.idx.msk [tilespmem:v36+s15+$0x0], $0xffff  }
0x1fc: {  	[tilespmem:s20+$0xFFFFFDC0] =	vst v17;
	v17 =	vld.idx.msk [tilespmem:v19+s15+$0x0], $0xffff  }
0x1fd: {  	[tilespmem:s20+$0xFFFFFCD0] =	vst v16;
	v16 =	vld.idx.msk [tilespmem:v37+s15+$0x0], $0xffff  }
0x1fe: {  	[tilespmem:s20+$0xFFFFFD50] =	vst v18;
	v18 =	vld.idx.msk [tilespmem:v38+s15+$0x0], $0xffff  }
0x1ff: {  	[tilespmem:s20+$0xFFFFFDD0] =	vst v15;
	v15 =	vld.idx.msk [tilespmem:v21+s15+$0x0], $0xffff  }
0x200: {  	[tilespmem:s20+$0xFFFFFCE0] =	vst v20;
	v19 =	vld.idx.msk [tilespmem:v39+s15+$0x0], $0xffff  }
0x201: {  	[tilespmem:s20+$0xFFFFFD60] =	vst v22;
	v20 =	vld.idx.msk [tilespmem:v40+s15+$0x0], $0xffff  }
0x202: {  	[tilespmem:s20+$0xFFFFFDE0] =	vst v17;
	v17 =	vld.idx.msk [tilespmem:v26+s15+$0x0], $0xffff  }
0x203: {  	[tilespmem:s20+$0xFFFFFCF0] =	vst v16;
	v16 =	vld.idx.msk [tilespmem:v41+s15+$0x0], $0xffff  }
0x204: {  	[tilespmem:s20+$0xFFFFFD70] =	vst v18;
	v18 =	vld.idx.msk [tilespmem:v42+s15+$0x0], $0xffff  }
0x205: {  	[tilespmem:s20+$0xFFFFFDF0] =	vst v15;
	v15 =	vld.idx.msk [tilespmem:v29+s15+$0x0], $0xffff  }
0x206: {  	[tilespmem:s20+$0xFFFFFD00] =	vst v19;
	v19 =	vld.idx.msk [tilespmem:v43+s15+$0x0], $0xffff  }
0x207: {  	[tilespmem:s20+$0xFFFFFD80] =	vst v20;
	v20 =	vld.idx.msk [tilespmem:v44+s15+$0x0], $0xffff  }
0x208: {  	[tilespmem:s20+$0xFFFFFE00] =	vst v17;
	v17 =	vld.idx.msk [tilespmem:v32+s15+$0x0], $0xffff  }
0x209: {  	[tilespmem:s20+$0xFFFFFE90] =	vst v16;
	v16 =	vld.idx.msk [tilespmem:v45+s15+$0x0], $0xffff  }
0x20a: {  	[tilespmem:s20+$0xFFFFFF10] =	vst v18;
	v18 =	vld.idx.msk [tilespmem:v46+s15+$0x0], $0xffff  }
0x20b: {  	[tilespmem:s20+$0xFFFFFF90] =	vst v15;
	v15 =	vld.idx.msk [tilespmem:v27+s15+$0x0], $0xffff  }
0x20c: {  	[tilespmem:s20+$0xFFFFFEA0] =	vst v19;
	v19 =	vld.idx.msk [tilespmem:v47+s15+$0x0], $0xffff  }
0x20d: {  	[tilespmem:s20+$0xFFFFFF20] =	vst v20;
	v20 =	vld.idx.msk [tilespmem:v48+s15+$0x0], $0xffff  }
0x20e: {  	[tilespmem:s20+$0xFFFFFFA0] =	vst v17;
	v17 =	vld.idx.msk [tilespmem:v28+s15+$0x0], $0xffff  }
0x20f: {  	[tilespmem:s20+$0xFFFFFEB0] =	vst v16;
	v16 =	vld.idx.msk [tilespmem:v49+s15+$0x0], $0xffff  }
0x210: {  	[tilespmem:s20+$0xFFFFFF30] =	vst v18;
	v18 =	vld.idx.msk [tilespmem:v50+s15+$0x0], $0xffff  }
0x211: {  	[tilespmem:s20+$0xFFFFFFB0] =	vst v15;
	v21 =	vld.idx.msk [tilespmem:v23+s15+$0x0], $0xffff  }
0x212: {  	[tilespmem:s20+$0xFFFFFEC0] =	vst v19;
	v19 =	vld.idx.msk [tilespmem:v51+s15+$0x0], $0xffff  }
0x213: {  	[tilespmem:s20+$0xFFFFFF40] =	vst v20;
	v20 =	vld.idx.msk [tilespmem:v52+s15+$0x0], $0xffff  }
0x214: {  	[tilespmem:s20+$0xFFFFFFC0] =	vst v17;
	v22 =	vld.idx.msk [tilespmem:v30+s15+$0x0], $0xffff  }
0x215: {  	[tilespmem:s20+$0xFFFFFED0] =	vst v16;
	v15 =	vld.idx.msk [tilespmem:v53+s15+$0x0], $0xffff  }
.Ltmp4:
0x216: {  	[tilespmem:s20+$0xFFFFFF50] =	vst v18;
	v16 =	vld.idx.msk [tilespmem:v54+s15+$0x0], $0xffff;
	(pc) =	sbr.rel @p1 .LBB2_5-.Ltmp4, $4  }
0x217: {  	[tilespmem:s20+$0xFFFFFFD0] =	vst v21;
	v17 =	vld.idx.msk [tilespmem:v31+s15+$0x0], $0xffff  }
0x218: {  	[tilespmem:s20+$0xFFFFFEE0] =	vst v19;
	v18 =	vld.idx.msk [tilespmem:v55+s15+$0x0], $0xffff  }
0x219: {  	[tilespmem:s20+$0xFFFFFF60] =	vst v20;
	v19 =	vld.idx.msk [tilespmem:v14+s15+$0x0], $0xffff  }
0x21a: {  	s22 =	sadd.s32 $0x100, s22;
	v13 =	vld.idx.msk [tilespmem:v13+s15+$0x0], $0xffff;
	[tilespmem:s20+$0xFFFFFFE0] =	vst v22  }
0x21b: {  	[tilespmem:s20+$0xFFFFFEF0] =	vst v15  }
0x21c: {  	[tilespmem:s20+$0xFFFFFF70] =	vst v16  }
0x21d: {  	[tilespmem:s19+$0xFFFFFE50] =	vst v0  }
0x21e: {  	[tilespmem:s19+$0xFFFFFE60] =	vst v1  }
0x21f: {  	[tilespmem:s19+$0xFFFFFE70] =	vst v3  }
0x220: {  	v4 =	vld.idx.msk [tilespmem:v4+s15+$0x0], $0xffff;
	[tilespmem:s20+$0xFFFFFE80] =	vst v2  }
0x221: {  	v56 =	vld.idx.msk [tilespmem:v5+s15+$0x0], $0xffff;
	[tilespmem:s20+$0xFFFFFFF0] =	vst v17  }
0x222: {  	v57 =	vld.idx.msk [tilespmem:v6+s15+$0x0], $0xffff;
	[tilespmem:s20+$0xFFFFFF00] =	vst v18  }
0x223: {  	v58 =	vld.idx.msk [tilespmem:v7+s15+$0x0], $0xffff;
	[tilespmem:s20+$0xFFFFFF80] =	vst v19  }
0x224: {  	v59 =	vld.idx.msk [tilespmem:v8+s15+$0x0], $0xffff;
	[tilespmem:s20+$0xFFFFFC60] =	vst v13  }
0x225: {  	v60 =	vld.idx.msk [tilespmem:v9+s15+$0x0], $0xffff;
	[tilespmem:s20+$0xFFFFFC70] =	vst v4  }
0x226: {  	v61 =	vld.idx.msk [tilespmem:v10+s15+$0x0], $0xffff;
	[tilespmem:s20+$0xFFFFFC80] =	vst v56  }
0x227: {  	v62 =	vld.idx.msk [tilespmem:v11+s15+$0x0], $0xffff;
	[tilespmem:s20+$0xFFFFFE10] =	vst v57  }
0x228: {  	v63 =	vld.idx.msk [tilespmem:v12+s15+$0x0], $0xffff;
	[tilespmem:s20+$0xFFFFFE20] =	vst v58  }
.Ltmp5:
0x229: {  	[tilespmem:s20+$0xFFFFFE30] =	vst v59;
	(pc) =	sbr.rel .LBB2_12-.Ltmp5, $4  }
0x22a: {  	[tilespmem:s20+$0xFFFFFE40] =	vst v60  }
0x22b: {  	[tilespmem:s20+$0xFFFFFE50] =	vst v61  }
0x22c: {  	[tilespmem:s20+$0xFFFFFE60] =	vst v62  }
0x22d: {  	s19 =	smov.u32 s2;
	[tilespmem:s20+$0xFFFFFE70] =	vst v63  }
.LBB2_7:
0x22e: {  	[tilespmem:s15], [sflag:$0x1] =	stream.strided.gather [hbm4b:s7+s13], $0x9E00, s14, s13, $0x38;
	[tilespmem:$0x13E00] =	vst v63  }
0x22f: {  	_ =	swait.ge [sflag:s5], $0x2000  }
0x230: {  	[sflag:s5] =	ssyncset.done $0x0  }
0x231: {  	[sflag:s5] =	ssyncadd.s32 $0xFFFFE000  }
0x232: {  	_ =	swait.ge [sflag:s5], $0x9E00  }
0x233: {  	[sflag:s5] =	ssyncset.done $0x0  }
0x234: {  	s19 =	simm.s32 $0x80;
	[sflag:s5] =	ssyncadd.s32 $0xFFFF6200  }
0x235: {  	v0 =	vld [tilespmem:s19+$0x70]  }
0x236: {  	v1 =	vld [tilespmem:s19+$0xFFFFFF90]  }
0x237: {  	v2 =	vld [tilespmem:s19+$0xFFFFFFA0]  }
0x238: {  	v3 =	vld [tilespmem:s19+$0xFFFFFFB0]  }
0x239: {  	v4 =	vld [tilespmem:s19+$0xFFFFFFC0]  }
0x23a: {  	v5 =	vld [tilespmem:s19+$0xFFFFFFD0]  }
0x23b: {  	v10 =	vld [tilespmem:s19+$0xFFFFFFE0]  }
0x23c: {  	v7 =	vld [tilespmem:s19+$0xFFFFFF80];
	v6 =	vshll.u32 v0, $0x2  }
0x23d: {  	v11 =	vld [tilespmem:s19+$0xFFFFFFF0];
	v0 =	vand.u32 $0x7F, v0;
	v12 =	vshll.u32 v2, $0x2;
	v15 =	vshll.u32 v3, $0x2  }
0x23e: {  	v13 =	vld [tilespmem:s19+$0x10];
	v2 =	vand.u32 $0x7F, v2;
	v3 =	vand.u32 $0x7F, v3;
	v12 =	vand.u32 $0xFFFFFE00, v12  }
0x23f: {  	v14 =	vld [tilespmem:s19+$0x20];
	v6 =	vand.u32 $0xFFFFFE00, v6;
	v15 =	vand.u32 $0xFFFFFE00, v15;
	v12 =	vor.u32 v2, v12  }
0x240: {  	v16 =	vld [tilespmem:s19+$0x30];
	v9 =	vshll.u32 v1, $0x2;
	v0 =	vor.u32 v0, v6;
	v3 =	vor.u32 v3, v15  }
0x241: {  	v18 =	vld [tilespmem:s19+$0x40];
	v1 =	vand.u32 $0x7F, v1;
	v9 =	vand.u32 $0xFFFFFE00, v9;
	v8 =	vor.u32 $0x180, v0  }
0x242: {  	v6 =	vld [tilespmem:s19+$0x0];
	v1 =	vor.u32 v1, v9  }
0x243: {  	v9 =	vld [tilespmem:s19+$0x50];
	v25 =	vor.u32 $0x100, v1  }
0x244: {  	v27 =	vor.u32 $0x80, v12;
	v22 =	vld.idx.msk [tilespmem:v12+s15+$0x0], $0xffff  }
0x245: {  	v17 =	vshll.u32 v7, $0x2;
	v28 =	vor.u32 $0x100, v12;
	v24 =	vld.idx.msk [tilespmem:v3+s15+$0x0], $0xffff  }
0x246: {  	v7 =	vand.u32 $0x7F, v7;
	v17 =	vand.u32 $0xFFFFFE00, v17;
	v30 =	vor.u32 $0x100, v3;
	v19 =	vld.idx.msk [tilespmem:v8+s15+$0x0], $0xffff  }
0x247: {  	v8 =	vor.u32 v7, v17;
	v17 =	vld.idx.msk [tilespmem:v1+s15+$0x0], $0xffff  }
0x248: {  	v25 =	vld.idx.msk [tilespmem:v25+s15+$0x0], $0xffff  }
0x249: {  	v27 =	vld.idx.msk [tilespmem:v27+s15+$0x0], $0xffff  }
0x24a: {  	v28 =	vld.idx.msk [tilespmem:v28+s15+$0x0], $0xffff  }
0x24b: {  	s20 =	simm.s32 $0x180;
	v23 =	vor.u32 $0x80, v1;
	v63 =	vshll.u32 v9, $0x2;
	v1 =	vor.u32 $0x180, v1;
	v30 =	vld.idx.msk [tilespmem:v30+s15+$0x0], $0xffff  }
0x24c: {  	v7 =	vshll.u32 v4, $0x2;
	v45 =	vand.u32 $0xFFFFFE00, v63;
	v63 =	vld [tilespmem:s20+$0xFFFFFFE0];
	v15 =	vor.u32 $0x80, v8  }
0x24d: {  	v4 =	vand.u32 $0x7F, v4;
	v2 =	vand.u32 $0xFFFFFE00, v7;
	v7 =	vld [tilespmem:s19+$0x60];
	v20 =	vor.u32 $0x100, v8  }
0x24e: {  	v4 =	vor.u32 v4, v2;
	v2 =	vld.idx.msk [tilespmem:v0+s15+$0x0], $0xffff  }
0x24f: {  	v33 =	vor.u32 $0x100, v4;
	v21 =	vld.idx.msk [tilespmem:v8+s15+$0x0], $0xffff  }
0x250: {  	v8 =	vor.u32 $0x180, v8;
	v31 =	vld.idx.msk [tilespmem:v1+s15+$0x0], $0xffff  }
0x251: {  	v59 =	vshll.u32 v18, $0x2;
	s19 =	simm.s32 $0xC000;
	v15 =	vld.idx.msk [tilespmem:v15+s15+$0x0], $0xffff  }
0x252: {  	v18 =	vand.u32 $0x7F, v18;
	v53 =	vor.u32 $0x80, v3;
	[tilespmem:s19+$0xFFFFFE20] =	vst v22;
	v22 =	vand.u32 $0xFFFFFE00, v59;
	v20 =	vld.idx.msk [tilespmem:v20+s15+$0x0], $0xffff  }
0x253: {  	v1 =	vor.u32 $0x180, v3;
	v18 =	vor.u32 v18, v22;
	v26 =	vld.idx.msk [tilespmem:v4+s15+$0x0], $0xffff  }
0x254: {  	v44 =	vor.u32 $0x80, v18;
	v33 =	vld.idx.msk [tilespmem:v33+s15+$0x0], $0xffff  }
0x255: {  	v46 =	vor.u32 $0x100, v18;
	v29 =	vld.idx.msk [tilespmem:v8+s15+$0x0], $0xffff  }
0x256: {  	v9 =	vand.u32 $0x7F, v9;
	v8 =	vor.u32 $0x180, v12;
	v12 =	vld.idx.msk [tilespmem:v23+s15+$0x0], $0xffff  }
0x257: {  	[tilespmem:s19+$0xFFFFFEA0] =	vst v27;
	v27 =	vor.u32 v9, v45;
	v9 =	vor.u32 $0x180, v18;
	v23 =	vld.idx.msk [tilespmem:v53+s15+$0x0], $0xffff  }
0x258: {  	v50 =	vor.u32 $0x100, v27;
	v36 =	vld.idx.msk [tilespmem:v1+s15+$0x0], $0xffff  }
0x259: {  	v3 =	vshll.u32 v5, $0x2;
	v52 =	vld.idx.msk [tilespmem:v44+s15+$0x0], $0xffff  }
0x25a: {  	v32 =	vor.u32 $0x80, v4;
	v5 =	vand.u32 $0x7F, v5;
	v3 =	vand.u32 $0xFFFFFE00, v3;
	[tilespmem:s19+$0xFFFFFF90] =	vst v31;
	v31 =	vld.idx.msk [tilespmem:v46+s15+$0x0], $0xffff  }
0x25b: {  	v34 =	vld.idx.msk [tilespmem:v8+s15+$0x0], $0xffff;
	v8 =	vor.u32 v5, v3;
	v3 =	vor.u32 $0x180, v4  }
0x25c: {  	v48 =	vor.u32 $0x80, v27;
	v53 =	vld.idx.msk [tilespmem:v9+s15+$0x0], $0xffff  }
0x25d: {  	[tilespmem:s19+$0xFFFFFE30] =	vst v24;
	v24 =	vld.idx.msk [tilespmem:v50+s15+$0x0], $0xffff;
	v4 =	vshll.u32 v10, $0x2  }
0x25e: {  	[tilespmem:s19+$0xFFFFFF40] =	vst v33;
	v33 =	vld [tilespmem:s20+$0xFFFFFF80];
	v10 =	vand.u32 $0x7F, v10;
	v5 =	vor.u32 $0x80, v8;
	v4 =	vand.u32 $0xFFFFFE00, v4  }
0x25f: {  	v35 =	vor.u32 $0x100, v8;
	v1 =	vor.u32 v10, v4;
	v10 =	vld.idx.msk [tilespmem:v32+s15+$0x0], $0xffff  }
0x260: {  	v54 =	vshll.u32 v11, $0x2;
	v4 =	vor.u32 $0x180, v8;
	v39 =	vld.idx.msk [tilespmem:v3+s15+$0x0], $0xffff  }
0x261: {  	v32 =	vand.u32 $0xFFFFFE00, v54;
	v54 =	vor.u32 $0x80, v0;
	v0 =	vor.u32 $0x100, v0;
	[tilespmem:s19+$0xFFFFFFA0] =	vst v34;
	v34 =	vld.idx.msk [tilespmem:v48+s15+$0x0], $0xffff  }
0x262: {  	v11 =	vand.u32 $0x7F, v11;
	v37 =	vor.u32 $0x80, v1;
	v59 =	vld.idx.msk [tilespmem:v8+s15+$0x0], $0xffff  }
0x263: {  	v38 =	vor.u32 $0x100, v1;
	v3 =	vor.u32 v11, v32;
	v32 =	vld.idx.msk [tilespmem:v5+s15+$0x0], $0xffff  }
0x264: {  	v11 =	vor.u32 $0x180, v1;
	v35 =	vld.idx.msk [tilespmem:v35+s15+$0x0], $0xffff  }
0x265: {  	[tilespmem:s19+$0x1F0] =	vst v19;
	v42 =	vld.idx.msk [tilespmem:v4+s15+$0x0], $0xffff  }
0x266: {  	[tilespmem:s19+$0xFFFFFE10] =	vst v17;
	v0 =	vld.idx.msk [tilespmem:v0+s15+$0x0], $0xffff  }
0x267: {  	[tilespmem:s19+$0xFFFFFF10] =	vst v25;
	v37 =	vld.idx.msk [tilespmem:v37+s15+$0x0], $0xffff  }
0x268: {  	[tilespmem:s19+$0xFFFFFF20] =	vst v28;
	v40 =	vor.u32 $0x80, v3;
	v38 =	vld.idx.msk [tilespmem:v38+s15+$0x0], $0xffff  }
0x269: {  	[tilespmem:s19+$0xFFFFFF30] =	vst v30;
	v5 =	vshll.u32 v6, $0x2;
	v41 =	vor.u32 $0x100, v3;
	v11 =	vld.idx.msk [tilespmem:v11+s15+$0x0], $0xffff  }
0x26a: {  	v6 =	vand.u32 $0x7F, v6;
	v5 =	vand.u32 $0xFFFFFE00, v5;
	[tilespmem:s19+$0xFFFFFFC0] =	vst v39;
	v39 =	vld.idx.msk [tilespmem:v54+s15+$0x0], $0xffff  }
0x26b: {  	v4 =	vor.u32 v6, v5;
	v6 =	vor.u32 $0x180, v3;
	[tilespmem:s19+$0xD0] =	vst v34;
	v34 =	vld.idx.msk [tilespmem:v1+s15+$0x0], $0xffff  }
0x26c: {  	[tilespmem:s19+$0xFFFFFFB0] =	vst v36;
	v36 =	vld.idx.msk [tilespmem:v3+s15+$0x0], $0xffff  }
0x26d: {  	[tilespmem:s19+$0xFFFFFE00] =	vst v21;
	v5 =	vshll.u32 v13, $0x2;
	v19 =	vor.u32 $0x80, v4;
	v21 =	vld.idx.msk [tilespmem:v40+s15+$0x0], $0xffff  }
0x26e: {  	[tilespmem:s19+$0x70] =	vst v2;
	v13 =	vand.u32 $0x7F, v13;
	v5 =	vand.u32 $0xFFFFFE00, v5;
	v17 =	vor.u32 $0x100, v4;
	v41 =	vld.idx.msk [tilespmem:v41+s15+$0x0], $0xffff  }
0x26f: {  	v5 =	vor.u32 v13, v5;
	v13 =	vor.u32 $0x180, v4;
	[tilespmem:s19+$0x170] =	vst v0;
	v0 =	vld.idx.msk [tilespmem:v18+s15+$0x0], $0xffff  }
0x270: {  	[tilespmem:s19+$0xFFFFFE80] =	vst v15;
	v43 =	vld.idx.msk [tilespmem:v6+s15+$0x0], $0xffff  }
0x271: {  	[tilespmem:s19+$0xFFFFFF00] =	vst v20;
	v56 =	vor.u32 $0x80, v5;
	v4 =	vld.idx.msk [tilespmem:v4+s15+$0x0], $0xffff  }
0x272: {  	v55 =	vshll.u32 v14, $0x2;
	[tilespmem:s19+$0xFFFFFE40] =	vst v26;
	v57 =	vor.u32 $0x100, v5;
	v19 =	vld.idx.msk [tilespmem:v19+s15+$0x0], $0xffff  }
0x273: {  	v14 =	vand.u32 $0x7F, v14;
	[tilespmem:s19+$0xFFFFFF80] =	vst v29;
	v40 =	vand.u32 $0xFFFFFE00, v55;
	v58 =	vor.u32 $0x180, v5;
	v15 =	vld.idx.msk [tilespmem:v17+s15+$0x0], $0xffff  }
0x274: {  	[tilespmem:s19+$0xFFFFFE90] =	vst v12;
	v6 =	vor.u32 v14, v40;
	v13 =	vld.idx.msk [tilespmem:v13+s15+$0x0], $0xffff  }
0x275: {  	[tilespmem:s19+$0xFFFFFEB0] =	vst v23;
	v40 =	vor.u32 $0x80, v6;
	v5 =	vld.idx.msk [tilespmem:v5+s15+$0x0], $0xffff  }
0x276: {  	[tilespmem:s19+$0xC0] =	vst v52;
	v17 =	vor.u32 $0x100, v6;
	v20 =	vld.idx.msk [tilespmem:v56+s15+$0x0], $0xffff  }
0x277: {  	[tilespmem:s19+$0x140] =	vst v31;
	v14 =	vshll.u32 v16, $0x2;
	v12 =	vld.idx.msk [tilespmem:v57+s15+$0x0], $0xffff  }
0x278: {  	[tilespmem:s19+$0x1C0] =	vst v53;
	v16 =	vand.u32 $0x7F, v16;
	v14 =	vand.u32 $0xFFFFFE00, v14;
	v25 =	vld.idx.msk [tilespmem:v58+s15+$0x0], $0xffff  }
0x279: {  	[tilespmem:s19+$0x150] =	vst v24;
	v14 =	vor.u32 v16, v14;
	v16 =	vor.u32 $0x180, v6;
	v6 =	vld.idx.msk [tilespmem:v6+s15+$0x0], $0xffff  }
0x27a: {  	[tilespmem:s19+$0xFFFFFEC0] =	vst v10;
	v26 =	vld.idx.msk [tilespmem:v40+s15+$0x0], $0xffff  }
0x27b: {  	[tilespmem:s19+$0xFFFFFE50] =	vst v59;
	v60 =	vor.u32 $0x80, v14;
	v17 =	vld.idx.msk [tilespmem:v17+s15+$0x0], $0xffff  }
0x27c: {  	v61 =	vor.u32 $0x100, v14;
	[tilespmem:s19+$0x80] =	vst v19;
	v19 =	vld [tilespmem:s20+$0xFFFFFF90]  }
0x27d: {  	v62 =	vor.u32 $0x180, v14;
	[tilespmem:s19+$0x100] =	vst v15;
	v15 =	vld [tilespmem:s20+$0x0]  }
0x27e: {  	[tilespmem:s19+$0xFFFFFED0] =	vst v32;
	v47 =	vld.idx.msk [tilespmem:v16+s15+$0x0], $0xffff  }
0x27f: {  	[tilespmem:s19+$0xFFFFFF50] =	vst v35;
	v14 =	vld.idx.msk [tilespmem:v14+s15+$0x0], $0xffff  }
0x280: {  	[tilespmem:s19+$0xFFFFFFD0] =	vst v42;
	v29 =	vld.idx.msk [tilespmem:v60+s15+$0x0], $0xffff  }
0x281: {  	[tilespmem:s19+$0xFFFFFEE0] =	vst v37;
	v16 =	vshll.u32 v7, $0x2;
	v49 =	vld.idx.msk [tilespmem:v61+s15+$0x0], $0xffff  }
0x282: {  	[tilespmem:s19+$0xFFFFFF60] =	vst v38;
	v7 =	vand.u32 $0x7F, v7;
	v16 =	vand.u32 $0xFFFFFE00, v16;
	v22 =	vld.idx.msk [tilespmem:v62+s15+$0x0], $0xffff  }
0x283: {  	[tilespmem:s19+$0xFFFFFFE0] =	vst v11;
	v60 =	vld [tilespmem:s20+$0xFFFFFFA0];
	v51 =	vor.u32 v7, v16;
	v7 =	vor.u32 $0x180, v27  }
0x284: {  	[tilespmem:s19+$0xF0] =	vst v39;
	v61 =	vld [tilespmem:s20+$0xFFFFFFB0]  }
0x285: {  	[tilespmem:s19+$0x90] =	vst v20;
	v20 =	vld [tilespmem:s20+$0xFFFFFFC0];
	v16 =	vor.u32 $0x80, v51  }
0x286: {  	[tilespmem:s19+$0xFFFFFE60] =	vst v34;
	v62 =	vld [tilespmem:s20+$0xFFFFFFD0];
	v10 =	vor.u32 $0x100, v51  }
0x287: {  	[tilespmem:s19+$0x110] =	vst v12;
	v12 =	vld [tilespmem:s20+$0x60];
	v9 =	vor.u32 $0x180, v51  }
0x288: {  	[tilespmem:s19+$0xFFFFFE70] =	vst v36;
	v55 =	vld.idx.msk [tilespmem:v7+s15+$0x0], $0xffff  }
0x289: {  	[tilespmem:s19+$0xFFFFFEF0] =	vst v21;
	v7 =	vld [tilespmem:s20+$0x70]  }
0x28a: {  	[tilespmem:s19+$0xFFFFFF70] =	vst v41;
	v56 =	vld.idx.msk [tilespmem:v16+s15+$0x0], $0xffff  }
0x28b: {  	[tilespmem:s19+$0xFFFFFFF0] =	vst v43;
	v1 =	vshll.u32 v19, $0x2;
	v57 =	vld.idx.msk [tilespmem:v10+s15+$0x0], $0xffff  }
0x28c: {  	v38 =	vshll.u32 v33, $0x2;
	[tilespmem:s19+$0x0] =	vst v4;
	v19 =	vand.u32 $0x7F, v19;
	v1 =	vand.u32 $0xFFFFFE00, v1;
	v58 =	vld.idx.msk [tilespmem:v9+s15+$0x0], $0xffff  }
0x28d: {  	v28 =	vand.u32 $0xFFFFFE00, v38;
	[tilespmem:s19+$0x1B0] =	vst v22;
	v22 =	vand.u32 $0x7F, v33;
	v19 =	vor.u32 v19, v1;
	v16 =	vld [tilespmem:s20+$0xFFFFFFF0]  }
0x28e: {  	[tilespmem:s19+$0x180] =	vst v13;
	v3 =	vshll.u32 v60, $0x2;
	v22 =	vor.u32 v22, v28;
	v9 =	vld [tilespmem:s20+$0x30]  }
0x28f: {  	[tilespmem:s19+$0x10] =	vst v5;
	v1 =	vand.u32 $0x7F, v60;
	v3 =	vand.u32 $0xFFFFFE00, v3;
	v4 =	vor.u32 $0x80, v19;
	v10 =	vld [tilespmem:s20+$0x40]  }
0x290: {  	[tilespmem:s19+$0x190] =	vst v25;
	v5 =	vor.u32 $0x100, v19;
	v43 =	vor.u32 v1, v3;
	v1 =	vld.idx.msk [tilespmem:v27+s15+$0x0], $0xffff  }
0x291: {  	[tilespmem:s19+$0x20] =	vst v6;
	v6 =	vor.u32 $0x180, v19;
	v3 =	vld.idx.msk [tilespmem:v51+s15+$0x0], $0xffff;
	v8 =	vshll.u32 v7, $0x2  }
0x292: {  	[tilespmem:s19+$0xA0] =	vst v26;
	v44 =	vld.idx.msk [tilespmem:v19+s15+$0x0], $0xffff;
	v7 =	vand.u32 $0x7F, v7;
	v8 =	vand.u32 $0xFFFFFE00, v8  }
0x293: {  	[tilespmem:s19+$0x120] =	vst v17;
	v46 =	vld.idx.msk [tilespmem:v22+s15+$0x0], $0xffff;
	v13 =	vor.u32 v7, v8  }
0x294: {  	[tilespmem:s19+$0x1A0] =	vst v47;
	v4 =	vld.idx.msk [tilespmem:v4+s15+$0x0], $0xffff;
	v11 =	vor.u32 $0x180, v13  }
0x295: {  	[tilespmem:s19+$0x30] =	vst v14;
	v5 =	vld.idx.msk [tilespmem:v5+s15+$0x0], $0xffff  }
0x296: {  	[tilespmem:s19+$0xB0] =	vst v29;
	v37 =	vshll.u32 v61, $0x2;
	v18 =	vshll.u32 v20, $0x2;
	v6 =	vld.idx.msk [tilespmem:v6+s15+$0x0], $0xffff  }
0x297: {  	[tilespmem:s19+$0x130] =	vst v49;
	v41 =	vand.u32 $0x7F, v61;
	v26 =	vand.u32 $0xFFFFFE00, v37;
	v45 =	vor.u32 $0x100, v22;
	v47 =	vld.idx.msk [tilespmem:v43+s15+$0x0], $0xffff  }
0x298: {  	v2 =	vand.u32 $0xFFFFFE00, v18;
	v18 =	vand.u32 $0x7F, v20;
	v20 =	vor.u32 v41, v26;
	[tilespmem:s19+$0x1D0] =	vst v55;
	v7 =	vld [tilespmem:s20+$0x10]  }
0x299: {  	v51 =	vor.u32 $0x180, v43;
	[tilespmem:s19+$0xE0] =	vst v56;
	v17 =	vld.idx.msk [tilespmem:v11+s15+$0x0], $0xffff  }
0x29a: {  	v52 =	vor.u32 $0x80, v20;
	[tilespmem:s19+$0x160] =	vst v57;
	v8 =	vld [tilespmem:s20+$0x20]  }
0x29b: {  	v53 =	vor.u32 $0x100, v20;
	[tilespmem:s19+$0x1E0] =	vst v58;
	v11 =	vld [tilespmem:s20+$0x50];
	s20 =	simm.s32 $0xC400  }
0x29c: {  	v50 =	vor.u32 $0x100, v43;
	v19 =	vld.idx.msk [tilespmem:v45+s15+$0x0], $0xffff;
	[tilespmem:s20+$0xFFFFFE10] =	vst v44  }
0x29d: {  	v48 =	vld.idx.msk [tilespmem:v20+s15+$0x0], $0xffff;
	v20 =	vor.u32 $0x180, v20;
	[tilespmem:s20+$0xFFFFFE00] =	vst v46  }
0x29e: {  	v57 =	vld.idx.msk [tilespmem:v51+s15+$0x0], $0xffff;
	[tilespmem:s20+$0x1F0] =	vst v17;
	v17 =	vor.u32 v18, v2;
	v18 =	vor.u32 $0x80, v22  }
0x29f: {  	v58 =	vld.idx.msk [tilespmem:v52+s15+$0x0], $0xffff;
	[tilespmem:s20+$0xFFFFFE90] =	vst v4;
	v4 =	vshll.u32 v63, $0x2;
	v22 =	vor.u32 $0x180, v22  }
0x2a0: {  	v60 =	vld.idx.msk [tilespmem:v53+s15+$0x0], $0xffff;
	[tilespmem:s20+$0xFFFFFF10] =	vst v5;
	v5 =	vand.u32 $0x7F, v63;
	v4 =	vand.u32 $0xFFFFFE00, v4  }
0x2a1: {  	[tilespmem:s20+$0xFFFFFF00] =	vst v19;
	v19 =	vld.idx.msk [tilespmem:v50+s15+$0x0], $0xffff;
	v4 =	vor.u32 v5, v4;
	v5 =	vshll.u32 v16, $0x2;
	v56 =	vor.u32 $0x100, v17  }
0x2a2: {  	[tilespmem:s20+$0xFFFFFF90] =	vst v6;
	v6 =	vld.idx.msk [tilespmem:v20+s15+$0x0], $0xffff;
	v16 =	vand.u32 $0x7F, v16;
	v5 =	vand.u32 $0xFFFFFE00, v5  }
0x2a3: {  	[tilespmem:s20+$0xFFFFFE20] =	vst v47;
	v5 =	vor.u32 v16, v5;
	v16 =	vor.u32 $0x180, v4;
	v18 =	vld.idx.msk [tilespmem:v18+s15+$0x0], $0xffff  }
0x2a4: {  	v14 =	vor.u32 $0x80, v43;
	[tilespmem:s20+$0xFFFFFE30] =	vst v48;
	v22 =	vld.idx.msk [tilespmem:v22+s15+$0x0], $0xffff  }
0x2a5: {  	[tilespmem:s20+$0xFFFFFFA0] =	vst v57;
	v2 =	vld.idx.msk [tilespmem:v13+s15+$0x0], $0xffff;
	v32 =	vor.u32 $0x80, v5  }
0x2a6: {  	v63 =	vor.u32 $0x100, v4;
	[tilespmem:s20+$0xFFFFFF20] =	vst v19;
	v19 =	vld.idx.msk [tilespmem:v56+s15+$0x0], $0xffff  }
0x2a7: {  	v31 =	vshll.u32 v15, $0x2;
	[tilespmem:s20+$0xFFFFFEB0] =	vst v58;
	v34 =	vor.u32 $0x100, v5;
	v49 =	vld.idx.msk [tilespmem:v17+s15+$0x0], $0xffff  }
0x2a8: {  	v15 =	vand.u32 $0x7F, v15;
	v54 =	vor.u32 $0x80, v17;
	v17 =	vor.u32 $0x180, v17;
	v16 =	vld.idx.msk [tilespmem:v16+s15+$0x0], $0xffff;
	[tilespmem:s20+$0xFFFFFE80] =	vst v18  }
0x2a9: {  	v55 =	vand.u32 $0x7F, v62;
	v18 =	vld.idx.msk [tilespmem:v14+s15+$0x0], $0xffff;
	v14 =	vshll.u32 v62, $0x2;
	[tilespmem:s20+$0xFFFFFF80] =	vst v22;
	v22 =	vand.u32 $0xFFFFFE00, v31  }
0x2aa: {  	[tilespmem:s20+$0xFFFFFFB0] =	vst v6;
	v38 =	vld.idx.msk [tilespmem:v32+s15+$0x0], $0xffff;
	v14 =	vand.u32 $0xFFFFFE00, v14;
	v6 =	vor.u32 v15, v22;
	v15 =	vor.u32 $0x180, v5  }
0x2ab: {  	[tilespmem:s20+$0xFFFFFF40] =	vst v19;
	v19 =	vld.idx.msk [tilespmem:v63+s15+$0x0], $0xffff;
	v14 =	vor.u32 v55, v14;
	v37 =	vor.u32 $0x100, v6  }
0x2ac: {  	v35 =	vshll.u32 v7, $0x2;
	[tilespmem:s20+$0xFFFFFF30] =	vst v60;
	v41 =	vld.idx.msk [tilespmem:v34+s15+$0x0], $0xffff;
	v59 =	vor.u32 $0x80, v14  }
0x2ad: {  	v7 =	vand.u32 $0x7F, v7;
	[tilespmem:s20+$0xFFFFFE40] =	vst v49;
	v17 =	vld.idx.msk [tilespmem:v17+s15+$0x0], $0xffff;
	v22 =	vand.u32 $0xFFFFFE00, v35;
	v20 =	vor.u32 $0x180, v14  }
0x2ae: {  	v43 =	vshll.u32 v9, $0x2;
	v7 =	vor.u32 v7, v22;
	v61 =	vor.u32 $0x100, v14;
	[tilespmem:s20+$0xFFFFFEA0] =	vst v18;
	v18 =	vld.idx.msk [tilespmem:v54+s15+$0x0], $0xffff  }
0x2af: {  	v9 =	vand.u32 $0x7F, v9;
	v39 =	vshll.u32 v8, $0x2;
	[tilespmem:s20+$0xFFFFFFE0] =	vst v16;
	v40 =	vor.u32 $0x80, v7;
	v15 =	vld.idx.msk [tilespmem:v15+s15+$0x0], $0xffff  }
0x2b0: {  	v8 =	vand.u32 $0x7F, v8;
	v22 =	vand.u32 $0xFFFFFE00, v39;
	v42 =	vor.u32 $0x100, v7;
	[tilespmem:s20+$0xFFFFFF60] =	vst v19;
	v19 =	vld.idx.msk [tilespmem:v37+s15+$0x0], $0xffff  }
0x2b1: {  	v62 =	vor.u32 $0x80, v4;
	[tilespmem:s20+$0xFFFFFEF0] =	vst v38;
	v8 =	vor.u32 v8, v22;
	v22 =	vand.u32 $0xFFFFFE00, v43;
	v30 =	vld.idx.msk [tilespmem:v59+s15+$0x0], $0xffff  }
0x2b2: {  	v9 =	vor.u32 v9, v22;
	[tilespmem:s20+$0xFFFFFFC0] =	vst v17;
	v17 =	vor.u32 $0x180, v6;
	v20 =	vld.idx.msk [tilespmem:v20+s15+$0x0], $0xffff  }
0x2b3: {  	v47 =	vshll.u32 v10, $0x2;
	[tilespmem:s20+$0xFFFFFF70] =	vst v41;
	v48 =	vor.u32 $0x80, v9;
	v33 =	vld.idx.msk [tilespmem:v61+s15+$0x0], $0xffff  }
0x2b4: {  	v10 =	vand.u32 $0x7F, v10;
	v51 =	vshll.u32 v11, $0x2;
	v50 =	vor.u32 $0x100, v9;
	v46 =	vld.idx.msk [tilespmem:v40+s15+$0x0], $0xffff;
	[tilespmem:s20+$0xFFFFFEC0] =	vst v18  }
0x2b5: {  	v11 =	vand.u32 $0x7F, v11;
	v45 =	vor.u32 $0x100, v8;
	v22 =	vand.u32 $0xFFFFFE00, v47;
	v49 =	vld.idx.msk [tilespmem:v42+s15+$0x0], $0xffff;
	[tilespmem:s20+$0xFFFFFFF0] =	vst v15  }
0x2b6: {  	v36 =	vor.u32 $0x80, v6;
	v10 =	vor.u32 v10, v22;
	v22 =	vand.u32 $0xFFFFFE00, v51;
	v18 =	vld.idx.msk [tilespmem:v62+s15+$0x0], $0xffff;
	[tilespmem:s20+$0x100] =	vst v19  }
0x2b7: {  	v11 =	vor.u32 v11, v22;
	v16 =	vld.idx.msk [tilespmem:v17+s15+$0x0], $0xffff;
	[tilespmem:s20+$0xFFFFFFD0] =	vst v20;
	v20 =	vor.u32 $0x180, v7  }
0x2b8: {  	v56 =	vor.u32 $0x80, v11;
	v54 =	vld.idx.msk [tilespmem:v48+s15+$0x0], $0xffff;
	[tilespmem:s20+$0xFFFFFED0] =	vst v30  }
0x2b9: {  	v17 =	vor.u32 $0x180, v8;
	v57 =	vld.idx.msk [tilespmem:v50+s15+$0x0], $0xffff;
	[tilespmem:s20+$0xFFFFFF50] =	vst v33  }
0x2ba: {  	v58 =	vor.u32 $0x100, v11;
	v19 =	vld.idx.msk [tilespmem:v45+s15+$0x0], $0xffff;
	[tilespmem:s20+$0x90] =	vst v46  }
0x2bb: {  	v44 =	vor.u32 $0x80, v8;
	[tilespmem:s20+$0xFFFFFEE0] =	vst v18;
	v18 =	vld.idx.msk [tilespmem:v36+s15+$0x0], $0xffff  }
0x2bc: {  	v55 =	vshll.u32 v12, $0x2;
	[tilespmem:s20+$0x110] =	vst v49;
	v15 =	vld.idx.msk [tilespmem:v20+s15+$0x0], $0xffff;
	v20 =	vor.u32 $0x180, v9  }
0x2bd: {  	v12 =	vand.u32 $0x7F, v12;
	v53 =	vor.u32 $0x100, v10;
	v22 =	vand.u32 $0xFFFFFE00, v55;
	v61 =	vld.idx.msk [tilespmem:v56+s15+$0x0], $0xffff;
	[tilespmem:s20+$0x180] =	vst v16  }
0x2be: {  	v12 =	vor.u32 v12, v22;
	v16 =	vld.idx.msk [tilespmem:v17+s15+$0x0], $0xffff;
	v17 =	vor.u32 $0x180, v10;
	[tilespmem:s20+$0xB0] =	vst v54  }
0x2bf: {  	v59 =	vor.u32 $0x100, v12;
	v63 =	vld.idx.msk [tilespmem:v58+s15+$0x0], $0xffff;
	[tilespmem:s20+$0x130] =	vst v57  }
0x2c0: {  	v52 =	vor.u32 $0x80, v10;
	[tilespmem:s20+$0x80] =	vst v18;
	v18 =	vld.idx.msk [tilespmem:v44+s15+$0x0], $0xffff  }
0x2c1: {  	[tilespmem:s20+$0x190] =	vst v15;
	v15 =	vld.idx.msk [tilespmem:v20+s15+$0x0], $0xffff;
	v20 =	vor.u32 $0x180, v11  }
0x2c2: {  	v22 =	vor.u32 $0x80, v12;
	[tilespmem:s20+$0x120] =	vst v19;
	v19 =	vld.idx.msk [tilespmem:v53+s15+$0x0], $0xffff  }
0x2c3: {  	v62 =	vor.u32 $0x80, v13;
	v13 =	vor.u32 $0x100, v13;
	[tilespmem:s20+$0xD0] =	vst v61;
	v17 =	vld.idx.msk [tilespmem:v17+s15+$0x0], $0xffff  }
0x2c4: {  	v60 =	vor.u32 $0x180, v12;
	[tilespmem:s20+$0x1A0] =	vst v16;
	v16 =	vld.idx.msk [tilespmem:v59+s15+$0x0], $0xffff  }
0x2c5: {  	[tilespmem:s20+$0xA0] =	vst v18;
	v18 =	vld.idx.msk [tilespmem:v52+s15+$0x0], $0xffff  }
0x2c6: {  	[tilespmem:s20+$0x150] =	vst v63;
	v20 =	vld.idx.msk [tilespmem:v20+s15+$0x0], $0xffff  }
0x2c7: {  	[tilespmem:s20+$0x1B0] =	vst v15;
	v15 =	vld.idx.msk [tilespmem:v22+s15+$0x0], $0xffff  }
0x2c8: {  	[tilespmem:s20+$0x140] =	vst v19;
	v19 =	vld.idx.msk [tilespmem:v13+s15+$0x0], $0xffff  }
0x2c9: {  	[tilespmem:s20+$0x1C0] =	vst v17;
	v17 =	vld.idx.msk [tilespmem:v60+s15+$0x0], $0xffff  }
0x2ca: {  	[tilespmem:s20+$0xC0] =	vst v18;
	v18 =	vld.idx.msk [tilespmem:v62+s15+$0x0], $0xffff  }
0x2cb: {  	s21 =	simm.s32 $0x10;
	s22 =	simm.s32 $0x280;
	v13 =	vld.idx.msk [tilespmem:v14+s15+$0x0], $0xffff;
	[tilespmem:s20+$0x1D0] =	vst v20  }
.LBB2_8:
0x2cc: {  	v14 =	vld [tilespmem:s22+$0x70];
	s21 =	sadd.s32 $0x10, s21;
	[tilespmem:s20+$0xE0] =	vst v15  }
0x2cd: {  	v15 =	vld [tilespmem:s22+$0xFFFFFF90];
	p1 =	slt.u32 s21, $0xF0;
	[tilespmem:s20+$0x160] =	vst v16  }
0x2ce: {  	v16 =	vld [tilespmem:s22+$0xFFFFFFA0];
	[tilespmem:s20+$0x1E0] =	vst v17  }
0x2cf: {  	v17 =	vld [tilespmem:s22+$0xFFFFFFB0];
	[tilespmem:s20+$0xF0] =	vst v18  }
0x2d0: {  	v18 =	vld [tilespmem:s22+$0xFFFFFFC0];
	[tilespmem:s20+$0x170] =	vst v19  }
0x2d1: {  	v19 =	vld [tilespmem:s22+$0xFFFFFFD0];
	v20 =	vshll.u32 v14, $0x2;
	[tilespmem:s20+$0xFFFFFE50] =	vst v13  }
0x2d2: {  	v14 =	vand.u32 $0x7F, v14;
	v13 =	vshll.u32 v15, $0x2;
	v21 =	vld [tilespmem:s22+$0xFFFFFFE0];
	v20 =	vand.u32 $0xFFFFFE00, v20;
	[tilespmem:s19+$0x40] =	vst v0  }
0x2d3: {  	v0 =	vand.u32 $0xFFFFFE00, v13;
	v13 =	vshll.u32 v16, $0x2;
	v22 =	vld [tilespmem:s22+$0xFFFFFFF0];
	v14 =	vor.u32 v14, v20;
	[tilespmem:s19+$0x50] =	vst v1  }
0x2d4: {  	v1 =	vand.u32 $0xFFFFFE00, v13;
	v13 =	vshll.u32 v17, $0x2;
	v20 =	vld [tilespmem:s22+$0x0];
	v23 =	vor.u32 $0x180, v14;
	[tilespmem:s19+$0x60] =	vst v3;
	s19 =	smov.u32 s20  }
0x2d5: {  	v3 =	vand.u32 $0x7F, v15;
	v13 =	vand.u32 $0xFFFFFE00, v13;
	v15 =	vshll.u32 v18, $0x2;
	v24 =	vld [tilespmem:s22+$0x10];
	[tilespmem:s20+$0x70] =	vst v2  }
0x2d6: {  	v2 =	vand.u32 $0x7F, v16;
	v15 =	vand.u32 $0xFFFFFE00, v15;
	v16 =	vshll.u32 v19, $0x2;
	v25 =	vld [tilespmem:s22+$0x20]  }
0x2d7: {  	v17 =	vand.u32 $0x7F, v17;
	v16 =	vand.u32 $0xFFFFFE00, v16;
	v26 =	vshll.u32 v21, $0x2;
	v27 =	vld [tilespmem:s22+$0x30]  }
0x2d8: {  	v18 =	vand.u32 $0x7F, v18;
	v26 =	vand.u32 $0xFFFFFE00, v26;
	v28 =	vshll.u32 v22, $0x2;
	v29 =	vld [tilespmem:s22+$0x40]  }
0x2d9: {  	v19 =	vand.u32 $0x7F, v19;
	v28 =	vand.u32 $0xFFFFFE00, v28;
	v30 =	vshll.u32 v20, $0x2;
	v23 =	vld.idx.msk [tilespmem:v23+s15+$0x0], $0xffff  }
0x2da: {  	v21 =	vand.u32 $0x7F, v21;
	v30 =	vand.u32 $0xFFFFFE00, v30;
	v31 =	vshll.u32 v24, $0x2;
	v32 =	vld [tilespmem:s22+$0x50]  }
0x2db: {  	v22 =	vand.u32 $0x7F, v22;
	v31 =	vand.u32 $0xFFFFFE00, v31;
	v33 =	vshll.u32 v25, $0x2;
	v34 =	vld [tilespmem:s22+$0x60]  }
0x2dc: {  	v20 =	vand.u32 $0x7F, v20;
	v35 =	vld [tilespmem:s22+$0xFFFFFF80];
	v33 =	vand.u32 $0xFFFFFE00, v33;
	v36 =	vshll.u32 v27, $0x2  }
0x2dd: {  	v24 =	vand.u32 $0x7F, v24;
	v36 =	vand.u32 $0xFFFFFE00, v36;
	v37 =	vshll.u32 v29, $0x2;
	v38 =	vld.idx.msk [tilespmem:v4+s15+$0x0], $0xffff  }
0x2de: {  	s20 =	sadd.s32 $0x400, s20;
	v25 =	vand.u32 $0x7F, v25;
	v27 =	vand.u32 $0x7F, v27;
	v37 =	vand.u32 $0xFFFFFE00, v37;
	v39 =	vld.idx.msk [tilespmem:v5+s15+$0x0], $0xffff  }
0x2df: {  	v29 =	vand.u32 $0x7F, v29;
	v40 =	vand.u32 $0x7F, v32;
	v4 =	vshll.u32 v32, $0x2;
	[tilespmem:s20+$0x1F0] =	vst v23;
	v23 =	vld.idx.msk [tilespmem:v6+s15+$0x0], $0xffff  }
0x2e0: {  	v32 =	vand.u32 $0xFFFFFE00, v4;
	v41 =	vand.u32 $0x7F, v34;
	v4 =	vshll.u32 v34, $0x2;
	v34 =	vld.idx.msk [tilespmem:v7+s15+$0x0], $0xffff  }
0x2e1: {  	v5 =	vand.u32 $0x7F, v35;
	v6 =	vshll.u32 v35, $0x2;
	v35 =	vand.u32 $0xFFFFFE00, v4;
	v42 =	vld.idx.msk [tilespmem:v8+s15+$0x0], $0xffff  }
0x2e2: {  	v43 =	vor.u32 v3, v0;
	v44 =	vor.u32 v2, v1;
	v4 =	vand.u32 $0xFFFFFE00, v6;
	v45 =	vld.idx.msk [tilespmem:v9+s15+$0x0], $0xffff  }
0x2e3: {  	v17 =	vor.u32 v17, v13;
	v15 =	vor.u32 v18, v15;
	v46 =	vor.u32 v5, v4;
	v0 =	vld.idx.msk [tilespmem:v10+s15+$0x0], $0xffff  }
0x2e4: {  	v13 =	vor.u32 v19, v16;
	v4 =	vor.u32 v21, v26;
	v5 =	vor.u32 v22, v28;
	v1 =	vld.idx.msk [tilespmem:v11+s15+$0x0], $0xffff  }
0x2e5: {  	v7 =	vor.u32 v24, v31;
	v8 =	vor.u32 v25, v33;
	v6 =	vor.u32 v20, v30;
	v3 =	vld.idx.msk [tilespmem:v12+s15+$0x0], $0xffff  }
0x2e6: {  	v9 =	vor.u32 v27, v36;
	v10 =	vor.u32 v29, v37;
	v11 =	vor.u32 v40, v32;
	v2 =	vld.idx.msk [tilespmem:v14+s15+$0x0], $0xffff  }
0x2e7: {  	v16 =	vor.u32 $0x80, v46;
	v18 =	vor.u32 $0x100, v46;
	v12 =	vor.u32 v41, v35;
	v19 =	vld.idx.msk [tilespmem:v43+s15+$0x0], $0xffff;
	[tilespmem:s19+$0xFFFFFE60] =	vst v38  }
0x2e8: {  	v24 =	vor.u32 $0x100, v43;
	v22 =	vor.u32 $0x80, v43;
	v21 =	vor.u32 $0x180, v46;
	v20 =	vld.idx.msk [tilespmem:v46+s15+$0x0], $0xffff;
	[tilespmem:s19+$0xFFFFFE70] =	vst v39  }
0x2e9: {  	v25 =	vor.u32 $0x180, v43;
	v27 =	vor.u32 $0x80, v44;
	v28 =	vor.u32 $0x100, v44;
	v26 =	vld.idx.msk [tilespmem:v44+s15+$0x0], $0xffff;
	[tilespmem:s19+$0x0] =	vst v23  }
0x2ea: {  	v31 =	vor.u32 $0x100, v17;
	v30 =	vor.u32 $0x80, v17;
	v23 =	vor.u32 $0x180, v44;
	v29 =	vld.idx.msk [tilespmem:v17+s15+$0x0], $0xffff;
	[tilespmem:s19+$0x10] =	vst v34  }
0x2eb: {  	v33 =	vor.u32 $0x80, v15;
	v17 =	vor.u32 $0x180, v17;
	v34 =	vor.u32 $0x100, v15;
	v32 =	vld.idx.msk [tilespmem:v15+s15+$0x0], $0xffff;
	[tilespmem:s19+$0x20] =	vst v42  }
0x2ec: {  	v36 =	vor.u32 $0x100, v13;
	v35 =	vor.u32 $0x80, v13;
	v15 =	vor.u32 $0x180, v15;
	v16 =	vld.idx.msk [tilespmem:v16+s15+$0x0], $0xffff;
	[tilespmem:s19+$0x30] =	vst v45  }
0x2ed: {  	v37 =	vor.u32 $0x80, v4;
	v38 =	vor.u32 $0x100, v4;
	v18 =	vld.idx.msk [tilespmem:v18+s15+$0x0], $0xffff;
	[tilespmem:s20+$0xFFFFFE10] =	vst v19;
	v19 =	vor.u32 $0x180, v13  }
0x2ee: {  	v40 =	vor.u32 $0x100, v5;
	v39 =	vor.u32 $0x80, v5;
	[tilespmem:s20+$0xFFFFFE00] =	vst v20;
	v20 =	vld.idx.msk [tilespmem:v21+s15+$0x0], $0xffff;
	v21 =	vor.u32 $0x180, v4  }
0x2ef: {  	v41 =	vor.u32 $0x80, v6;
	v42 =	vor.u32 $0x100, v6;
	v22 =	vld.idx.msk [tilespmem:v22+s15+$0x0], $0xffff;
	[tilespmem:s20+$0xFFFFFE20] =	vst v26;
	v26 =	vor.u32 $0x180, v5  }
0x2f0: {  	v43 =	vor.u32 $0x80, v7;
	v44 =	vor.u32 $0x100, v7;
	v24 =	vld.idx.msk [tilespmem:v24+s15+$0x0], $0xffff;
	[tilespmem:s20+$0xFFFFFE30] =	vst v29;
	v29 =	vor.u32 $0x180, v6  }
0x2f1: {  	v46 =	vor.u32 $0x100, v8;
	v45 =	vor.u32 $0x80, v8;
	v25 =	vld.idx.msk [tilespmem:v25+s15+$0x0], $0xffff;
	[tilespmem:s20+$0xFFFFFE40] =	vst v32;
	v32 =	vor.u32 $0x180, v7  }
0x2f2: {  	v47 =	vor.u32 $0x80, v9;
	v48 =	vor.u32 $0x100, v9;
	[tilespmem:s20+$0xFFFFFE80] =	vst v16;
	v16 =	vld.idx.msk [tilespmem:v27+s15+$0x0], $0xffff;
	v27 =	vor.u32 $0x180, v8  }
0x2f3: {  	v49 =	vor.u32 $0x80, v10;
	v50 =	vor.u32 $0x100, v10;
	[tilespmem:s20+$0xFFFFFF00] =	vst v18;
	v18 =	vld.idx.msk [tilespmem:v28+s15+$0x0], $0xffff;
	v28 =	vor.u32 $0x180, v9  }
0x2f4: {  	v51 =	vor.u32 $0x80, v11;
	v52 =	vor.u32 $0x100, v11;
	[tilespmem:s20+$0xFFFFFF80] =	vst v20;
	v20 =	vld.idx.msk [tilespmem:v23+s15+$0x0], $0xffff;
	v23 =	vor.u32 $0x180, v10  }
0x2f5: {  	v53 =	vor.u32 $0x80, v12;
	v54 =	vor.u32 $0x100, v12;
	[tilespmem:s20+$0xFFFFFE90] =	vst v22;
	v22 =	vld.idx.msk [tilespmem:v30+s15+$0x0], $0xffff;
	v30 =	vor.u32 $0x180, v11  }
0x2f6: {  	v55 =	vor.u32 $0x80, v14;
	v14 =	vor.u32 $0x100, v14;
	[tilespmem:s20+$0xFFFFFF10] =	vst v24;
	v24 =	vld.idx.msk [tilespmem:v31+s15+$0x0], $0xffff;
	v31 =	vor.u32 $0x180, v12  }
0x2f7: {  	[tilespmem:s20+$0xFFFFFF90] =	vst v25;
	v17 =	vld.idx.msk [tilespmem:v17+s15+$0x0], $0xffff  }
0x2f8: {  	[tilespmem:s20+$0xFFFFFEA0] =	vst v16;
	v16 =	vld.idx.msk [tilespmem:v33+s15+$0x0], $0xffff  }
0x2f9: {  	[tilespmem:s20+$0xFFFFFF20] =	vst v18;
	v18 =	vld.idx.msk [tilespmem:v34+s15+$0x0], $0xffff  }
0x2fa: {  	[tilespmem:s20+$0xFFFFFFA0] =	vst v20;
	v15 =	vld.idx.msk [tilespmem:v15+s15+$0x0], $0xffff  }
0x2fb: {  	[tilespmem:s20+$0xFFFFFEB0] =	vst v22;
	v20 =	vld.idx.msk [tilespmem:v35+s15+$0x0], $0xffff  }
0x2fc: {  	[tilespmem:s20+$0xFFFFFF30] =	vst v24;
	v22 =	vld.idx.msk [tilespmem:v36+s15+$0x0], $0xffff  }
0x2fd: {  	[tilespmem:s20+$0xFFFFFFB0] =	vst v17;
	v17 =	vld.idx.msk [tilespmem:v19+s15+$0x0], $0xffff  }
0x2fe: {  	[tilespmem:s20+$0xFFFFFEC0] =	vst v16;
	v16 =	vld.idx.msk [tilespmem:v37+s15+$0x0], $0xffff  }
0x2ff: {  	[tilespmem:s20+$0xFFFFFF40] =	vst v18;
	v18 =	vld.idx.msk [tilespmem:v38+s15+$0x0], $0xffff  }
0x300: {  	[tilespmem:s20+$0xFFFFFFC0] =	vst v15;
	v15 =	vld.idx.msk [tilespmem:v21+s15+$0x0], $0xffff  }
0x301: {  	[tilespmem:s20+$0xFFFFFED0] =	vst v20;
	v19 =	vld.idx.msk [tilespmem:v39+s15+$0x0], $0xffff  }
0x302: {  	[tilespmem:s20+$0xFFFFFF50] =	vst v22;
	v20 =	vld.idx.msk [tilespmem:v40+s15+$0x0], $0xffff  }
0x303: {  	[tilespmem:s20+$0xFFFFFFD0] =	vst v17;
	v17 =	vld.idx.msk [tilespmem:v26+s15+$0x0], $0xffff  }
0x304: {  	[tilespmem:s20+$0xFFFFFEE0] =	vst v16;
	v16 =	vld.idx.msk [tilespmem:v41+s15+$0x0], $0xffff  }
0x305: {  	[tilespmem:s20+$0xFFFFFF60] =	vst v18;
	v18 =	vld.idx.msk [tilespmem:v42+s15+$0x0], $0xffff  }
0x306: {  	[tilespmem:s20+$0xFFFFFFE0] =	vst v15;
	v15 =	vld.idx.msk [tilespmem:v29+s15+$0x0], $0xffff  }
0x307: {  	[tilespmem:s20+$0xFFFFFEF0] =	vst v19;
	v19 =	vld.idx.msk [tilespmem:v43+s15+$0x0], $0xffff  }
0x308: {  	[tilespmem:s20+$0xFFFFFF70] =	vst v20;
	v20 =	vld.idx.msk [tilespmem:v44+s15+$0x0], $0xffff  }
0x309: {  	[tilespmem:s20+$0xFFFFFFF0] =	vst v17;
	v17 =	vld.idx.msk [tilespmem:v32+s15+$0x0], $0xffff  }
0x30a: {  	[tilespmem:s20+$0x80] =	vst v16;
	v16 =	vld.idx.msk [tilespmem:v45+s15+$0x0], $0xffff  }
0x30b: {  	[tilespmem:s20+$0x100] =	vst v18;
	v18 =	vld.idx.msk [tilespmem:v46+s15+$0x0], $0xffff  }
0x30c: {  	[tilespmem:s20+$0x180] =	vst v15;
	v15 =	vld.idx.msk [tilespmem:v27+s15+$0x0], $0xffff  }
0x30d: {  	[tilespmem:s20+$0x90] =	vst v19;
	v19 =	vld.idx.msk [tilespmem:v47+s15+$0x0], $0xffff  }
0x30e: {  	[tilespmem:s20+$0x110] =	vst v20;
	v20 =	vld.idx.msk [tilespmem:v48+s15+$0x0], $0xffff  }
0x30f: {  	[tilespmem:s20+$0x190] =	vst v17;
	v17 =	vld.idx.msk [tilespmem:v28+s15+$0x0], $0xffff  }
0x310: {  	[tilespmem:s20+$0xA0] =	vst v16;
	v16 =	vld.idx.msk [tilespmem:v49+s15+$0x0], $0xffff  }
0x311: {  	[tilespmem:s20+$0x120] =	vst v18;
	v18 =	vld.idx.msk [tilespmem:v50+s15+$0x0], $0xffff  }
0x312: {  	[tilespmem:s20+$0x1A0] =	vst v15;
	v21 =	vld.idx.msk [tilespmem:v23+s15+$0x0], $0xffff  }
0x313: {  	[tilespmem:s20+$0xB0] =	vst v19;
	v19 =	vld.idx.msk [tilespmem:v51+s15+$0x0], $0xffff  }
0x314: {  	[tilespmem:s20+$0x130] =	vst v20;
	v20 =	vld.idx.msk [tilespmem:v52+s15+$0x0], $0xffff  }
0x315: {  	[tilespmem:s20+$0x1B0] =	vst v17;
	v22 =	vld.idx.msk [tilespmem:v30+s15+$0x0], $0xffff  }
0x316: {  	[tilespmem:s20+$0xC0] =	vst v16;
	v15 =	vld.idx.msk [tilespmem:v53+s15+$0x0], $0xffff  }
.Ltmp6:
0x317: {  	[tilespmem:s20+$0x140] =	vst v18;
	v16 =	vld.idx.msk [tilespmem:v54+s15+$0x0], $0xffff;
	(pc) =	sbr.rel @p1 .LBB2_8-.Ltmp6, $4  }
0x318: {  	[tilespmem:s20+$0x1C0] =	vst v21;
	v17 =	vld.idx.msk [tilespmem:v31+s15+$0x0], $0xffff  }
0x319: {  	[tilespmem:s20+$0xD0] =	vst v19;
	v18 =	vld.idx.msk [tilespmem:v55+s15+$0x0], $0xffff  }
0x31a: {  	[tilespmem:s20+$0x150] =	vst v20;
	v19 =	vld.idx.msk [tilespmem:v14+s15+$0x0], $0xffff  }
0x31b: {  	s22 =	sadd.s32 $0x100, s22;
	v13 =	vld.idx.msk [tilespmem:v13+s15+$0x0], $0xffff;
	[tilespmem:s20+$0x1D0] =	vst v22  }
0x31c: {  	[tilespmem:s20+$0xE0] =	vst v15  }
0x31d: {  	[tilespmem:s20+$0x160] =	vst v16  }
0x31e: {  	[tilespmem:s19+$0x40] =	vst v0  }
0x31f: {  	[tilespmem:s19+$0x50] =	vst v1  }
0x320: {  	[tilespmem:s19+$0x60] =	vst v3  }
0x321: {  	v4 =	vld.idx.msk [tilespmem:v4+s15+$0x0], $0xffff;
	[tilespmem:s20+$0x70] =	vst v2  }
0x322: {  	v0 =	vld.idx.msk [tilespmem:v5+s15+$0x0], $0xffff;
	[tilespmem:s20+$0x1E0] =	vst v17  }
0x323: {  	v1 =	vld.idx.msk [tilespmem:v6+s15+$0x0], $0xffff;
	[tilespmem:s20+$0xF0] =	vst v18  }
0x324: {  	v3 =	vld.idx.msk [tilespmem:v7+s15+$0x0], $0xffff;
	[tilespmem:s20+$0x170] =	vst v19  }
0x325: {  	v2 =	vld.idx.msk [tilespmem:v8+s15+$0x0], $0xffff;
	[tilespmem:s20+$0xFFFFFE50] =	vst v13  }
0x326: {  	v5 =	vld.idx.msk [tilespmem:v9+s15+$0x0], $0xffff;
	[tilespmem:s20+$0xFFFFFE60] =	vst v4  }
0x327: {  	v4 =	vld.idx.msk [tilespmem:v10+s15+$0x0], $0xffff;
	[tilespmem:s20+$0xFFFFFE70] =	vst v0  }
0x328: {  	v0 =	vld.idx.msk [tilespmem:v11+s15+$0x0], $0xffff;
	[tilespmem:s20+$0x0] =	vst v1  }
0x329: {  	v1 =	vld.idx.msk [tilespmem:v12+s15+$0x0], $0xffff;
	[tilespmem:s20+$0x10] =	vst v3  }
0x32a: {  	[tilespmem:s20+$0x20] =	vst v2  }
0x32b: {  	[tilespmem:s20+$0x30] =	vst v5  }
0x32c: {  	[tilespmem:s20+$0x40] =	vst v4  }
0x32d: {  	[tilespmem:s20+$0x50] =	vst v0  }
0x32e: {  	s30 =	simm.s32 $0x10F0;
	[tilespmem:s20+$0x60] =	vst v1  }
0x32f: {  	[hbm4b:s8+s13] =	stream.strided.scatter [tilespmem:s16], [sflag:$0x1], $0x4000, s14, s13, $0x38;
	[tilespmem:$0x13E00] =	vst v63  }
0x330: {  	v0 =	vld [tilespmem:s30+$0x0]  }
0x331: {  	v1 =	vld [tilespmem:s30+$0xFFFFFF20]  }
0x332: {  	v2 =	vld [tilespmem:s30+$0xFFFFFF30]  }
0x333: {  	v3 =	vld [tilespmem:s30+$0xFFFFFF40]  }
0x334: {  	v4 =	vld [tilespmem:s30+$0xFFFFFF50]  }
0x335: {  	v5 =	vld [tilespmem:s30+$0xFFFFFF60]  }
0x336: {  	v10 =	vld [tilespmem:s30+$0xFFFFFF70]  }
0x337: {  	v7 =	vld [tilespmem:s30+$0xFFFFFF10];
	v6 =	vshll.u32 v0, $0x2  }
0x338: {  	v11 =	vld [tilespmem:s30+$0xFFFFFF80];
	v0 =	vand.u32 $0x7F, v0;
	v12 =	vshll.u32 v2, $0x2;
	v15 =	vshll.u32 v3, $0x2  }
0x339: {  	v13 =	vld [tilespmem:s30+$0xFFFFFFA0];
	v2 =	vand.u32 $0x7F, v2;
	v3 =	vand.u32 $0x7F, v3;
	v12 =	vand.u32 $0xFFFFFE00, v12  }
0x33a: {  	v14 =	vld [tilespmem:s30+$0xFFFFFFB0];
	v6 =	vand.u32 $0xFFFFFE00, v6;
	v15 =	vand.u32 $0xFFFFFE00, v15;
	v12 =	vor.u32 v2, v12  }
0x33b: {  	v16 =	vld [tilespmem:s30+$0xFFFFFFC0];
	v9 =	vshll.u32 v1, $0x2;
	v0 =	vor.u32 v0, v6;
	v3 =	vor.u32 v3, v15  }
0x33c: {  	v18 =	vld [tilespmem:s30+$0xFFFFFFD0];
	v1 =	vand.u32 $0x7F, v1;
	v9 =	vand.u32 $0xFFFFFE00, v9;
	v8 =	vor.u32 $0x180, v0  }
0x33d: {  	v6 =	vld [tilespmem:s30+$0xFFFFFF90];
	v1 =	vor.u32 v1, v9  }
0x33e: {  	v9 =	vld [tilespmem:s30+$0xFFFFFFE0];
	v25 =	vor.u32 $0x100, v1  }
0x33f: {  	v27 =	vor.u32 $0x80, v12;
	v22 =	vld.idx.msk [tilespmem:v12+s15+$0x0], $0xffff  }
0x340: {  	v17 =	vshll.u32 v7, $0x2;
	v28 =	vor.u32 $0x100, v12;
	v24 =	vld.idx.msk [tilespmem:v3+s15+$0x0], $0xffff  }
0x341: {  	v7 =	vand.u32 $0x7F, v7;
	v17 =	vand.u32 $0xFFFFFE00, v17;
	v30 =	vor.u32 $0x100, v3;
	v19 =	vld.idx.msk [tilespmem:v8+s15+$0x0], $0xffff  }
0x342: {  	v8 =	vor.u32 v7, v17;
	v17 =	vld.idx.msk [tilespmem:v1+s15+$0x0], $0xffff  }
0x343: {  	v25 =	vld.idx.msk [tilespmem:v25+s15+$0x0], $0xffff  }
0x344: {  	v27 =	vld.idx.msk [tilespmem:v27+s15+$0x0], $0xffff  }
0x345: {  	v28 =	vld.idx.msk [tilespmem:v28+s15+$0x0], $0xffff  }
0x346: {  	s31 =	simm.s32 $0x11F0;
	v23 =	vor.u32 $0x80, v1;
	v63 =	vshll.u32 v9, $0x2;
	v1 =	vor.u32 $0x180, v1;
	v30 =	vld.idx.msk [tilespmem:v30+s15+$0x0], $0xffff  }
0x347: {  	v7 =	vshll.u32 v4, $0x2;
	v45 =	vand.u32 $0xFFFFFE00, v63;
	v63 =	vld [tilespmem:s31+$0xFFFFFF70];
	v15 =	vor.u32 $0x80, v8  }
0x348: {  	v4 =	vand.u32 $0x7F, v4;
	v2 =	vand.u32 $0xFFFFFE00, v7;
	v7 =	vld [tilespmem:s30+$0xFFFFFFF0];
	v20 =	vor.u32 $0x100, v8  }
0x349: {  	v4 =	vor.u32 v4, v2;
	v2 =	vld.idx.msk [tilespmem:v0+s15+$0x0], $0xffff  }
0x34a: {  	v33 =	vor.u32 $0x100, v4;
	v21 =	vld.idx.msk [tilespmem:v8+s15+$0x0], $0xffff  }
0x34b: {  	v8 =	vor.u32 $0x180, v8;
	v31 =	vld.idx.msk [tilespmem:v1+s15+$0x0], $0xffff  }
0x34c: {  	s19 =	simm.s32 $0x101F0;
	v59 =	vshll.u32 v18, $0x2;
	v15 =	vld.idx.msk [tilespmem:v15+s15+$0x0], $0xffff  }
0x34d: {  	v18 =	vand.u32 $0x7F, v18;
	v53 =	vor.u32 $0x80, v3;
	[tilespmem:s19+$0xFFFFFC30] =	vst v22;
	v22 =	vand.u32 $0xFFFFFE00, v59;
	v20 =	vld.idx.msk [tilespmem:v20+s15+$0x0], $0xffff  }
0x34e: {  	v1 =	vor.u32 $0x180, v3;
	v18 =	vor.u32 v18, v22;
	v26 =	vld.idx.msk [tilespmem:v4+s15+$0x0], $0xffff  }
0x34f: {  	v44 =	vor.u32 $0x80, v18;
	v33 =	vld.idx.msk [tilespmem:v33+s15+$0x0], $0xffff  }
0x350: {  	v46 =	vor.u32 $0x100, v18;
	v29 =	vld.idx.msk [tilespmem:v8+s15+$0x0], $0xffff  }
0x351: {  	v9 =	vand.u32 $0x7F, v9;
	v8 =	vor.u32 $0x180, v12;
	v12 =	vld.idx.msk [tilespmem:v23+s15+$0x0], $0xffff  }
0x352: {  	[tilespmem:s19+$0xFFFFFCB0] =	vst v27;
	v27 =	vor.u32 v9, v45;
	v9 =	vor.u32 $0x180, v18;
	v23 =	vld.idx.msk [tilespmem:v53+s15+$0x0], $0xffff  }
0x353: {  	v50 =	vor.u32 $0x100, v27;
	v36 =	vld.idx.msk [tilespmem:v1+s15+$0x0], $0xffff  }
0x354: {  	v3 =	vshll.u32 v5, $0x2;
	v52 =	vld.idx.msk [tilespmem:v44+s15+$0x0], $0xffff  }
0x355: {  	v32 =	vor.u32 $0x80, v4;
	v5 =	vand.u32 $0x7F, v5;
	v3 =	vand.u32 $0xFFFFFE00, v3;
	[tilespmem:s19+$0xFFFFFDA0] =	vst v31;
	v31 =	vld.idx.msk [tilespmem:v46+s15+$0x0], $0xffff  }
0x356: {  	v34 =	vld.idx.msk [tilespmem:v8+s15+$0x0], $0xffff;
	v8 =	vor.u32 v5, v3;
	v3 =	vor.u32 $0x180, v4  }
0x357: {  	v48 =	vor.u32 $0x80, v27;
	v53 =	vld.idx.msk [tilespmem:v9+s15+$0x0], $0xffff  }
0x358: {  	[tilespmem:s19+$0xFFFFFC40] =	vst v24;
	v24 =	vld.idx.msk [tilespmem:v50+s15+$0x0], $0xffff;
	v4 =	vshll.u32 v10, $0x2  }
0x359: {  	[tilespmem:s19+$0xFFFFFD50] =	vst v33;
	v33 =	vld [tilespmem:s31+$0xFFFFFF10];
	v10 =	vand.u32 $0x7F, v10;
	v5 =	vor.u32 $0x80, v8;
	v4 =	vand.u32 $0xFFFFFE00, v4  }
0x35a: {  	v35 =	vor.u32 $0x100, v8;
	v1 =	vor.u32 v10, v4;
	v10 =	vld.idx.msk [tilespmem:v32+s15+$0x0], $0xffff  }
0x35b: {  	v54 =	vshll.u32 v11, $0x2;
	v4 =	vor.u32 $0x180, v8;
	v39 =	vld.idx.msk [tilespmem:v3+s15+$0x0], $0xffff  }
0x35c: {  	v32 =	vand.u32 $0xFFFFFE00, v54;
	v54 =	vor.u32 $0x80, v0;
	v0 =	vor.u32 $0x100, v0;
	[tilespmem:s19+$0xFFFFFDB0] =	vst v34;
	v34 =	vld.idx.msk [tilespmem:v48+s15+$0x0], $0xffff  }
0x35d: {  	v11 =	vand.u32 $0x7F, v11;
	v37 =	vor.u32 $0x80, v1;
	v59 =	vld.idx.msk [tilespmem:v8+s15+$0x0], $0xffff  }
0x35e: {  	v38 =	vor.u32 $0x100, v1;
	v3 =	vor.u32 v11, v32;
	v32 =	vld.idx.msk [tilespmem:v5+s15+$0x0], $0xffff  }
0x35f: {  	v11 =	vor.u32 $0x180, v1;
	v35 =	vld.idx.msk [tilespmem:v35+s15+$0x0], $0xffff  }
0x360: {  	[tilespmem:s19+$0x0] =	vst v19;
	v42 =	vld.idx.msk [tilespmem:v4+s15+$0x0], $0xffff  }
0x361: {  	[tilespmem:s19+$0xFFFFFC20] =	vst v17;
	v0 =	vld.idx.msk [tilespmem:v0+s15+$0x0], $0xffff  }
0x362: {  	[tilespmem:s19+$0xFFFFFD20] =	vst v25;
	v37 =	vld.idx.msk [tilespmem:v37+s15+$0x0], $0xffff  }
0x363: {  	[tilespmem:s19+$0xFFFFFD30] =	vst v28;
	v40 =	vor.u32 $0x80, v3;
	v38 =	vld.idx.msk [tilespmem:v38+s15+$0x0], $0xffff  }
0x364: {  	[tilespmem:s19+$0xFFFFFD40] =	vst v30;
	v5 =	vshll.u32 v6, $0x2;
	v41 =	vor.u32 $0x100, v3;
	v11 =	vld.idx.msk [tilespmem:v11+s15+$0x0], $0xffff  }
0x365: {  	v6 =	vand.u32 $0x7F, v6;
	v5 =	vand.u32 $0xFFFFFE00, v5;
	[tilespmem:s19+$0xFFFFFDD0] =	vst v39;
	v39 =	vld.idx.msk [tilespmem:v54+s15+$0x0], $0xffff  }
0x366: {  	v4 =	vor.u32 v6, v5;
	v6 =	vor.u32 $0x180, v3;
	[tilespmem:s19+$0xFFFFFEE0] =	vst v34;
	v34 =	vld.idx.msk [tilespmem:v1+s15+$0x0], $0xffff  }
0x367: {  	[tilespmem:s19+$0xFFFFFDC0] =	vst v36;
	v36 =	vld.idx.msk [tilespmem:v3+s15+$0x0], $0xffff  }
0x368: {  	[tilespmem:s19+$0xFFFFFC10] =	vst v21;
	v5 =	vshll.u32 v13, $0x2;
	v19 =	vor.u32 $0x80, v4;
	v21 =	vld.idx.msk [tilespmem:v40+s15+$0x0], $0xffff  }
0x369: {  	[tilespmem:s19+$0xFFFFFE80] =	vst v2;
	v13 =	vand.u32 $0x7F, v13;
	v5 =	vand.u32 $0xFFFFFE00, v5;
	v17 =	vor.u32 $0x100, v4;
	v41 =	vld.idx.msk [tilespmem:v41+s15+$0x0], $0xffff  }
0x36a: {  	v5 =	vor.u32 v13, v5;
	v13 =	vor.u32 $0x180, v4;
	[tilespmem:s19+$0xFFFFFF80] =	vst v0;
	v0 =	vld.idx.msk [tilespmem:v18+s15+$0x0], $0xffff  }
0x36b: {  	[tilespmem:s19+$0xFFFFFC90] =	vst v15;
	v43 =	vld.idx.msk [tilespmem:v6+s15+$0x0], $0xffff  }
0x36c: {  	[tilespmem:s19+$0xFFFFFD10] =	vst v20;
	v56 =	vor.u32 $0x80, v5;
	v4 =	vld.idx.msk [tilespmem:v4+s15+$0x0], $0xffff  }
0x36d: {  	v55 =	vshll.u32 v14, $0x2;
	[tilespmem:s19+$0xFFFFFC50] =	vst v26;
	v57 =	vor.u32 $0x100, v5;
	v19 =	vld.idx.msk [tilespmem:v19+s15+$0x0], $0xffff  }
0x36e: {  	v14 =	vand.u32 $0x7F, v14;
	[tilespmem:s19+$0xFFFFFD90] =	vst v29;
	v40 =	vand.u32 $0xFFFFFE00, v55;
	v58 =	vor.u32 $0x180, v5;
	v15 =	vld.idx.msk [tilespmem:v17+s15+$0x0], $0xffff  }
0x36f: {  	[tilespmem:s19+$0xFFFFFCA0] =	vst v12;
	v6 =	vor.u32 v14, v40;
	v13 =	vld.idx.msk [tilespmem:v13+s15+$0x0], $0xffff  }
0x370: {  	[tilespmem:s19+$0xFFFFFCC0] =	vst v23;
	v40 =	vor.u32 $0x80, v6;
	v5 =	vld.idx.msk [tilespmem:v5+s15+$0x0], $0xffff  }
0x371: {  	[tilespmem:s19+$0xFFFFFED0] =	vst v52;
	v17 =	vor.u32 $0x100, v6;
	v20 =	vld.idx.msk [tilespmem:v56+s15+$0x0], $0xffff  }
0x372: {  	[tilespmem:s19+$0xFFFFFF50] =	vst v31;
	v14 =	vshll.u32 v16, $0x2;
	v12 =	vld.idx.msk [tilespmem:v57+s15+$0x0], $0xffff  }
0x373: {  	[tilespmem:s19+$0xFFFFFFD0] =	vst v53;
	v16 =	vand.u32 $0x7F, v16;
	v14 =	vand.u32 $0xFFFFFE00, v14;
	v25 =	vld.idx.msk [tilespmem:v58+s15+$0x0], $0xffff  }
0x374: {  	[tilespmem:s19+$0xFFFFFF60] =	vst v24;
	v14 =	vor.u32 v16, v14;
	v16 =	vor.u32 $0x180, v6;
	v6 =	vld.idx.msk [tilespmem:v6+s15+$0x0], $0xffff  }
0x375: {  	[tilespmem:s19+$0xFFFFFCD0] =	vst v10;
	v26 =	vld.idx.msk [tilespmem:v40+s15+$0x0], $0xffff  }
0x376: {  	[tilespmem:s19+$0xFFFFFC60] =	vst v59;
	v60 =	vor.u32 $0x80, v14;
	v17 =	vld.idx.msk [tilespmem:v17+s15+$0x0], $0xffff  }
0x377: {  	v61 =	vor.u32 $0x100, v14;
	[tilespmem:s19+$0xFFFFFE90] =	vst v19;
	v19 =	vld [tilespmem:s31+$0xFFFFFF20]  }
0x378: {  	v62 =	vor.u32 $0x180, v14;
	[tilespmem:s19+$0xFFFFFF10] =	vst v15;
	v15 =	vld [tilespmem:s31+$0xFFFFFF90]  }
0x379: {  	[tilespmem:s19+$0xFFFFFCE0] =	vst v32;
	v47 =	vld.idx.msk [tilespmem:v16+s15+$0x0], $0xffff  }
0x37a: {  	[tilespmem:s19+$0xFFFFFD60] =	vst v35;
	v14 =	vld.idx.msk [tilespmem:v14+s15+$0x0], $0xffff  }
0x37b: {  	[tilespmem:s19+$0xFFFFFDE0] =	vst v42;
	v29 =	vld.idx.msk [tilespmem:v60+s15+$0x0], $0xffff  }
0x37c: {  	[tilespmem:s19+$0xFFFFFCF0] =	vst v37;
	v16 =	vshll.u32 v7, $0x2;
	v49 =	vld.idx.msk [tilespmem:v61+s15+$0x0], $0xffff  }
0x37d: {  	[tilespmem:s19+$0xFFFFFD70] =	vst v38;
	v7 =	vand.u32 $0x7F, v7;
	v16 =	vand.u32 $0xFFFFFE00, v16;
	v22 =	vld.idx.msk [tilespmem:v62+s15+$0x0], $0xffff  }
0x37e: {  	[tilespmem:s19+$0xFFFFFDF0] =	vst v11;
	v60 =	vld [tilespmem:s31+$0xFFFFFF30];
	v51 =	vor.u32 v7, v16;
	v7 =	vor.u32 $0x180, v27  }
0x37f: {  	[tilespmem:s19+$0xFFFFFF00] =	vst v39;
	v61 =	vld [tilespmem:s31+$0xFFFFFF40]  }
0x380: {  	[tilespmem:s19+$0xFFFFFEA0] =	vst v20;
	v20 =	vld [tilespmem:s31+$0xFFFFFF50];
	v16 =	vor.u32 $0x80, v51  }
0x381: {  	[tilespmem:s19+$0xFFFFFC70] =	vst v34;
	v62 =	vld [tilespmem:s31+$0xFFFFFF60];
	v10 =	vor.u32 $0x100, v51  }
0x382: {  	[tilespmem:s19+$0xFFFFFF20] =	vst v12;
	v12 =	vld [tilespmem:s31+$0xFFFFFFF0];
	v9 =	vor.u32 $0x180, v51  }
0x383: {  	[tilespmem:s19+$0xFFFFFC80] =	vst v36;
	v55 =	vld.idx.msk [tilespmem:v7+s15+$0x0], $0xffff  }
0x384: {  	[tilespmem:s19+$0xFFFFFD00] =	vst v21;
	v7 =	vld [tilespmem:s31+$0x0]  }
0x385: {  	[tilespmem:s19+$0xFFFFFD80] =	vst v41;
	v56 =	vld.idx.msk [tilespmem:v16+s15+$0x0], $0xffff  }
0x386: {  	v38 =	vshll.u32 v33, $0x2;
	[tilespmem:s19+$0xFFFFFE00] =	vst v43;
	v1 =	vshll.u32 v19, $0x2;
	v57 =	vld.idx.msk [tilespmem:v10+s15+$0x0], $0xffff  }
0x387: {  	v28 =	vand.u32 $0xFFFFFE00, v38;
	[tilespmem:s19+$0xFFFFFE10] =	vst v4;
	v19 =	vand.u32 $0x7F, v19;
	v1 =	vand.u32 $0xFFFFFE00, v1;
	v58 =	vld.idx.msk [tilespmem:v9+s15+$0x0], $0xffff  }
0x388: {  	[tilespmem:s19+$0xFFFFFFC0] =	vst v22;
	v3 =	vshll.u32 v60, $0x2;
	v22 =	vand.u32 $0x7F, v33;
	v19 =	vor.u32 v19, v1;
	v16 =	vld [tilespmem:s31+$0xFFFFFF80]  }
0x389: {  	[tilespmem:s19+$0xFFFFFF90] =	vst v13;
	v37 =	vshll.u32 v61, $0x2;
	v1 =	vand.u32 $0x7F, v60;
	v22 =	vor.u32 v22, v28;
	v9 =	vld [tilespmem:s31+$0xFFFFFFC0]  }
0x38a: {  	[tilespmem:s19+$0xFFFFFE20] =	vst v5;
	v18 =	vshll.u32 v20, $0x2;
	v3 =	vand.u32 $0xFFFFFE00, v3;
	v4 =	vor.u32 $0x80, v19;
	v10 =	vld [tilespmem:s31+$0xFFFFFFD0]  }
0x38b: {  	[tilespmem:s19+$0xFFFFFE30] =	vst v6;
	v41 =	vand.u32 $0x7F, v61;
	v5 =	vor.u32 $0x100, v19;
	v43 =	vor.u32 v1, v3;
	v1 =	vld.idx.msk [tilespmem:v27+s15+$0x0], $0xffff  }
0x38c: {  	[tilespmem:s19+$0xFFFFFEB0] =	vst v26;
	v26 =	vand.u32 $0xFFFFFE00, v37;
	v6 =	vor.u32 $0x180, v19;
	v3 =	vld.idx.msk [tilespmem:v51+s15+$0x0], $0xffff;
	v8 =	vshll.u32 v7, $0x2  }
0x38d: {  	[tilespmem:s19+$0xFFFFFFA0] =	vst v25;
	v2 =	vand.u32 $0xFFFFFE00, v18;
	v44 =	vld.idx.msk [tilespmem:v19+s15+$0x0], $0xffff;
	v7 =	vand.u32 $0x7F, v7;
	v8 =	vand.u32 $0xFFFFFE00, v8  }
0x38e: {  	[tilespmem:s19+$0xFFFFFF30] =	vst v17;
	v18 =	vand.u32 $0x7F, v20;
	v20 =	vor.u32 v41, v26;
	v46 =	vld.idx.msk [tilespmem:v22+s15+$0x0], $0xffff;
	v13 =	vor.u32 v7, v8  }
0x38f: {  	[tilespmem:s19+$0xFFFFFFB0] =	vst v47;
	v4 =	vld.idx.msk [tilespmem:v4+s15+$0x0], $0xffff;
	v11 =	vor.u32 $0x180, v13  }
0x390: {  	[tilespmem:s19+$0xFFFFFE40] =	vst v14;
	v45 =	vor.u32 $0x100, v22;
	v5 =	vld.idx.msk [tilespmem:v5+s15+$0x0], $0xffff  }
0x391: {  	[tilespmem:s19+$0xFFFFFEC0] =	vst v29;
	v6 =	vld.idx.msk [tilespmem:v6+s15+$0x0], $0xffff  }
0x392: {  	[tilespmem:s19+$0xFFFFFF40] =	vst v49;
	v47 =	vld.idx.msk [tilespmem:v43+s15+$0x0], $0xffff  }
0x393: {  	v51 =	vor.u32 $0x180, v43;
	[tilespmem:s19+$0xFFFFFFE0] =	vst v55;
	v48 =	vld.idx.msk [tilespmem:v20+s15+$0x0], $0xffff  }
0x394: {  	v52 =	vor.u32 $0x80, v20;
	[tilespmem:s19+$0xFFFFFEF0] =	vst v56;
	v17 =	vld.idx.msk [tilespmem:v11+s15+$0x0], $0xffff  }
0x395: {  	v53 =	vor.u32 $0x100, v20;
	[tilespmem:s19+$0xFFFFFF70] =	vst v57;
	v19 =	vld.idx.msk [tilespmem:v45+s15+$0x0], $0xffff  }
0x396: {  	s20 =	simm.s32 $0x105F0;
	v50 =	vor.u32 $0x100, v43;
	[tilespmem:s19+$0xFFFFFFF0] =	vst v58;
	v7 =	vld [tilespmem:s31+$0xFFFFFFA0]  }
0x397: {  	v20 =	vor.u32 $0x180, v20;
	v8 =	vld [tilespmem:s31+$0xFFFFFFB0];
	[tilespmem:s20+$0xFFFFFC20] =	vst v44  }
0x398: {  	v57 =	vld.idx.msk [tilespmem:v51+s15+$0x0], $0xffff;
	[tilespmem:s20+$0xFFFFFCA0] =	vst v4  }
0x399: {  	v58 =	vld.idx.msk [tilespmem:v52+s15+$0x0], $0xffff;
	v4 =	vshll.u32 v63, $0x2;
	[tilespmem:s20+$0x0] =	vst v17;
	v17 =	vor.u32 v18, v2;
	v18 =	vor.u32 $0x80, v22  }
0x39a: {  	v60 =	vld.idx.msk [tilespmem:v53+s15+$0x0], $0xffff;
	[tilespmem:s20+$0xFFFFFD20] =	vst v5;
	v5 =	vand.u32 $0x7F, v63;
	v4 =	vand.u32 $0xFFFFFE00, v4;
	v22 =	vor.u32 $0x180, v22  }
0x39b: {  	[tilespmem:s20+$0xFFFFFD10] =	vst v19;
	v19 =	vld.idx.msk [tilespmem:v50+s15+$0x0], $0xffff;
	v4 =	vor.u32 v5, v4;
	v5 =	vshll.u32 v16, $0x2  }
0x39c: {  	[tilespmem:s20+$0xFFFFFDA0] =	vst v6;
	v6 =	vld.idx.msk [tilespmem:v20+s15+$0x0], $0xffff;
	v16 =	vand.u32 $0x7F, v16;
	v5 =	vand.u32 $0xFFFFFE00, v5;
	v56 =	vor.u32 $0x100, v17  }
0x39d: {  	[tilespmem:s20+$0xFFFFFC10] =	vst v46;
	v11 =	vld [tilespmem:s31+$0xFFFFFFE0];
	v5 =	vor.u32 v16, v5;
	v16 =	vor.u32 $0x180, v4  }
0x39e: {  	[tilespmem:s20+$0xFFFFFC30] =	vst v47;
	v18 =	vld.idx.msk [tilespmem:v18+s15+$0x0], $0xffff  }
0x39f: {  	v14 =	vor.u32 $0x80, v43;
	[tilespmem:s20+$0xFFFFFC40] =	vst v48;
	v22 =	vld.idx.msk [tilespmem:v22+s15+$0x0], $0xffff  }
0x3a0: {  	[tilespmem:s20+$0xFFFFFDB0] =	vst v57;
	v32 =	vor.u32 $0x80, v5;
	v2 =	vld.idx.msk [tilespmem:v13+s15+$0x0], $0xffff  }
0x3a1: {  	v63 =	vor.u32 $0x100, v4;
	[tilespmem:s20+$0xFFFFFD30] =	vst v19;
	v19 =	vld.idx.msk [tilespmem:v56+s15+$0x0], $0xffff  }
0x3a2: {  	v31 =	vshll.u32 v15, $0x2;
	[tilespmem:s20+$0xFFFFFCC0] =	vst v58;
	v34 =	vor.u32 $0x100, v5;
	v16 =	vld.idx.msk [tilespmem:v16+s15+$0x0], $0xffff  }
0x3a3: {  	v15 =	vand.u32 $0x7F, v15;
	v54 =	vor.u32 $0x80, v17;
	v49 =	vld.idx.msk [tilespmem:v17+s15+$0x0], $0xffff;
	v17 =	vor.u32 $0x180, v17;
	[tilespmem:s20+$0xFFFFFC90] =	vst v18  }
0x3a4: {  	v55 =	vand.u32 $0x7F, v62;
	v18 =	vld.idx.msk [tilespmem:v14+s15+$0x0], $0xffff;
	v14 =	vshll.u32 v62, $0x2;
	[tilespmem:s20+$0xFFFFFD90] =	vst v22;
	v22 =	vand.u32 $0xFFFFFE00, v31  }
0x3a5: {  	[tilespmem:s20+$0xFFFFFDC0] =	vst v6;
	v38 =	vld.idx.msk [tilespmem:v32+s15+$0x0], $0xffff;
	v14 =	vand.u32 $0xFFFFFE00, v14;
	v6 =	vor.u32 v15, v22;
	v15 =	vor.u32 $0x180, v5  }
0x3a6: {  	[tilespmem:s20+$0xFFFFFD50] =	vst v19;
	v19 =	vld.idx.msk [tilespmem:v63+s15+$0x0], $0xffff;
	v14 =	vor.u32 v55, v14;
	v37 =	vor.u32 $0x100, v6  }
0x3a7: {  	[tilespmem:s20+$0xFFFFFD40] =	vst v60;
	v35 =	vshll.u32 v7, $0x2;
	v41 =	vld.idx.msk [tilespmem:v34+s15+$0x0], $0xffff;
	v59 =	vor.u32 $0x80, v14  }
0x3a8: {  	v7 =	vand.u32 $0x7F, v7;
	[tilespmem:s20+$0xFFFFFDF0] =	vst v16;
	v17 =	vld.idx.msk [tilespmem:v17+s15+$0x0], $0xffff;
	v22 =	vand.u32 $0xFFFFFE00, v35;
	v20 =	vor.u32 $0x180, v14  }
0x3a9: {  	v43 =	vshll.u32 v9, $0x2;
	v7 =	vor.u32 v7, v22;
	v61 =	vor.u32 $0x100, v14;
	[tilespmem:s20+$0xFFFFFCB0] =	vst v18;
	v18 =	vld.idx.msk [tilespmem:v54+s15+$0x0], $0xffff  }
0x3aa: {  	v9 =	vand.u32 $0x7F, v9;
	v39 =	vshll.u32 v8, $0x2;
	[tilespmem:s20+$0xFFFFFD00] =	vst v38;
	v40 =	vor.u32 $0x80, v7;
	v15 =	vld.idx.msk [tilespmem:v15+s15+$0x0], $0xffff  }
0x3ab: {  	v8 =	vand.u32 $0x7F, v8;
	v22 =	vand.u32 $0xFFFFFE00, v39;
	v42 =	vor.u32 $0x100, v7;
	[tilespmem:s20+$0xFFFFFD70] =	vst v19;
	v19 =	vld.idx.msk [tilespmem:v37+s15+$0x0], $0xffff  }
0x3ac: {  	[tilespmem:s20+$0xFFFFFD80] =	vst v41;
	v62 =	vor.u32 $0x80, v4;
	v8 =	vor.u32 v8, v22;
	v22 =	vand.u32 $0xFFFFFE00, v43;
	v30 =	vld.idx.msk [tilespmem:v59+s15+$0x0], $0xffff  }
0x3ad: {  	v9 =	vor.u32 v9, v22;
	[tilespmem:s20+$0xFFFFFDD0] =	vst v17;
	v17 =	vor.u32 $0x180, v6;
	v20 =	vld.idx.msk [tilespmem:v20+s15+$0x0], $0xffff  }
0x3ae: {  	v47 =	vshll.u32 v10, $0x2;
	[tilespmem:s20+$0xFFFFFC50] =	vst v49;
	v48 =	vor.u32 $0x80, v9;
	v33 =	vld.idx.msk [tilespmem:v61+s15+$0x0], $0xffff  }
0x3af: {  	v10 =	vand.u32 $0x7F, v10;
	v51 =	vshll.u32 v11, $0x2;
	v50 =	vor.u32 $0x100, v9;
	v46 =	vld.idx.msk [tilespmem:v40+s15+$0x0], $0xffff;
	[tilespmem:s20+$0xFFFFFCD0] =	vst v18  }
0x3b0: {  	v11 =	vand.u32 $0x7F, v11;
	v45 =	vor.u32 $0x100, v8;
	v22 =	vand.u32 $0xFFFFFE00, v47;
	v49 =	vld.idx.msk [tilespmem:v42+s15+$0x0], $0xffff;
	[tilespmem:s20+$0xFFFFFE00] =	vst v15  }
0x3b1: {  	v36 =	vor.u32 $0x80, v6;
	v10 =	vor.u32 v10, v22;
	v22 =	vand.u32 $0xFFFFFE00, v51;
	v18 =	vld.idx.msk [tilespmem:v62+s15+$0x0], $0xffff;
	[tilespmem:s20+$0xFFFFFF10] =	vst v19  }
0x3b2: {  	v11 =	vor.u32 v11, v22;
	v16 =	vld.idx.msk [tilespmem:v17+s15+$0x0], $0xffff;
	[tilespmem:s20+$0xFFFFFDE0] =	vst v20;
	v20 =	vor.u32 $0x180, v7  }
0x3b3: {  	v56 =	vor.u32 $0x80, v11;
	v54 =	vld.idx.msk [tilespmem:v48+s15+$0x0], $0xffff;
	[tilespmem:s20+$0xFFFFFCE0] =	vst v30  }
0x3b4: {  	v17 =	vor.u32 $0x180, v8;
	v57 =	vld.idx.msk [tilespmem:v50+s15+$0x0], $0xffff;
	[tilespmem:s20+$0xFFFFFD60] =	vst v33  }
0x3b5: {  	v58 =	vor.u32 $0x100, v11;
	v19 =	vld.idx.msk [tilespmem:v45+s15+$0x0], $0xffff;
	[tilespmem:s20+$0xFFFFFEA0] =	vst v46  }
0x3b6: {  	v44 =	vor.u32 $0x80, v8;
	[tilespmem:s20+$0xFFFFFCF0] =	vst v18;
	v18 =	vld.idx.msk [tilespmem:v36+s15+$0x0], $0xffff  }
0x3b7: {  	v55 =	vshll.u32 v12, $0x2;
	[tilespmem:s20+$0xFFFFFF20] =	vst v49;
	v15 =	vld.idx.msk [tilespmem:v20+s15+$0x0], $0xffff;
	v20 =	vor.u32 $0x180, v9  }
0x3b8: {  	v12 =	vand.u32 $0x7F, v12;
	v53 =	vor.u32 $0x100, v10;
	v22 =	vand.u32 $0xFFFFFE00, v55;
	v61 =	vld.idx.msk [tilespmem:v56+s15+$0x0], $0xffff;
	[tilespmem:s20+$0xFFFFFF90] =	vst v16  }
0x3b9: {  	v12 =	vor.u32 v12, v22;
	v16 =	vld.idx.msk [tilespmem:v17+s15+$0x0], $0xffff;
	v17 =	vor.u32 $0x180, v10;
	[tilespmem:s20+$0xFFFFFEC0] =	vst v54  }
0x3ba: {  	v59 =	vor.u32 $0x100, v12;
	v63 =	vld.idx.msk [tilespmem:v58+s15+$0x0], $0xffff;
	[tilespmem:s20+$0xFFFFFF40] =	vst v57  }
0x3bb: {  	v52 =	vor.u32 $0x80, v10;
	[tilespmem:s20+$0xFFFFFE90] =	vst v18;
	v18 =	vld.idx.msk [tilespmem:v44+s15+$0x0], $0xffff  }
0x3bc: {  	[tilespmem:s20+$0xFFFFFFA0] =	vst v15;
	v15 =	vld.idx.msk [tilespmem:v20+s15+$0x0], $0xffff;
	v20 =	vor.u32 $0x180, v11  }
0x3bd: {  	v22 =	vor.u32 $0x80, v12;
	[tilespmem:s20+$0xFFFFFF30] =	vst v19;
	v19 =	vld.idx.msk [tilespmem:v53+s15+$0x0], $0xffff  }
0x3be: {  	v62 =	vor.u32 $0x80, v13;
	v13 =	vor.u32 $0x100, v13;
	[tilespmem:s20+$0xFFFFFEE0] =	vst v61;
	v17 =	vld.idx.msk [tilespmem:v17+s15+$0x0], $0xffff  }
0x3bf: {  	v60 =	vor.u32 $0x180, v12;
	[tilespmem:s20+$0xFFFFFFB0] =	vst v16;
	v16 =	vld.idx.msk [tilespmem:v59+s15+$0x0], $0xffff  }
0x3c0: {  	[tilespmem:s20+$0xFFFFFEB0] =	vst v18;
	v18 =	vld.idx.msk [tilespmem:v52+s15+$0x0], $0xffff  }
0x3c1: {  	[tilespmem:s20+$0xFFFFFF60] =	vst v63;
	v20 =	vld.idx.msk [tilespmem:v20+s15+$0x0], $0xffff  }
0x3c2: {  	[tilespmem:s20+$0xFFFFFFC0] =	vst v15;
	v15 =	vld.idx.msk [tilespmem:v22+s15+$0x0], $0xffff  }
0x3c3: {  	[tilespmem:s20+$0xFFFFFF50] =	vst v19;
	v19 =	vld.idx.msk [tilespmem:v13+s15+$0x0], $0xffff  }
0x3c4: {  	[tilespmem:s20+$0xFFFFFFD0] =	vst v17;
	v17 =	vld.idx.msk [tilespmem:v60+s15+$0x0], $0xffff  }
0x3c5: {  	[tilespmem:s20+$0xFFFFFED0] =	vst v18;
	v18 =	vld.idx.msk [tilespmem:v62+s15+$0x0], $0xffff  }
0x3c6: {  	s21 =	simm.s32 $0x110;
	s22 =	simm.s32 $0x12F0;
	v13 =	vld.idx.msk [tilespmem:v14+s15+$0x0], $0xffff;
	[tilespmem:s20+$0xFFFFFFE0] =	vst v20  }
.LBB2_10:
0x3c7: {  	v14 =	vld [tilespmem:s22+$0x0];
	s21 =	sadd.s32 $0x10, s21;
	[tilespmem:s20+$0xFFFFFEF0] =	vst v15  }
0x3c8: {  	v15 =	vld [tilespmem:s22+$0xFFFFFF20];
	p1 =	slt.u32 s21, $0x1F0;
	[tilespmem:s20+$0xFFFFFF70] =	vst v16  }
0x3c9: {  	v16 =	vld [tilespmem:s22+$0xFFFFFF30];
	[tilespmem:s20+$0xFFFFFFF0] =	vst v17  }
0x3ca: {  	v17 =	vld [tilespmem:s22+$0xFFFFFF40];
	[tilespmem:s20+$0xFFFFFF00] =	vst v18  }
0x3cb: {  	v18 =	vld [tilespmem:s22+$0xFFFFFF50];
	[tilespmem:s20+$0xFFFFFF80] =	vst v19  }
0x3cc: {  	v19 =	vld [tilespmem:s22+$0xFFFFFF60];
	v20 =	vshll.u32 v14, $0x2;
	[tilespmem:s20+$0xFFFFFC60] =	vst v13  }
0x3cd: {  	v14 =	vand.u32 $0x7F, v14;
	v13 =	vshll.u32 v15, $0x2;
	v21 =	vld [tilespmem:s22+$0xFFFFFF70];
	v20 =	vand.u32 $0xFFFFFE00, v20;
	[tilespmem:s19+$0xFFFFFE50] =	vst v0  }
0x3ce: {  	v0 =	vand.u32 $0xFFFFFE00, v13;
	v13 =	vshll.u32 v16, $0x2;
	v22 =	vld [tilespmem:s22+$0xFFFFFF80];
	v14 =	vor.u32 v14, v20;
	[tilespmem:s19+$0xFFFFFE60] =	vst v1  }
0x3cf: {  	v1 =	vand.u32 $0xFFFFFE00, v13;
	v13 =	vshll.u32 v17, $0x2;
	v20 =	vld [tilespmem:s22+$0xFFFFFF90];
	v23 =	vor.u32 $0x180, v14;
	[tilespmem:s19+$0xFFFFFE70] =	vst v3;
	s19 =	smov.u32 s20  }
0x3d0: {  	v3 =	vand.u32 $0x7F, v15;
	v13 =	vand.u32 $0xFFFFFE00, v13;
	v15 =	vshll.u32 v18, $0x2;
	v24 =	vld [tilespmem:s22+$0xFFFFFFA0];
	[tilespmem:s20+$0xFFFFFE80] =	vst v2  }
0x3d1: {  	v2 =	vand.u32 $0x7F, v16;
	v15 =	vand.u32 $0xFFFFFE00, v15;
	v16 =	vshll.u32 v19, $0x2;
	v25 =	vld [tilespmem:s22+$0xFFFFFFB0]  }
0x3d2: {  	v17 =	vand.u32 $0x7F, v17;
	v16 =	vand.u32 $0xFFFFFE00, v16;
	v26 =	vshll.u32 v21, $0x2;
	v27 =	vld [tilespmem:s22+$0xFFFFFFC0]  }
0x3d3: {  	v18 =	vand.u32 $0x7F, v18;
	v26 =	vand.u32 $0xFFFFFE00, v26;
	v28 =	vshll.u32 v22, $0x2;
	v29 =	vld [tilespmem:s22+$0xFFFFFFD0]  }
0x3d4: {  	v19 =	vand.u32 $0x7F, v19;
	v28 =	vand.u32 $0xFFFFFE00, v28;
	v30 =	vshll.u32 v20, $0x2;
	v23 =	vld.idx.msk [tilespmem:v23+s15+$0x0], $0xffff  }
0x3d5: {  	v21 =	vand.u32 $0x7F, v21;
	v30 =	vand.u32 $0xFFFFFE00, v30;
	v31 =	vshll.u32 v24, $0x2;
	v32 =	vld [tilespmem:s22+$0xFFFFFFE0]  }
0x3d6: {  	v22 =	vand.u32 $0x7F, v22;
	v31 =	vand.u32 $0xFFFFFE00, v31;
	v33 =	vshll.u32 v25, $0x2;
	v34 =	vld [tilespmem:s22+$0xFFFFFFF0]  }
0x3d7: {  	v20 =	vand.u32 $0x7F, v20;
	v35 =	vld [tilespmem:s22+$0xFFFFFF10];
	v33 =	vand.u32 $0xFFFFFE00, v33;
	v36 =	vshll.u32 v27, $0x2  }
0x3d8: {  	v24 =	vand.u32 $0x7F, v24;
	v36 =	vand.u32 $0xFFFFFE00, v36;
	v37 =	vshll.u32 v29, $0x2;
	v38 =	vld.idx.msk [tilespmem:v4+s15+$0x0], $0xffff  }
0x3d9: {  	s20 =	sadd.s32 $0x400, s20;
	v25 =	vand.u32 $0x7F, v25;
	v27 =	vand.u32 $0x7F, v27;
	v37 =	vand.u32 $0xFFFFFE00, v37;
	v39 =	vld.idx.msk [tilespmem:v5+s15+$0x0], $0xffff  }
0x3da: {  	v29 =	vand.u32 $0x7F, v29;
	v40 =	vand.u32 $0x7F, v32;
	v4 =	vshll.u32 v32, $0x2;
	[tilespmem:s20+$0x0] =	vst v23;
	v23 =	vld.idx.msk [tilespmem:v6+s15+$0x0], $0xffff  }
0x3db: {  	v32 =	vand.u32 $0xFFFFFE00, v4;
	v41 =	vand.u32 $0x7F, v34;
	v4 =	vshll.u32 v34, $0x2;
	v34 =	vld.idx.msk [tilespmem:v7+s15+$0x0], $0xffff  }
0x3dc: {  	v5 =	vand.u32 $0x7F, v35;
	v6 =	vshll.u32 v35, $0x2;
	v35 =	vand.u32 $0xFFFFFE00, v4;
	v42 =	vld.idx.msk [tilespmem:v8+s15+$0x0], $0xffff  }
0x3dd: {  	v43 =	vor.u32 v3, v0;
	v44 =	vor.u32 v2, v1;
	v4 =	vand.u32 $0xFFFFFE00, v6;
	v45 =	vld.idx.msk [tilespmem:v9+s15+$0x0], $0xffff  }
0x3de: {  	v17 =	vor.u32 v17, v13;
	v15 =	vor.u32 v18, v15;
	v46 =	vor.u32 v5, v4;
	v0 =	vld.idx.msk [tilespmem:v10+s15+$0x0], $0xffff  }
0x3df: {  	v13 =	vor.u32 v19, v16;
	v4 =	vor.u32 v21, v26;
	v5 =	vor.u32 v22, v28;
	v1 =	vld.idx.msk [tilespmem:v11+s15+$0x0], $0xffff  }
0x3e0: {  	v7 =	vor.u32 v24, v31;
	v8 =	vor.u32 v25, v33;
	v6 =	vor.u32 v20, v30;
	v3 =	vld.idx.msk [tilespmem:v12+s15+$0x0], $0xffff  }
0x3e1: {  	v9 =	vor.u32 v27, v36;
	v10 =	vor.u32 v29, v37;
	v11 =	vor.u32 v40, v32;
	v2 =	vld.idx.msk [tilespmem:v14+s15+$0x0], $0xffff  }
0x3e2: {  	v16 =	vor.u32 $0x80, v46;
	v18 =	vor.u32 $0x100, v46;
	v12 =	vor.u32 v41, v35;
	v19 =	vld.idx.msk [tilespmem:v43+s15+$0x0], $0xffff;
	[tilespmem:s19+$0xFFFFFC70] =	vst v38  }
0x3e3: {  	v24 =	vor.u32 $0x100, v43;
	v22 =	vor.u32 $0x80, v43;
	v21 =	vor.u32 $0x180, v46;
	v20 =	vld.idx.msk [tilespmem:v46+s15+$0x0], $0xffff;
	[tilespmem:s19+$0xFFFFFC80] =	vst v39  }
0x3e4: {  	v25 =	vor.u32 $0x180, v43;
	v27 =	vor.u32 $0x80, v44;
	v28 =	vor.u32 $0x100, v44;
	v26 =	vld.idx.msk [tilespmem:v44+s15+$0x0], $0xffff;
	[tilespmem:s19+$0xFFFFFE10] =	vst v23  }
0x3e5: {  	v31 =	vor.u32 $0x100, v17;
	v30 =	vor.u32 $0x80, v17;
	v23 =	vor.u32 $0x180, v44;
	v29 =	vld.idx.msk [tilespmem:v17+s15+$0x0], $0xffff;
	[tilespmem:s19+$0xFFFFFE20] =	vst v34  }
0x3e6: {  	v33 =	vor.u32 $0x80, v15;
	v17 =	vor.u32 $0x180, v17;
	v34 =	vor.u32 $0x100, v15;
	v32 =	vld.idx.msk [tilespmem:v15+s15+$0x0], $0xffff;
	[tilespmem:s19+$0xFFFFFE30] =	vst v42  }
0x3e7: {  	v36 =	vor.u32 $0x100, v13;
	v35 =	vor.u32 $0x80, v13;
	v15 =	vor.u32 $0x180, v15;
	v16 =	vld.idx.msk [tilespmem:v16+s15+$0x0], $0xffff;
	[tilespmem:s19+$0xFFFFFE40] =	vst v45  }
0x3e8: {  	v37 =	vor.u32 $0x80, v4;
	v38 =	vor.u32 $0x100, v4;
	v18 =	vld.idx.msk [tilespmem:v18+s15+$0x0], $0xffff;
	[tilespmem:s20+$0xFFFFFC20] =	vst v19;
	v19 =	vor.u32 $0x180, v13  }
0x3e9: {  	v40 =	vor.u32 $0x100, v5;
	v39 =	vor.u32 $0x80, v5;
	[tilespmem:s20+$0xFFFFFC10] =	vst v20;
	v20 =	vld.idx.msk [tilespmem:v21+s15+$0x0], $0xffff;
	v21 =	vor.u32 $0x180, v4  }
0x3ea: {  	v41 =	vor.u32 $0x80, v6;
	v42 =	vor.u32 $0x100, v6;
	v22 =	vld.idx.msk [tilespmem:v22+s15+$0x0], $0xffff;
	[tilespmem:s20+$0xFFFFFC30] =	vst v26;
	v26 =	vor.u32 $0x180, v5  }
0x3eb: {  	v43 =	vor.u32 $0x80, v7;
	v44 =	vor.u32 $0x100, v7;
	v24 =	vld.idx.msk [tilespmem:v24+s15+$0x0], $0xffff;
	[tilespmem:s20+$0xFFFFFC40] =	vst v29;
	v29 =	vor.u32 $0x180, v6  }
0x3ec: {  	v46 =	vor.u32 $0x100, v8;
	v45 =	vor.u32 $0x80, v8;
	v25 =	vld.idx.msk [tilespmem:v25+s15+$0x0], $0xffff;
	[tilespmem:s20+$0xFFFFFC50] =	vst v32;
	v32 =	vor.u32 $0x180, v7  }
0x3ed: {  	v47 =	vor.u32 $0x80, v9;
	v48 =	vor.u32 $0x100, v9;
	[tilespmem:s20+$0xFFFFFC90] =	vst v16;
	v16 =	vld.idx.msk [tilespmem:v27+s15+$0x0], $0xffff;
	v27 =	vor.u32 $0x180, v8  }
0x3ee: {  	v49 =	vor.u32 $0x80, v10;
	v50 =	vor.u32 $0x100, v10;
	[tilespmem:s20+$0xFFFFFD10] =	vst v18;
	v18 =	vld.idx.msk [tilespmem:v28+s15+$0x0], $0xffff;
	v28 =	vor.u32 $0x180, v9  }
0x3ef: {  	v51 =	vor.u32 $0x80, v11;
	v52 =	vor.u32 $0x100, v11;
	[tilespmem:s20+$0xFFFFFD90] =	vst v20;
	v20 =	vld.idx.msk [tilespmem:v23+s15+$0x0], $0xffff;
	v23 =	vor.u32 $0x180, v10  }
0x3f0: {  	v53 =	vor.u32 $0x80, v12;
	v54 =	vor.u32 $0x100, v12;
	[tilespmem:s20+$0xFFFFFCA0] =	vst v22;
	v22 =	vld.idx.msk [tilespmem:v30+s15+$0x0], $0xffff;
	v30 =	vor.u32 $0x180, v11  }
0x3f1: {  	v55 =	vor.u32 $0x80, v14;
	v14 =	vor.u32 $0x100, v14;
	[tilespmem:s20+$0xFFFFFD20] =	vst v24;
	v24 =	vld.idx.msk [tilespmem:v31+s15+$0x0], $0xffff;
	v31 =	vor.u32 $0x180, v12  }
0x3f2: {  	[tilespmem:s20+$0xFFFFFDA0] =	vst v25;
	v17 =	vld.idx.msk [tilespmem:v17+s15+$0x0], $0xffff  }
0x3f3: {  	[tilespmem:s20+$0xFFFFFCB0] =	vst v16;
	v16 =	vld.idx.msk [tilespmem:v33+s15+$0x0], $0xffff  }
0x3f4: {  	[tilespmem:s20+$0xFFFFFD30] =	vst v18;
	v18 =	vld.idx.msk [tilespmem:v34+s15+$0x0], $0xffff  }
0x3f5: {  	[tilespmem:s20+$0xFFFFFDB0] =	vst v20;
	v15 =	vld.idx.msk [tilespmem:v15+s15+$0x0], $0xffff  }
0x3f6: {  	[tilespmem:s20+$0xFFFFFCC0] =	vst v22;
	v20 =	vld.idx.msk [tilespmem:v35+s15+$0x0], $0xffff  }
0x3f7: {  	[tilespmem:s20+$0xFFFFFD40] =	vst v24;
	v22 =	vld.idx.msk [tilespmem:v36+s15+$0x0], $0xffff  }
0x3f8: {  	[tilespmem:s20+$0xFFFFFDC0] =	vst v17;
	v17 =	vld.idx.msk [tilespmem:v19+s15+$0x0], $0xffff  }
0x3f9: {  	[tilespmem:s20+$0xFFFFFCD0] =	vst v16;
	v16 =	vld.idx.msk [tilespmem:v37+s15+$0x0], $0xffff  }
0x3fa: {  	[tilespmem:s20+$0xFFFFFD50] =	vst v18;
	v18 =	vld.idx.msk [tilespmem:v38+s15+$0x0], $0xffff  }
0x3fb: {  	[tilespmem:s20+$0xFFFFFDD0] =	vst v15;
	v15 =	vld.idx.msk [tilespmem:v21+s15+$0x0], $0xffff  }
0x3fc: {  	[tilespmem:s20+$0xFFFFFCE0] =	vst v20;
	v19 =	vld.idx.msk [tilespmem:v39+s15+$0x0], $0xffff  }
0x3fd: {  	[tilespmem:s20+$0xFFFFFD60] =	vst v22;
	v20 =	vld.idx.msk [tilespmem:v40+s15+$0x0], $0xffff  }
0x3fe: {  	[tilespmem:s20+$0xFFFFFDE0] =	vst v17;
	v17 =	vld.idx.msk [tilespmem:v26+s15+$0x0], $0xffff  }
0x3ff: {  	[tilespmem:s20+$0xFFFFFCF0] =	vst v16;
	v16 =	vld.idx.msk [tilespmem:v41+s15+$0x0], $0xffff  }
0x400: {  	[tilespmem:s20+$0xFFFFFD70] =	vst v18;
	v18 =	vld.idx.msk [tilespmem:v42+s15+$0x0], $0xffff  }
0x401: {  	[tilespmem:s20+$0xFFFFFDF0] =	vst v15;
	v15 =	vld.idx.msk [tilespmem:v29+s15+$0x0], $0xffff  }
0x402: {  	[tilespmem:s20+$0xFFFFFD00] =	vst v19;
	v19 =	vld.idx.msk [tilespmem:v43+s15+$0x0], $0xffff  }
0x403: {  	[tilespmem:s20+$0xFFFFFD80] =	vst v20;
	v20 =	vld.idx.msk [tilespmem:v44+s15+$0x0], $0xffff  }
0x404: {  	[tilespmem:s20+$0xFFFFFE00] =	vst v17;
	v17 =	vld.idx.msk [tilespmem:v32+s15+$0x0], $0xffff  }
0x405: {  	[tilespmem:s20+$0xFFFFFE90] =	vst v16;
	v16 =	vld.idx.msk [tilespmem:v45+s15+$0x0], $0xffff  }
0x406: {  	[tilespmem:s20+$0xFFFFFF10] =	vst v18;
	v18 =	vld.idx.msk [tilespmem:v46+s15+$0x0], $0xffff  }
0x407: {  	[tilespmem:s20+$0xFFFFFF90] =	vst v15;
	v15 =	vld.idx.msk [tilespmem:v27+s15+$0x0], $0xffff  }
0x408: {  	[tilespmem:s20+$0xFFFFFEA0] =	vst v19;
	v19 =	vld.idx.msk [tilespmem:v47+s15+$0x0], $0xffff  }
0x409: {  	[tilespmem:s20+$0xFFFFFF20] =	vst v20;
	v20 =	vld.idx.msk [tilespmem:v48+s15+$0x0], $0xffff  }
0x40a: {  	[tilespmem:s20+$0xFFFFFFA0] =	vst v17;
	v17 =	vld.idx.msk [tilespmem:v28+s15+$0x0], $0xffff  }
0x40b: {  	[tilespmem:s20+$0xFFFFFEB0] =	vst v16;
	v16 =	vld.idx.msk [tilespmem:v49+s15+$0x0], $0xffff  }
0x40c: {  	[tilespmem:s20+$0xFFFFFF30] =	vst v18;
	v18 =	vld.idx.msk [tilespmem:v50+s15+$0x0], $0xffff  }
0x40d: {  	[tilespmem:s20+$0xFFFFFFB0] =	vst v15;
	v21 =	vld.idx.msk [tilespmem:v23+s15+$0x0], $0xffff  }
0x40e: {  	[tilespmem:s20+$0xFFFFFEC0] =	vst v19;
	v19 =	vld.idx.msk [tilespmem:v51+s15+$0x0], $0xffff  }
0x40f: {  	[tilespmem:s20+$0xFFFFFF40] =	vst v20;
	v20 =	vld.idx.msk [tilespmem:v52+s15+$0x0], $0xffff  }
0x410: {  	[tilespmem:s20+$0xFFFFFFC0] =	vst v17;
	v22 =	vld.idx.msk [tilespmem:v30+s15+$0x0], $0xffff  }
0x411: {  	[tilespmem:s20+$0xFFFFFED0] =	vst v16;
	v15 =	vld.idx.msk [tilespmem:v53+s15+$0x0], $0xffff  }
.Ltmp7:
0x412: {  	[tilespmem:s20+$0xFFFFFF50] =	vst v18;
	v16 =	vld.idx.msk [tilespmem:v54+s15+$0x0], $0xffff;
	(pc) =	sbr.rel @p1 .LBB2_10-.Ltmp7, $4  }
0x413: {  	[tilespmem:s20+$0xFFFFFFD0] =	vst v21;
	v17 =	vld.idx.msk [tilespmem:v31+s15+$0x0], $0xffff  }
0x414: {  	[tilespmem:s20+$0xFFFFFEE0] =	vst v19;
	v18 =	vld.idx.msk [tilespmem:v55+s15+$0x0], $0xffff  }
0x415: {  	[tilespmem:s20+$0xFFFFFF60] =	vst v20;
	v19 =	vld.idx.msk [tilespmem:v14+s15+$0x0], $0xffff  }
0x416: {  	s22 =	sadd.s32 $0x100, s22;
	v13 =	vld.idx.msk [tilespmem:v13+s15+$0x0], $0xffff;
	[tilespmem:s20+$0xFFFFFFE0] =	vst v22  }
.Ltmp8:
0x417: {  	_ = 	snop;
	(pc) =	sbr.rel .LBB2_11-.Ltmp8, $1  }
0x418: {  	_ =	sdelay $0x3  }
.LBB2_13:
0x419: {  	_ =	sfence.sel $0x180000  }
0x41a: {  	[bflag:$0x0] =	sbarrier.arrive $0xFFFF  }
0x41b: {  	p0 =	sne.s32 s0, $0x0;
	_ =	strace $0x90000047  }
0x41c: {  	s0 =	sadd.s32 @!p0 $0x100000, s1;
	[bflag:$0x2] =	sbarrier.arrive $0xFFFF  }
0x41d: {  	[sflag:s0] =	ssyncadd.tile.s32 @!p0 $0x1;
	_ =	shalt  }
.Lfunc_end2:
_tile_overlayer_lowered:
.L_overlay_start_2:
0x41e: {  	(tag) =	ssettag $0x2  }
0x41f: {  	s0 =	rddreg [dreg:$0x0];
	s2 =	stileid.u32  }
0x420: {  	s1 =	rddreg [dreg:$0x1];
	p0 =	sne.s32 s2, $0x0  }
0x421: {  	s3 =	rddreg [dreg:$0x2];
	[bflag:$0x3] =	sbarrier.arrive $0xFFFF;
	s2 =	simm.s32 @!p0 $0x1C01  }
0x422: {  	[timem:s3], [sflag:s2] =	dma.local @!p0 [hbm:s0], s1  }
0x423: {  	s0 =	simm.s32 @!p0 $0x1  }
0x424: {  	_ =	swait.ge @!p0 [sflag:s0], s1  }
0x425: {  	s1 =	ssub.s32 @!p0 $0x0, s1;
	[sflag:s0] =	ssyncset.done @!p0 $0x0  }
0x426: {  	[sflag:s0] =	ssyncadd.s32 @!p0 s1  }
0x427: {  	[bflag:$0x3] =	sbarrier.arrive $0xFFFF  }
0x428: {  	_ =	shalt  }

</sc_bundles>
